<compile_context>
chip_gen: v7x
topology: tpu7x:2x2x1
jax: 0.10.2.dev20260603
libtpu: 0.0.44.dev20260713+nightly
codegen_flags: <defaults>
</compile_context>

<pallas_src>
import functools

import jax
import jax.numpy as jnp
from jax import lax
from jax.experimental import pallas as pl
from jax.experimental.pallas import tpu as pltpu
from jax.experimental.pallas import tpu_sc as plsc

NUM_SEG = 10000
N_EDGES = 320000
D = 128

NC = 2
NS = 16
NW = NC * NS

EPW = N_EDGES // NW
B = 80
NB = EPW // B
SEG_CHUNKS = 5
CB = NB // SEG_CHUNKS
NBUF = 3


def _sc_body(feat_hbm, seg_hbm, zsum_hbm, zcnt_hbm, ones_hbm,
             psum_hbm, pcnt_hbm,
             seg_v, fbuf, ones_v, acc_sp, cnt_sp,
             l0, l1, l2, s0, s1, s2, csem):
    lsem = (l0, l1, l2)
    ssem = (s0, s1, s2)
    cid = lax.axis_index("c")
    sid = lax.axis_index("s")
    wid = cid * NS + sid
    base = wid * NB

    for k in range(NBUF):
        pltpu.async_copy(feat_hbm.at[base + k], fbuf.at[k], lsem[k])
    pltpu.sync_copy(ones_hbm, ones_v)
    pltpu.sync_copy(seg_hbm.at[wid, 0], seg_v)

    @pl.when(sid == 0)
    def _():
        pltpu.sync_copy(zsum_hbm, acc_sp)

    @pl.when(sid == 1)
    def _():
        pltpu.sync_copy(zcnt_hbm, cnt_sp)

    plsc.subcore_barrier()

    def _wait_load(jb, buf):
        pltpu.make_async_copy(feat_hbm.at[base + jb], fbuf.at[buf], lsem[buf]).wait()

    def _scatter(jb, lb, buf):
        pltpu.async_copy(fbuf.at[buf], acc_sp.at[seg_v.at[lb]], ssem[buf],
                         add=True)
        pltpu.async_copy(ones_v, cnt_sp.at[seg_v.at[lb]], csem, add=True)

    def _drain_scatter(buf, lb):
        pltpu.make_async_copy(fbuf.at[buf], acc_sp.at[seg_v.at[lb]],
                              ssem[buf]).wait()

    def _drain_counts():
        def _w(i, carry):
            pltpu.make_async_copy(ones_v, cnt_sp.at[seg_v.at[0]], csem).wait()
            return carry

        lax.fori_loop(0, CB, _w, 0)

    for c in range(SEG_CHUNKS):
        cbase = c * CB
        if c > 0:
            _drain_scatter((c - 1) % NBUF, CB - 1)
            _drain_counts()
            pltpu.sync_copy(seg_hbm.at[wid, c], seg_v)

        _wait_load(cbase, c % NBUF)
        _scatter(cbase, 0, c % NBUF)
        if c > 0:
            pltpu.async_copy(feat_hbm.at[base + cbase + 2],
                             fbuf.at[(c + 2) % NBUF], lsem[(c + 2) % NBUF])

        def _step(i, carry):
            j = 3 * i
            for u in range(3):
                p = j + 1 + u
                jb = cbase + p
                buf = (c + 1 + u) % NBUF
                _wait_load(jb, buf)
                _scatter(jb, p, buf)
                _drain_scatter((c + u) % NBUF, p - 1)

                @pl.when(jb + 2 < NB)
                def _():
                    pltpu.async_copy(feat_hbm.at[base + jb + 2],
                                     fbuf.at[(c + u) % NBUF],
                                     lsem[(c + u) % NBUF])

            return carry

        lax.fori_loop(0, (CB - 1) // 3, _step, 0)

    _drain_scatter((SEG_CHUNKS - 1 + CB - 1) % NBUF, CB - 1)
    _drain_counts()
    plsc.subcore_barrier()

    @pl.when(sid == 0)
    def _():
        pltpu.sync_copy(acc_sp, psum_hbm.at[cid])

    @pl.when(sid == 1)
    def _():
        pltpu.sync_copy(cnt_sp, pcnt_hbm.at[cid])


_sc_accumulate = functools.partial(
    pl.kernel,
    out_type=[
        jax.ShapeDtypeStruct((NC, NUM_SEG, D), jnp.float32),
        jax.ShapeDtypeStruct((NC, NUM_SEG), jnp.float32),
    ],
    mesh=plsc.VectorSubcoreMesh(core_axis_name="c", subcore_axis_name="s"),
    scratch_types=[
        pltpu.VMEM((CB, B), jnp.int32),
        pltpu.VMEM((NBUF, B, D), jnp.float32),
        pltpu.VMEM((B,), jnp.float32),
        pltpu.VMEM_SHARED((NUM_SEG, D), jnp.float32),
        pltpu.VMEM_SHARED((NUM_SEG,), jnp.float32),
        pltpu.SemaphoreType.DMA,
        pltpu.SemaphoreType.DMA,
        pltpu.SemaphoreType.DMA,
        pltpu.SemaphoreType.DMA,
        pltpu.SemaphoreType.DMA,
        pltpu.SemaphoreType.DMA,
        pltpu.SemaphoreType.DMA,
    ],
)(_sc_body)


RB = 1000


def _combine_body(ps_ref, pc_ref, o_ref):
    s = ps_ref[0] + ps_ref[1]
    c = pc_ref[0] + pc_ref[1]
    o_ref[...] = s / jnp.maximum(c, 1.0)


def _combine(psum, pcnt):
    return pl.pallas_call(
        _combine_body,
        grid=(NUM_SEG // RB,),
        in_specs=[
            pl.BlockSpec((NC, RB, D), lambda i: (0, i, 0)),
            pl.BlockSpec((NC, RB, 1), lambda i: (0, i, 0)),
        ],
        out_specs=pl.BlockSpec((RB, D), lambda i: (i, 0)),
        out_shape=jax.ShapeDtypeStruct((NUM_SEG, D), jnp.float32),
    )(psum, pcnt)


def kernel(features, segments):
    feat3 = features.reshape(NW * NB, B, D)
    seg4 = segments.reshape(NW, SEG_CHUNKS, CB, B)
    zsum = jnp.zeros((NUM_SEG, D), jnp.float32)
    zcnt = jnp.zeros((NUM_SEG,), jnp.float32)
    ones = jnp.ones((B,), jnp.float32)
    psum, pcnt = _sc_accumulate(feat3, seg4, zsum, zcnt, ones)
    return _combine(psum, pcnt[..., None])

# --- scband reference (transcript-rebuilt; emitter-appended) ---
"""Pipeline reference for scband-segmented-mean-87454124082154 (READ-ONLY COPY).

The authoritative reference and input builder live on the scoring server;
editing this copy changes nothing except your own understanding.
"""

import jax, jax.numpy as jnp
import numpy as np

NUM_SEGMENTS = 10000
N_EDGES = 320000
D_FEAT = 128


def setup_inputs(seed: int = 0) -> dict:
    key = jax.random.key(seed)
    k1, k2 = jax.random.split(key)
    features = jax.random.normal(k1, (N_EDGES, D_FEAT), dtype=jnp.float32)
    segments = jnp.sort(jax.random.randint(k2, (N_EDGES,), 0, NUM_SEGMENTS, dtype=jnp.int32))
    return {"features": features, "segments": segments}


def reference(features, segments):
    # tf.math.segment_mean: per-segment mean over sorted segment ids.
    seg_sum = jax.ops.segment_sum(features, segments, num_segments=NUM_SEGMENTS)
    counts = jax.ops.segment_sum(
        jnp.ones((features.shape[0],), dtype=features.dtype),
        segments,
        num_segments=NUM_SEGMENTS,
    )
    # Empty segments yield 0 (guard against divide-by-zero).
    return seg_sum / jnp.maximum(counts, 1.0)[:, None]

if __name__ == "__main__":
    import jax
    _d = setup_inputs()
    print(jax.jit(kernel)(*tuple(_d.values())))

</pallas_src>

<mosaic_0001>
#map = affine_map<(d0, d1) -> (0, 0, 0)>
#map1 = affine_map<(d0, d1) -> (0, 0, 0, 0)>
#map2 = affine_map<(d0, d1) -> (0, 0)>
#map3 = affine_map<(d0, d1) -> (0)>
module attributes {stable_mosaic.version = 14 : i64} {
  func.func @_sc_body(%arg0: i32, %arg1: i32, %arg2: memref<4000x80x128xf32, #tpu.memory_space<hbm>>, %arg3: memref<32x5x25x80xi32, #tpu.memory_space<hbm>>, %arg4: memref<10000x128xf32, #tpu.memory_space<hbm>>, %arg5: memref<10000xf32, #tpu.memory_space<hbm>>, %arg6: memref<80xf32, #tpu.memory_space<hbm>>, %arg7: memref<2x10000x128xf32, #tpu.memory_space<hbm>>, %arg8: memref<2x10000xf32, #tpu.memory_space<hbm>>, %arg9: memref<25x80xi32, #tpu.memory_space<vmem>>, %arg10: memref<3x80x128xf32, #tpu.memory_space<vmem>>, %arg11: memref<80xf32, #tpu.memory_space<vmem>>, %arg12: memref<10000x128xf32, #tpu.memory_space<vmem_shared>>, %arg13: memref<10000xf32, #tpu.memory_space<vmem_shared>>, %arg14: memref<!tpu.dma_semaphore, #tpu.memory_space<semaphore_mem>>, %arg15: memref<!tpu.dma_semaphore, #tpu.memory_space<semaphore_mem>>, %arg16: memref<!tpu.dma_semaphore, #tpu.memory_space<semaphore_mem>>, %arg17: memref<!tpu.dma_semaphore, #tpu.memory_space<semaphore_mem>>, %arg18: memref<!tpu.dma_semaphore, #tpu.memory_space<semaphore_mem>>, %arg19: memref<!tpu.dma_semaphore, #tpu.memory_space<semaphore_mem>>, %arg20: memref<!tpu.dma_semaphore, #tpu.memory_space<semaphore_mem>>) attributes {dimension_semantics = [#tpu.dimension_semantics<core_parallel>, #tpu.dimension_semantics<subcore_parallel>], iteration_bounds = array<i64: 2, 16>, scalar_prefetch = 0 : i64, scratch_operands = 12 : i64, tpu.core_type = #tpu.core_type<sc_vector_subcore>, window_params = [{transform_indices = #map}, {transform_indices = #map1}, {transform_indices = #map2}, {transform_indices = #map3}, {transform_indices = #map3}, {transform_indices = #map}, {transform_indices = #map2}]} {
    %mul3A = arith.constant 16 : i32
    %mul3A_0 = arith.muli %arg0, %mul3A : i32
    %add3A = arith.addi %mul3A_0, %arg1 : i32
    %mul3A_1 = arith.constant 125 : i32
    %mul3A_2 = arith.muli %add3A, %mul3A_1 : i32
    %add3A_3 = arith.constant 0 : i32
    %add3A_4 = arith.addi %mul3A_2, %add3A_3 : i32
    %dma_start3A = arith.constant 0 : i32
    %dma_start3A_5 = arith.constant 0 : i32
    %dma_start3A_6 = arith.constant 0 : i32
    %dma_start3A_7 = tpu.memref_slice %arg10[%dma_start3A, %dma_start3A_5, %dma_start3A_6] : memref<3x80x128xf32, #tpu.memory_space<vmem>> -> memref<1x80x128xf32, #tpu.memory_space<vmem>>
    %dma_start3A_8 = tpu.memref_squeeze %dma_start3A_7 : memref<1x80x128xf32, #tpu.memory_space<vmem>> -> memref<80x128xf32, #tpu.memory_space<vmem>>
    %dma_start3A_9 = arith.constant 0 : i32
    %dma_start3A_10 = arith.constant 0 : i32
    %dma_start3A_11 = tpu.memref_slice %arg2[%add3A_4, %dma_start3A_9, %dma_start3A_10] : memref<4000x80x128xf32, #tpu.memory_space<hbm>> -> memref<1x80x128xf32, #tpu.memory_space<hbm>>
    %dma_start3A_12 = tpu.memref_squeeze %dma_start3A_11 : memref<1x80x128xf32, #tpu.memory_space<hbm>> -> memref<80x128xf32, #tpu.memory_space<hbm>>
    %dma_start3A_13 = arith.constant 0 : i32
    %dma_start3A_14 = arith.constant 0 : i32
    %dma_start3A_15 = tpu.memref_slice %arg10[%dma_start3A, %dma_start3A_13, %dma_start3A_14] : memref<3x80x128xf32, #tpu.memory_space<vmem>> -> memref<1x80x128xf32, #tpu.memory_space<vmem>>
    %dma_start3A_16 = tpu.memref_squeeze %dma_start3A_15 : memref<1x80x128xf32, #tpu.memory_space<vmem>> -> memref<80x128xf32, #tpu.memory_space<vmem>>
    %dma_start3A_17 = arith.constant 0 : i32
    %dma_start3A_18 = arith.constant 0 : i32
    %dma_start3A_19 = tpu.memref_slice %arg2[%add3A_4, %dma_start3A_17, %dma_start3A_18] : memref<4000x80x128xf32, #tpu.memory_space<hbm>> -> memref<1x80x128xf32, #tpu.memory_space<hbm>>
    %dma_start3A_20 = tpu.memref_squeeze %dma_start3A_19 : memref<1x80x128xf32, #tpu.memory_space<hbm>> -> memref<80x128xf32, #tpu.memory_space<hbm>>
    tpu.enqueue_dma source(%dma_start3A_20 : memref<80x128xf32, #tpu.memory_space<hbm>>) target(%dma_start3A_16 : memref<80x128xf32, #tpu.memory_space<vmem>>) target_semaphore(%arg14 : memref<!tpu.dma_semaphore, #tpu.memory_space<semaphore_mem>>)
    %add3A_21 = arith.constant 1 : i32
    %add3A_22 = arith.addi %mul3A_2, %add3A_21 : i32
    %dma_start3A_23 = arith.constant 1 : i32
    %dma_start3A_24 = arith.constant 0 : i32
    %dma_start3A_25 = arith.constant 0 : i32
    %dma_start3A_26 = tpu.memref_slice %arg10[%dma_start3A_23, %dma_start3A_24, %dma_start3A_25] : memref<3x80x128xf32, #tpu.memory_space<vmem>> -> memref<1x80x128xf32, #tpu.memory_space<vmem>>
    %dma_start3A_27 = tpu.memref_squeeze %dma_start3A_26 : memref<1x80x128xf32, #tpu.memory_space<vmem>> -> memref<80x128xf32, #tpu.memory_space<vmem>>
    %dma_start3A_28 = arith.constant 0 : i32
    %dma_start3A_29 = arith.constant 0 : i32
    %dma_start3A_30 = tpu.memref_slice %arg2[%add3A_22, %dma_start3A_28, %dma_start3A_29] : memref<4000x80x128xf32, #tpu.memory_space<hbm>> -> memref<1x80x128xf32, #tpu.memory_space<hbm>>
    %dma_start3A_31 = tpu.memref_squeeze %dma_start3A_30 : memref<1x80x128xf32, #tpu.memory_space<hbm>> -> memref<80x128xf32, #tpu.memory_space<hbm>>
    %dma_start3A_32 = arith.constant 0 : i32
    %dma_start3A_33 = arith.constant 0 : i32
    %dma_start3A_34 = tpu.memref_slice %arg10[%dma_start3A_23, %dma_start3A_32, %dma_start3A_33] : memref<3x80x128xf32, #tpu.memory_space<vmem>> -> memref<1x80x128xf32, #tpu.memory_space<vmem>>
    %dma_start3A_35 = tpu.memref_squeeze %dma_start3A_34 : memref<1x80x128xf32, #tpu.memory_space<vmem>> -> memref<80x128xf32, #tpu.memory_space<vmem>>
    %dma_start3A_36 = arith.constant 0 : i32
    %dma_start3A_37 = arith.constant 0 : i32
    %dma_start3A_38 = tpu.memref_slice %arg2[%add3A_22, %dma_start3A_36, %dma_start3A_37] : memref<4000x80x128xf32, #tpu.memory_space<hbm>> -> memref<1x80x128xf32, #tpu.memory_space<hbm>>
    %dma_start3A_39 = tpu.memref_squeeze %dma_start3A_38 : memref<1x80x128xf32, #tpu.memory_space<hbm>> -> memref<80x128xf32, #tpu.memory_space<hbm>>
    tpu.enqueue_dma source(%dma_start3A_39 : memref<80x128xf32, #tpu.memory_space<hbm>>) target(%dma_start3A_35 : memref<80x128xf32, #tpu.memory_space<vmem>>) target_semaphore(%arg15 : memref<!tpu.dma_semaphore, #tpu.memory_space<semaphore_mem>>)
    %add3A_40 = arith.constant 2 : i32
    %add3A_41 = arith.addi %mul3A_2, %add3A_40 : i32
    %dma_start3A_42 = arith.constant 2 : i32
    %dma_start3A_43 = arith.constant 0 : i32
    %dma_start3A_44 = arith.constant 0 : i32
    %dma_start3A_45 = tpu.memref_slice %arg10[%dma_start3A_42, %dma_start3A_43, %dma_start3A_44] : memref<3x80x128xf32, #tpu.memory_space<vmem>> -> memref<1x80x128xf32, #tpu.memory_space<vmem>>
    %dma_start3A_46 = tpu.memref_squeeze %dma_start3A_45 : memref<1x80x128xf32, #tpu.memory_space<vmem>> -> memref<80x128xf32, #tpu.memory_space<vmem>>
    %dma_start3A_47 = arith.constant 0 : i32
    %dma_start3A_48 = arith.constant 0 : i32
    %dma_start3A_49 = tpu.memref_slice %arg2[%add3A_41, %dma_start3A_47, %dma_start3A_48] : memref<4000x80x128xf32, #tpu.memory_space<hbm>> -> memref<1x80x128xf32, #tpu.memory_space<hbm>>
    %dma_start3A_50 = tpu.memref_squeeze %dma_start3A_49 : memref<1x80x128xf32, #tpu.memory_space<hbm>> -> memref<80x128xf32, #tpu.memory_space<hbm>>
    %dma_start3A_51 = arith.constant 0 : i32
    %dma_start3A_52 = arith.constant 0 : i32
    %dma_start3A_53 = tpu.memref_slice %arg10[%dma_start3A_42, %dma_start3A_51, %dma_start3A_52] : memref<3x80x128xf32, #tpu.memory_space<vmem>> -> memref<1x80x128xf32, #tpu.memory_space<vmem>>
    %dma_start3A_54 = tpu.memref_squeeze %dma_start3A_53 : memref<1x80x128xf32, #tpu.memory_space<vmem>> -> memref<80x128xf32, #tpu.memory_space<vmem>>
    %dma_start3A_55 = arith.constant 0 : i32
    %dma_start3A_56 = arith.constant 0 : i32
    %dma_start3A_57 = tpu.memref_slice %arg2[%add3A_41, %dma_start3A_55, %dma_start3A_56] : memref<4000x80x128xf32, #tpu.memory_space<hbm>> -> memref<1x80x128xf32, #tpu.memory_space<hbm>>
    %dma_start3A_58 = tpu.memref_squeeze %dma_start3A_57 : memref<1x80x128xf32, #tpu.memory_space<hbm>> -> memref<80x128xf32, #tpu.memory_space<hbm>>
    tpu.enqueue_dma source(%dma_start3A_58 : memref<80x128xf32, #tpu.memory_space<hbm>>) target(%dma_start3A_54 : memref<80x128xf32, #tpu.memory_space<vmem>>) target_semaphore(%arg16 : memref<!tpu.dma_semaphore, #tpu.memory_space<semaphore_mem>>)
    "tpu.region"() ({
      %run_scoped3A_468 = tpu.sem_alloc : memref<!tpu.dma_semaphore, #tpu.memory_space<semaphore_mem>>
      tpu.enqueue_dma source(%arg6 : memref<80xf32, #tpu.memory_space<hbm>>) target(%arg11 : memref<80xf32, #tpu.memory_space<vmem>>) target_semaphore(%run_scoped3A_468 : memref<!tpu.dma_semaphore, #tpu.memory_space<semaphore_mem>>)
      tpu.wait_dma2 semaphore(%run_scoped3A_468 : memref<!tpu.dma_semaphore, #tpu.memory_space<semaphore_mem>>) src(%arg6 : memref<80xf32, #tpu.memory_space<hbm>>) dst(%arg11 : memref<80xf32, #tpu.memory_space<vmem>>)
      tpu.yield
    }) : () -> ()
    %run_scoped3A = arith.constant 0 : i32
    "tpu.region"() ({
      %run_scoped3A_468 = tpu.sem_alloc : memref<!tpu.dma_semaphore, #tpu.memory_space<semaphore_mem>>
      %dma_start3A_469 = arith.constant 0 : i32
      %dma_start3A_470 = arith.constant 0 : i32
      %dma_start3A_471 = tpu.memref_slice %arg3[%add3A, %run_scoped3A, %dma_start3A_469, %dma_start3A_470] : memref<32x5x25x80xi32, #tpu.memory_space<hbm>> -> memref<1x1x25x80xi32, #tpu.memory_space<hbm>>
      %dma_start3A_472 = tpu.memref_squeeze %dma_start3A_471 : memref<1x1x25x80xi32, #tpu.memory_space<hbm>> -> memref<25x80xi32, #tpu.memory_space<hbm>>
      %dma_start3A_473 = arith.constant 0 : i32
      %dma_start3A_474 = arith.constant 0 : i32
      %dma_start3A_475 = tpu.memref_slice %arg3[%add3A, %run_scoped3A, %dma_start3A_473, %dma_start3A_474] : memref<32x5x25x80xi32, #tpu.memory_space<hbm>> -> memref<1x1x25x80xi32, #tpu.memory_space<hbm>>
      %dma_start3A_476 = tpu.memref_squeeze %dma_start3A_475 : memref<1x1x25x80xi32, #tpu.memory_space<hbm>> -> memref<25x80xi32, #tpu.memory_space<hbm>>
      tpu.enqueue_dma source(%dma_start3A_476 : memref<25x80xi32, #tpu.memory_space<hbm>>) target(%arg9 : memref<25x80xi32, #tpu.memory_space<vmem>>) target_semaphore(%run_scoped3A_468 : memref<!tpu.dma_semaphore, #tpu.memory_space<semaphore_mem>>)
      %dma_wait3A_477 = arith.constant 0 : i32
      %dma_wait3A_478 = arith.constant 0 : i32
      %dma_wait3A_479 = tpu.memref_slice %arg3[%add3A, %run_scoped3A, %dma_wait3A_477, %dma_wait3A_478] : memref<32x5x25x80xi32, #tpu.memory_space<hbm>> -> memref<1x1x25x80xi32, #tpu.memory_space<hbm>>
      %dma_wait3A_480 = tpu.memref_squeeze %dma_wait3A_479 : memref<1x1x25x80xi32, #tpu.memory_space<hbm>> -> memref<25x80xi32, #tpu.memory_space<hbm>>
      %dma_wait3A_481 = arith.constant 0 : i32
      %dma_wait3A_482 = arith.constant 0 : i32
      %dma_wait3A_483 = tpu.memref_slice %arg3[%add3A, %run_scoped3A, %dma_wait3A_481, %dma_wait3A_482] : memref<32x5x25x80xi32, #tpu.memory_space<hbm>> -> memref<1x1x25x80xi32, #tpu.memory_space<hbm>>
      %dma_wait3A_484 = tpu.memref_squeeze %dma_wait3A_483 : memref<1x1x25x80xi32, #tpu.memory_space<hbm>> -> memref<25x80xi32, #tpu.memory_space<hbm>>
      tpu.wait_dma2 semaphore(%run_scoped3A_468 : memref<!tpu.dma_semaphore, #tpu.memory_space<semaphore_mem>>) src(%dma_wait3A_484 : memref<25x80xi32, #tpu.memory_space<hbm>>) dst(%arg9 : memref<25x80xi32, #tpu.memory_space<vmem>>)
      tpu.yield
    }) : () -> ()
    %eq3A = arith.constant 0 : i32
    %eq3A_59 = arith.cmpi eq, %arg1, %eq3A : i32
    %convert_element_type3A = arith.extui %eq3A_59 : i1 to i32
    %cond3A = arith.constant 0 : i32
    %cond3A_60 = arith.cmpi ne, %convert_element_type3A, %cond3A : i32
    scf.if %cond3A_60 {
      "tpu.region"() ({
        %run_scoped3A_468 = tpu.sem_alloc : memref<!tpu.dma_semaphore, #tpu.memory_space<semaphore_mem>>
        tpu.enqueue_dma source(%arg4 : memref<10000x128xf32, #tpu.memory_space<hbm>>) target(%arg12 : memref<10000x128xf32, #tpu.memory_space<vmem_shared>>) target_semaphore(%run_scoped3A_468 : memref<!tpu.dma_semaphore, #tpu.memory_space<semaphore_mem>>)
        tpu.wait_dma2 semaphore(%run_scoped3A_468 : memref<!tpu.dma_semaphore, #tpu.memory_space<semaphore_mem>>) src(%arg4 : memref<10000x128xf32, #tpu.memory_space<hbm>>) dst(%arg12 : memref<10000x128xf32, #tpu.memory_space<vmem_shared>>)
        tpu.yield
      }) : () -> ()
    } else {
    }
    %eq3A_61 = arith.constant 1 : i32
    %eq3A_62 = arith.cmpi eq, %arg1, %eq3A_61 : i32
    %convert_element_type3A_63 = arith.extui %eq3A_62 : i1 to i32
    %cond3A_64 = arith.constant 0 : i32
    %cond3A_65 = arith.cmpi ne, %convert_element_type3A_63, %cond3A_64 : i32
    scf.if %cond3A_65 {
      "tpu.region"() ({
        %run_scoped3A_468 = tpu.sem_alloc : memref<!tpu.dma_semaphore, #tpu.memory_space<semaphore_mem>>
        tpu.enqueue_dma source(%arg5 : memref<10000xf32, #tpu.memory_space<hbm>>) target(%arg13 : memref<10000xf32, #tpu.memory_space<vmem_shared>>) target_semaphore(%run_scoped3A_468 : memref<!tpu.dma_semaphore, #tpu.memory_space<semaphore_mem>>)
        tpu.wait_dma2 semaphore(%run_scoped3A_468 : memref<!tpu.dma_semaphore, #tpu.memory_space<semaphore_mem>>) src(%arg5 : memref<10000xf32, #tpu.memory_space<hbm>>) dst(%arg13 : memref<10000xf32, #tpu.memory_space<vmem_shared>>)
        tpu.yield
      }) : () -> ()
    } else {
    }
    %barrier3A = arith.constant 0 : index
    tpu.barrier barrier_id(%barrier3A)
    %add3A_66 = arith.constant 0 : i32
    %add3A_67 = arith.addi %mul3A_2, %add3A_66 : i32
    %dma_wait3A = arith.constant 0 : i32
    %dma_wait3A_68 = arith.constant 0 : i32
    %dma_wait3A_69 = arith.constant 0 : i32
    %dma_wait3A_70 = tpu.memref_slice %arg10[%dma_wait3A, %dma_wait3A_68, %dma_wait3A_69] : memref<3x80x128xf32, #tpu.memory_space<vmem>> -> memref<1x80x128xf32, #tpu.memory_space<vmem>>
    %dma_wait3A_71 = tpu.memref_squeeze %dma_wait3A_70 : memref<1x80x128xf32, #tpu.memory_space<vmem>> -> memref<80x128xf32, #tpu.memory_space<vmem>>
    %dma_wait3A_72 = arith.constant 0 : i32
    %dma_wait3A_73 = arith.constant 0 : i32
    %dma_wait3A_74 = tpu.memref_slice %arg2[%add3A_67, %dma_wait3A_72, %dma_wait3A_73] : memref<4000x80x128xf32, #tpu.memory_space<hbm>> -> memref<1x80x128xf32, #tpu.memory_space<hbm>>
    %dma_wait3A_75 = tpu.memref_squeeze %dma_wait3A_74 : memref<1x80x128xf32, #tpu.memory_space<hbm>> -> memref<80x128xf32, #tpu.memory_space<hbm>>
    %dma_wait3A_76 = arith.constant 0 : i32
    %dma_wait3A_77 = arith.constant 0 : i32
    %dma_wait3A_78 = tpu.memref_slice %arg10[%dma_wait3A, %dma_wait3A_76, %dma_wait3A_77] : memref<3x80x128xf32, #tpu.memory_space<vmem>> -> memref<1x80x128xf32, #tpu.memory_space<vmem>>
    %dma_wait3A_79 = tpu.memref_squeeze %dma_wait3A_78 : memref<1x80x128xf32, #tpu.memory_space<vmem>> -> memref<80x128xf32, #tpu.memory_space<vmem>>
    %dma_wait3A_80 = arith.constant 0 : i32
    %dma_wait3A_81 = arith.constant 0 : i32
    %dma_wait3A_82 = tpu.memref_slice %arg2[%add3A_67, %dma_wait3A_80, %dma_wait3A_81] : memref<4000x80x128xf32, #tpu.memory_space<hbm>> -> memref<1x80x128xf32, #tpu.memory_space<hbm>>
    %dma_wait3A_83 = tpu.memref_squeeze %dma_wait3A_82 : memref<1x80x128xf32, #tpu.memory_space<hbm>> -> memref<80x128xf32, #tpu.memory_space<hbm>>
    tpu.wait_dma2 semaphore(%arg14 : memref<!tpu.dma_semaphore, #tpu.memory_space<semaphore_mem>>) src(%dma_wait3A_83 : memref<80x128xf32, #tpu.memory_space<hbm>>) dst(%dma_wait3A_79 : memref<80x128xf32, #tpu.memory_space<vmem>>)
    %dma_start3A_84 = arith.constant 0 : i32
    %dma_start3A_85 = arith.constant 0 : i32
    %dma_start3A_86 = arith.constant 0 : i32
    %dma_start3A_87 = arith.constant 0 : i32
    %dma_start3A_88 = tpu.memref_slice %arg10[%dma_start3A_84, %dma_start3A_86, %dma_start3A_87] : memref<3x80x128xf32, #tpu.memory_space<vmem>> -> memref<1x80x128xf32, #tpu.memory_space<vmem>>
    %dma_start3A_89 = tpu.memref_squeeze %dma_start3A_88 : memref<1x80x128xf32, #tpu.memory_space<vmem>> -> memref<80x128xf32, #tpu.memory_space<vmem>>
    %dma_start3A_90 = arith.constant 0 : i32
    %dma_start3A_91 = tpu.memref_slice %arg9[%dma_start3A_85, %dma_start3A_90] : memref<25x80xi32, #tpu.memory_space<vmem>> -> memref<1x80xi32, #tpu.memory_space<vmem>>
    %dma_start3A_92 = tpu.memref_squeeze %dma_start3A_91 : memref<1x80xi32, #tpu.memory_space<vmem>> -> memref<80xi32, #tpu.memory_space<vmem>>
    %dma_start3A_93 = arith.constant 0 : i32
    %dma_start3A_94 = arith.constant 0 : i32
    %dma_start3A_95 = tpu.memref_slice %arg12[%dma_start3A_93, %dma_start3A_94] : memref<10000x128xf32, #tpu.memory_space<vmem_shared>> -> memref<10000x128xf32, #tpu.memory_space<vmem_shared>>
    tpu.enqueue_indirect_dma source(%dma_start3A_89 : memref<80x128xf32, #tpu.memory_space<vmem>>) target(%dma_start3A_95 : memref<10000x128xf32, #tpu.memory_space<vmem_shared>>) offsets(%dma_start3A_92 : memref<80xi32, #tpu.memory_space<vmem>>) semaphore(%arg17 : memref<!tpu.dma_semaphore, #tpu.memory_space<semaphore_mem>>) {add = true}
    %dma_start3A_96 = arith.constant 0 : i32
    %dma_start3A_97 = arith.constant 0 : i32
    %dma_start3A_98 = tpu.memref_slice %arg9[%dma_start3A_96, %dma_start3A_97] : memref<25x80xi32, #tpu.memory_space<vmem>> -> memref<1x80xi32, #tpu.memory_space<vmem>>
    %dma_start3A_99 = tpu.memref_squeeze %dma_start3A_98 : memref<1x80xi32, #tpu.memory_space<vmem>> -> memref<80xi32, #tpu.memory_space<vmem>>
    %dma_start3A_100 = arith.constant 0 : i32
    %dma_start3A_101 = tpu.memref_slice %arg13[%dma_start3A_100] : memref<10000xf32, #tpu.memory_space<vmem_shared>> -> memref<10000xf32, #tpu.memory_space<vmem_shared>>
    tpu.enqueue_indirect_dma source(%arg11 : memref<80xf32, #tpu.memory_space<vmem>>) target(%dma_start3A_101 : memref<10000xf32, #tpu.memory_space<vmem_shared>>) offsets(%dma_start3A_99 : memref<80xi32, #tpu.memory_space<vmem>>) semaphore(%arg20 : memref<!tpu.dma_semaphore, #tpu.memory_space<semaphore_mem>>) {add = true}
    %scan3A = arith.constant 0 : i32
    %scan3A_102 = arith.constant 0 : i32
    %scan3A_103 = arith.constant 8 : i32
    %scan3A_104 = arith.addi %scan3A_102, %scan3A_103 : i32
    %scan3A_105 = arith.constant 1 : i32
    scf.for %scan3A_468 = %scan3A_102 to %scan3A_104 step %scan3A_105  : i32 {
      %mul3A_469 = arith.constant 3 : i32
      %mul3A_470 = arith.muli %mul3A_469, %scan3A_468 : i32
      %add3A_471 = arith.constant 1 : i32
      %add3A_472 = arith.addi %mul3A_470, %add3A_471 : i32
      %add3A_473 = arith.constant 0 : i32
      %add3A_474 = arith.addi %add3A_472, %add3A_473 : i32
      %add3A_475 = arith.constant 0 : i32
      %add3A_476 = arith.addi %add3A_475, %add3A_474 : i32
      %add3A_477 = arith.addi %mul3A_2, %add3A_476 : i32
      %dma_wait3A_478 = arith.constant 1 : i32
      %dma_wait3A_479 = arith.constant 0 : i32
      %dma_wait3A_480 = arith.constant 0 : i32
      %dma_wait3A_481 = tpu.memref_slice %arg10[%dma_wait3A_478, %dma_wait3A_479, %dma_wait3A_480] : memref<3x80x128xf32, #tpu.memory_space<vmem>> -> memref<1x80x128xf32, #tpu.memory_space<vmem>>
      %dma_wait3A_482 = tpu.memref_squeeze %dma_wait3A_481 : memref<1x80x128xf32, #tpu.memory_space<vmem>> -> memref<80x128xf32, #tpu.memory_space<vmem>>
      %dma_wait3A_483 = arith.constant 0 : i32
      %dma_wait3A_484 = arith.constant 0 : i32
      %dma_wait3A_485 = tpu.memref_slice %arg2[%add3A_477, %dma_wait3A_483, %dma_wait3A_484] : memref<4000x80x128xf32, #tpu.memory_space<hbm>> -> memref<1x80x128xf32, #tpu.memory_space<hbm>>
      %dma_wait3A_486 = tpu.memref_squeeze %dma_wait3A_485 : memref<1x80x128xf32, #tpu.memory_space<hbm>> -> memref<80x128xf32, #tpu.memory_space<hbm>>
      %dma_wait3A_487 = arith.constant 0 : i32
      %dma_wait3A_488 = arith.constant 0 : i32
      %dma_wait3A_489 = tpu.memref_slice %arg10[%dma_wait3A_478, %dma_wait3A_487, %dma_wait3A_488] : memref<3x80x128xf32, #tpu.memory_space<vmem>> -> memref<1x80x128xf32, #tpu.memory_space<vmem>>
      %dma_wait3A_490 = tpu.memref_squeeze %dma_wait3A_489 : memref<1x80x128xf32, #tpu.memory_space<vmem>> -> memref<80x128xf32, #tpu.memory_space<vmem>>
      %dma_wait3A_491 = arith.constant 0 : i32
      %dma_wait3A_492 = arith.constant 0 : i32
      %dma_wait3A_493 = tpu.memref_slice %arg2[%add3A_477, %dma_wait3A_491, %dma_wait3A_492] : memref<4000x80x128xf32, #tpu.memory_space<hbm>> -> memref<1x80x128xf32, #tpu.memory_space<hbm>>
      %dma_wait3A_494 = tpu.memref_squeeze %dma_wait3A_493 : memref<1x80x128xf32, #tpu.memory_space<hbm>> -> memref<80x128xf32, #tpu.memory_space<hbm>>
      tpu.wait_dma2 semaphore(%arg15 : memref<!tpu.dma_semaphore, #tpu.memory_space<semaphore_mem>>) src(%dma_wait3A_494 : memref<80x128xf32, #tpu.memory_space<hbm>>) dst(%dma_wait3A_490 : memref<80x128xf32, #tpu.memory_space<vmem>>)
      %dma_start3A_495 = arith.constant 1 : i32
      %dma_start3A_496 = arith.constant 0 : i32
      %dma_start3A_497 = arith.constant 0 : i32
      %dma_start3A_498 = tpu.memref_slice %arg10[%dma_start3A_495, %dma_start3A_496, %dma_start3A_497] : memref<3x80x128xf32, #tpu.memory_space<vmem>> -> memref<1x80x128xf32, #tpu.memory_space<vmem>>
      %dma_start3A_499 = tpu.memref_squeeze %dma_start3A_498 : memref<1x80x128xf32, #tpu.memory_space<vmem>> -> memref<80x128xf32, #tpu.memory_space<vmem>>
      %dma_start3A_500 = arith.constant 0 : i32
      %dma_start3A_501 = tpu.memref_slice %arg9[%add3A_474, %dma_start3A_500] : memref<25x80xi32, #tpu.memory_space<vmem>> -> memref<1x80xi32, #tpu.memory_space<vmem>>
      %dma_start3A_502 = tpu.memref_squeeze %dma_start3A_501 : memref<1x80xi32, #tpu.memory_space<vmem>> -> memref<80xi32, #tpu.memory_space<vmem>>
      %dma_start3A_503 = arith.constant 0 : i32
      %dma_start3A_504 = arith.constant 0 : i32
      %dma_start3A_505 = tpu.memref_slice %arg12[%dma_start3A_503, %dma_start3A_504] : memref<10000x128xf32, #tpu.memory_space<vmem_shared>> -> memref<10000x128xf32, #tpu.memory_space<vmem_shared>>
      tpu.enqueue_indirect_dma source(%dma_start3A_499 : memref<80x128xf32, #tpu.memory_space<vmem>>) target(%dma_start3A_505 : memref<10000x128xf32, #tpu.memory_space<vmem_shared>>) offsets(%dma_start3A_502 : memref<80xi32, #tpu.memory_space<vmem>>) semaphore(%arg18 : memref<!tpu.dma_semaphore, #tpu.memory_space<semaphore_mem>>) {add = true}
      %dma_start3A_506 = arith.constant 0 : i32
      %dma_start3A_507 = tpu.memref_slice %arg9[%add3A_474, %dma_start3A_506] : memref<25x80xi32, #tpu.memory_space<vmem>> -> memref<1x80xi32, #tpu.memory_space<vmem>>
      %dma_start3A_508 = tpu.memref_squeeze %dma_start3A_507 : memref<1x80xi32, #tpu.memory_space<vmem>> -> memref<80xi32, #tpu.memory_space<vmem>>
      %dma_start3A_509 = arith.constant 0 : i32
      %dma_start3A_510 = tpu.memref_slice %arg13[%dma_start3A_509] : memref<10000xf32, #tpu.memory_space<vmem_shared>> -> memref<10000xf32, #tpu.memory_space<vmem_shared>>
      tpu.enqueue_indirect_dma source(%arg11 : memref<80xf32, #tpu.memory_space<vmem>>) target(%dma_start3A_510 : memref<10000xf32, #tpu.memory_space<vmem_shared>>) offsets(%dma_start3A_508 : memref<80xi32, #tpu.memory_space<vmem>>) semaphore(%arg20 : memref<!tpu.dma_semaphore, #tpu.memory_space<semaphore_mem>>) {add = true}
      %sub3A = arith.constant 1 : i32
      %sub3A_511 = arith.subi %add3A_474, %sub3A : i32
      %dma_wait3A_512 = arith.constant 0 : i32
      %dma_wait3A_513 = arith.constant 0 : i32
      %dma_wait3A_514 = arith.constant 0 : i32
      %dma_wait3A_515 = tpu.memref_slice %arg10[%dma_wait3A_512, %dma_wait3A_513, %dma_wait3A_514] : memref<3x80x128xf32, #tpu.memory_space<vmem>> -> memref<1x80x128xf32, #tpu.memory_space<vmem>>
      %dma_wait3A_516 = tpu.memref_squeeze %dma_wait3A_515 : memref<1x80x128xf32, #tpu.memory_space<vmem>> -> memref<80x128xf32, #tpu.memory_space<vmem>>
      %dma_wait3A_517 = arith.constant 0 : i32
      %dma_wait3A_518 = tpu.memref_slice %arg9[%sub3A_511, %dma_wait3A_517] : memref<25x80xi32, #tpu.memory_space<vmem>> -> memref<1x80xi32, #tpu.memory_space<vmem>>
      %dma_wait3A_519 = tpu.memref_squeeze %dma_wait3A_518 : memref<1x80xi32, #tpu.memory_space<vmem>> -> memref<80xi32, #tpu.memory_space<vmem>>
      %dma_wait3A_520 = arith.constant 0 : i32
      %dma_wait3A_521 = arith.constant 0 : i32
      %dma_wait3A_522 = tpu.memref_slice %arg12[%dma_wait3A_520, %dma_wait3A_521] : memref<10000x128xf32, #tpu.memory_space<vmem_shared>> -> memref<10000x128xf32, #tpu.memory_space<vmem_shared>>
      tpu.wait_indirect_dma semaphore(%arg17 : memref<!tpu.dma_semaphore, #tpu.memory_space<semaphore_mem>>) src(%dma_wait3A_516 : memref<80x128xf32, #tpu.memory_space<vmem>>) dst(%dma_wait3A_522 : memref<10000x128xf32, #tpu.memory_space<vmem_shared>>)
      %add3A_523 = arith.constant 2 : i32
      %add3A_524 = arith.addi %add3A_476, %add3A_523 : i32
      %lt3A = arith.constant 125 : i32
      %lt3A_525 = arith.cmpi slt, %add3A_524, %lt3A : i32
      %convert_element_type3A_526 = arith.extui %lt3A_525 : i1 to i32
      %cond3A_527 = arith.constant 0 : i32
      %cond3A_528 = arith.cmpi ne, %convert_element_type3A_526, %cond3A_527 : i32
      scf.if %cond3A_528 {
        %add3A_649 = arith.addi %mul3A_2, %add3A_476 : i32
        %add3A_650 = arith.constant 2 : i32
        %add3A_651 = arith.addi %add3A_649, %add3A_650 : i32
        %dma_start3A_652 = arith.constant 0 : i32
        %dma_start3A_653 = arith.constant 0 : i32
        %dma_start3A_654 = arith.constant 0 : i32
        %dma_start3A_655 = tpu.memref_slice %arg10[%dma_start3A_652, %dma_start3A_653, %dma_start3A_654] : memref<3x80x128xf32, #tpu.memory_space<vmem>> -> memref<1x80x128xf32, #tpu.memory_space<vmem>>
        %dma_start3A_656 = tpu.memref_squeeze %dma_start3A_655 : memref<1x80x128xf32, #tpu.memory_space<vmem>> -> memref<80x128xf32, #tpu.memory_space<vmem>>
        %dma_start3A_657 = arith.constant 0 : i32
        %dma_start3A_658 = arith.constant 0 : i32
        %dma_start3A_659 = tpu.memref_slice %arg2[%add3A_651, %dma_start3A_657, %dma_start3A_658] : memref<4000x80x128xf32, #tpu.memory_space<hbm>> -> memref<1x80x128xf32, #tpu.memory_space<hbm>>
        %dma_start3A_660 = tpu.memref_squeeze %dma_start3A_659 : memref<1x80x128xf32, #tpu.memory_space<hbm>> -> memref<80x128xf32, #tpu.memory_space<hbm>>
        %dma_start3A_661 = arith.constant 0 : i32
        %dma_start3A_662 = arith.constant 0 : i32
        %dma_start3A_663 = tpu.memref_slice %arg10[%dma_start3A_652, %dma_start3A_661, %dma_start3A_662] : memref<3x80x128xf32, #tpu.memory_space<vmem>> -> memref<1x80x128xf32, #tpu.memory_space<vmem>>
        %dma_start3A_664 = tpu.memref_squeeze %dma_start3A_663 : memref<1x80x128xf32, #tpu.memory_space<vmem>> -> memref<80x128xf32, #tpu.memory_space<vmem>>
        %dma_start3A_665 = arith.constant 0 : i32
        %dma_start3A_666 = arith.constant 0 : i32
        %dma_start3A_667 = tpu.memref_slice %arg2[%add3A_651, %dma_start3A_665, %dma_start3A_666] : memref<4000x80x128xf32, #tpu.memory_space<hbm>> -> memref<1x80x128xf32, #tpu.memory_space<hbm>>
        %dma_start3A_668 = tpu.memref_squeeze %dma_start3A_667 : memref<1x80x128xf32, #tpu.memory_space<hbm>> -> memref<80x128xf32, #tpu.memory_space<hbm>>
        tpu.enqueue_dma source(%dma_start3A_668 : memref<80x128xf32, #tpu.memory_space<hbm>>) target(%dma_start3A_664 : memref<80x128xf32, #tpu.memory_space<vmem>>) target_semaphore(%arg14 : memref<!tpu.dma_semaphore, #tpu.memory_space<semaphore_mem>>)
      } else {
      }
      %add3A_529 = arith.constant 1 : i32
      %add3A_530 = arith.addi %mul3A_470, %add3A_529 : i32
      %add3A_531 = arith.constant 1 : i32
      %add3A_532 = arith.addi %add3A_530, %add3A_531 : i32
      %add3A_533 = arith.constant 0 : i32
      %add3A_534 = arith.addi %add3A_533, %add3A_532 : i32
      %add3A_535 = arith.addi %mul3A_2, %add3A_534 : i32
      %dma_wait3A_536 = arith.constant 2 : i32
      %dma_wait3A_537 = arith.constant 0 : i32
      %dma_wait3A_538 = arith.constant 0 : i32
      %dma_wait3A_539 = tpu.memref_slice %arg10[%dma_wait3A_536, %dma_wait3A_537, %dma_wait3A_538] : memref<3x80x128xf32, #tpu.memory_space<vmem>> -> memref<1x80x128xf32, #tpu.memory_space<vmem>>
      %dma_wait3A_540 = tpu.memref_squeeze %dma_wait3A_539 : memref<1x80x128xf32, #tpu.memory_space<vmem>> -> memref<80x128xf32, #tpu.memory_space<vmem>>
      %dma_wait3A_541 = arith.constant 0 : i32
      %dma_wait3A_542 = arith.constant 0 : i32
      %dma_wait3A_543 = tpu.memref_slice %arg2[%add3A_535, %dma_wait3A_541, %dma_wait3A_542] : memref<4000x80x128xf32, #tpu.memory_space<hbm>> -> memref<1x80x128xf32, #tpu.memory_space<hbm>>
      %dma_wait3A_544 = tpu.memref_squeeze %dma_wait3A_543 : memref<1x80x128xf32, #tpu.memory_space<hbm>> -> memref<80x128xf32, #tpu.memory_space<hbm>>
      %dma_wait3A_545 = arith.constant 0 : i32
      %dma_wait3A_546 = arith.constant 0 : i32
      %dma_wait3A_547 = tpu.memref_slice %arg10[%dma_wait3A_536, %dma_wait3A_545, %dma_wait3A_546] : memref<3x80x128xf32, #tpu.memory_space<vmem>> -> memref<1x80x128xf32, #tpu.memory_space<vmem>>
      %dma_wait3A_548 = tpu.memref_squeeze %dma_wait3A_547 : memref<1x80x128xf32, #tpu.memory_space<vmem>> -> memref<80x128xf32, #tpu.memory_space<vmem>>
      %dma_wait3A_549 = arith.constant 0 : i32
      %dma_wait3A_550 = arith.constant 0 : i32
      %dma_wait3A_551 = tpu.memref_slice %arg2[%add3A_535, %dma_wait3A_549, %dma_wait3A_550] : memref<4000x80x128xf32, #tpu.memory_space<hbm>> -> memref<1x80x128xf32, #tpu.memory_space<hbm>>
      %dma_wait3A_552 = tpu.memref_squeeze %dma_wait3A_551 : memref<1x80x128xf32, #tpu.memory_space<hbm>> -> memref<80x128xf32, #tpu.memory_space<hbm>>
      tpu.wait_dma2 semaphore(%arg16 : memref<!tpu.dma_semaphore, #tpu.memory_space<semaphore_mem>>) src(%dma_wait3A_552 : memref<80x128xf32, #tpu.memory_space<hbm>>) dst(%dma_wait3A_548 : memref<80x128xf32, #tpu.memory_space<vmem>>)
      %dma_start3A_553 = arith.constant 2 : i32
      %dma_start3A_554 = arith.constant 0 : i32
      %dma_start3A_555 = arith.constant 0 : i32
      %dma_start3A_556 = tpu.memref_slice %arg10[%dma_start3A_553, %dma_start3A_554, %dma_start3A_555] : memref<3x80x128xf32, #tpu.memory_space<vmem>> -> memref<1x80x128xf32, #tpu.memory_space<vmem>>
      %dma_start3A_557 = tpu.memref_squeeze %dma_start3A_556 : memref<1x80x128xf32, #tpu.memory_space<vmem>> -> memref<80x128xf32, #tpu.memory_space<vmem>>
      %dma_start3A_558 = arith.constant 0 : i32
      %dma_start3A_559 = tpu.memref_slice %arg9[%add3A_532, %dma_start3A_558] : memref<25x80xi32, #tpu.memory_space<vmem>> -> memref<1x80xi32, #tpu.memory_space<vmem>>
      %dma_start3A_560 = tpu.memref_squeeze %dma_start3A_559 : memref<1x80xi32, #tpu.memory_space<vmem>> -> memref<80xi32, #tpu.memory_space<vmem>>
      %dma_start3A_561 = arith.constant 0 : i32
      %dma_start3A_562 = arith.constant 0 : i32
      %dma_start3A_563 = tpu.memref_slice %arg12[%dma_start3A_561, %dma_start3A_562] : memref<10000x128xf32, #tpu.memory_space<vmem_shared>> -> memref<10000x128xf32, #tpu.memory_space<vmem_shared>>
      tpu.enqueue_indirect_dma source(%dma_start3A_557 : memref<80x128xf32, #tpu.memory_space<vmem>>) target(%dma_start3A_563 : memref<10000x128xf32, #tpu.memory_space<vmem_shared>>) offsets(%dma_start3A_560 : memref<80xi32, #tpu.memory_space<vmem>>) semaphore(%arg19 : memref<!tpu.dma_semaphore, #tpu.memory_space<semaphore_mem>>) {add = true}
      %dma_start3A_564 = arith.constant 0 : i32
      %dma_start3A_565 = tpu.memref_slice %arg9[%add3A_532, %dma_start3A_564] : memref<25x80xi32, #tpu.memory_space<vmem>> -> memref<1x80xi32, #tpu.memory_space<vmem>>
      %dma_start3A_566 = tpu.memref_squeeze %dma_start3A_565 : memref<1x80xi32, #tpu.memory_space<vmem>> -> memref<80xi32, #tpu.memory_space<vmem>>
      %dma_start3A_567 = arith.constant 0 : i32
      %dma_start3A_568 = tpu.memref_slice %arg13[%dma_start3A_567] : memref<10000xf32, #tpu.memory_space<vmem_shared>> -> memref<10000xf32, #tpu.memory_space<vmem_shared>>
      tpu.enqueue_indirect_dma source(%arg11 : memref<80xf32, #tpu.memory_space<vmem>>) target(%dma_start3A_568 : memref<10000xf32, #tpu.memory_space<vmem_shared>>) offsets(%dma_start3A_566 : memref<80xi32, #tpu.memory_space<vmem>>) semaphore(%arg20 : memref<!tpu.dma_semaphore, #tpu.memory_space<semaphore_mem>>) {add = true}
      %sub3A_569 = arith.constant 1 : i32
      %sub3A_570 = arith.subi %add3A_532, %sub3A_569 : i32
      %dma_wait3A_571 = arith.constant 1 : i32
      %dma_wait3A_572 = arith.constant 0 : i32
      %dma_wait3A_573 = arith.constant 0 : i32
      %dma_wait3A_574 = tpu.memref_slice %arg10[%dma_wait3A_571, %dma_wait3A_572, %dma_wait3A_573] : memref<3x80x128xf32, #tpu.memory_space<vmem>> -> memref<1x80x128xf32, #tpu.memory_space<vmem>>
      %dma_wait3A_575 = tpu.memref_squeeze %dma_wait3A_574 : memref<1x80x128xf32, #tpu.memory_space<vmem>> -> memref<80x128xf32, #tpu.memory_space<vmem>>
      %dma_wait3A_576 = arith.constant 0 : i32
      %dma_wait3A_577 = tpu.memref_slice %arg9[%sub3A_570, %dma_wait3A_576] : memref<25x80xi32, #tpu.memory_space<vmem>> -> memref<1x80xi32, #tpu.memory_space<vmem>>
      %dma_wait3A_578 = tpu.memref_squeeze %dma_wait3A_577 : memref<1x80xi32, #tpu.memory_space<vmem>> -> memref<80xi32, #tpu.memory_space<vmem>>
      %dma_wait3A_579 = arith.constant 0 : i32
      %dma_wait3A_580 = arith.constant 0 : i32
      %dma_wait3A_581 = tpu.memref_slice %arg12[%dma_wait3A_579, %dma_wait3A_580] : memref<10000x128xf32, #tpu.memory_space<vmem_shared>> -> memref<10000x128xf32, #tpu.memory_space<vmem_shared>>
      tpu.wait_indirect_dma semaphore(%arg18 : memref<!tpu.dma_semaphore, #tpu.memory_space<semaphore_mem>>) src(%dma_wait3A_575 : memref<80x128xf32, #tpu.memory_space<vmem>>) dst(%dma_wait3A_581 : memref<10000x128xf32, #tpu.memory_space<vmem_shared>>)
      %add3A_582 = arith.constant 2 : i32
      %add3A_583 = arith.addi %add3A_534, %add3A_582 : i32
      %lt3A_584 = arith.constant 125 : i32
      %lt3A_585 = arith.cmpi slt, %add3A_583, %lt3A_584 : i32
      %convert_element_type3A_586 = arith.extui %lt3A_585 : i1 to i32
      %cond3A_587 = arith.constant 0 : i32
      %cond3A_588 = arith.cmpi ne, %convert_element_type3A_586, %cond3A_587 : i32
      scf.if %cond3A_588 {
        %add3A_649 = arith.addi %mul3A_2, %add3A_534 : i32
        %add3A_650 = arith.constant 2 : i32
        %add3A_651 = arith.addi %add3A_649, %add3A_650 : i32
        %dma_start3A_652 = arith.constant 1 : i32
        %dma_start3A_653 = arith.constant 0 : i32
        %dma_start3A_654 = arith.constant 0 : i32
        %dma_start3A_655 = tpu.memref_slice %arg10[%dma_start3A_652, %dma_start3A_653, %dma_start3A_654] : memref<3x80x128xf32, #tpu.memory_space<vmem>> -> memref<1x80x128xf32, #tpu.memory_space<vmem>>
        %dma_start3A_656 = tpu.memref_squeeze %dma_start3A_655 : memref<1x80x128xf32, #tpu.memory_space<vmem>> -> memref<80x128xf32, #tpu.memory_space<vmem>>
        %dma_start3A_657 = arith.constant 0 : i32
        %dma_start3A_658 = arith.constant 0 : i32
        %dma_start3A_659 = tpu.memref_slice %arg2[%add3A_651, %dma_start3A_657, %dma_start3A_658] : memref<4000x80x128xf32, #tpu.memory_space<hbm>> -> memref<1x80x128xf32, #tpu.memory_space<hbm>>
        %dma_start3A_660 = tpu.memref_squeeze %dma_start3A_659 : memref<1x80x128xf32, #tpu.memory_space<hbm>> -> memref<80x128xf32, #tpu.memory_space<hbm>>
        %dma_start3A_661 = arith.constant 0 : i32
        %dma_start3A_662 = arith.constant 0 : i32
        %dma_start3A_663 = tpu.memref_slice %arg10[%dma_start3A_652, %dma_start3A_661, %dma_start3A_662] : memref<3x80x128xf32, #tpu.memory_space<vmem>> -> memref<1x80x128xf32, #tpu.memory_space<vmem>>
        %dma_start3A_664 = tpu.memref_squeeze %dma_start3A_663 : memref<1x80x128xf32, #tpu.memory_space<vmem>> -> memref<80x128xf32, #tpu.memory_space<vmem>>
        %dma_start3A_665 = arith.constant 0 : i32
        %dma_start3A_666 = arith.constant 0 : i32
        %dma_start3A_667 = tpu.memref_slice %arg2[%add3A_651, %dma_start3A_665, %dma_start3A_666] : memref<4000x80x128xf32, #tpu.memory_space<hbm>> -> memref<1x80x128xf32, #tpu.memory_space<hbm>>
        %dma_start3A_668 = tpu.memref_squeeze %dma_start3A_667 : memref<1x80x128xf32, #tpu.memory_space<hbm>> -> memref<80x128xf32, #tpu.memory_space<hbm>>
        tpu.enqueue_dma source(%dma_start3A_668 : memref<80x128xf32, #tpu.memory_space<hbm>>) target(%dma_start3A_664 : memref<80x128xf32, #tpu.memory_space<vmem>>) target_semaphore(%arg15 : memref<!tpu.dma_semaphore, #tpu.memory_space<semaphore_mem>>)
      } else {
      }
      %add3A_589 = arith.constant 1 : i32
      %add3A_590 = arith.addi %mul3A_470, %add3A_589 : i32
      %add3A_591 = arith.constant 2 : i32
      %add3A_592 = arith.addi %add3A_590, %add3A_591 : i32
      %add3A_593 = arith.constant 0 : i32
      %add3A_594 = arith.addi %add3A_593, %add3A_592 : i32
      %add3A_595 = arith.addi %mul3A_2, %add3A_594 : i32
      %dma_wait3A_596 = arith.constant 0 : i32
      %dma_wait3A_597 = arith.constant 0 : i32
      %dma_wait3A_598 = arith.constant 0 : i32
      %dma_wait3A_599 = tpu.memref_slice %arg10[%dma_wait3A_596, %dma_wait3A_597, %dma_wait3A_598] : memref<3x80x128xf32, #tpu.memory_space<vmem>> -> memref<1x80x128xf32, #tpu.memory_space<vmem>>
      %dma_wait3A_600 = tpu.memref_squeeze %dma_wait3A_599 : memref<1x80x128xf32, #tpu.memory_space<vmem>> -> memref<80x128xf32, #tpu.memory_space<vmem>>
      %dma_wait3A_601 = arith.constant 0 : i32
      %dma_wait3A_602 = arith.constant 0 : i32
      %dma_wait3A_603 = tpu.memref_slice %arg2[%add3A_595, %dma_wait3A_601, %dma_wait3A_602] : memref<4000x80x128xf32, #tpu.memory_space<hbm>> -> memref<1x80x128xf32, #tpu.memory_space<hbm>>
      %dma_wait3A_604 = tpu.memref_squeeze %dma_wait3A_603 : memref<1x80x128xf32, #tpu.memory_space<hbm>> -> memref<80x128xf32, #tpu.memory_space<hbm>>
      %dma_wait3A_605 = arith.constant 0 : i32
      %dma_wait3A_606 = arith.constant 0 : i32
      %dma_wait3A_607 = tpu.memref_slice %arg10[%dma_wait3A_596, %dma_wait3A_605, %dma_wait3A_606] : memref<3x80x128xf32, #tpu.memory_space<vmem>> -> memref<1x80x128xf32, #tpu.memory_space<vmem>>
      %dma_wait3A_608 = tpu.memref_squeeze %dma_wait3A_607 : memref<1x80x128xf32, #tpu.memory_space<vmem>> -> memref<80x128xf32, #tpu.memory_space<vmem>>
      %dma_wait3A_609 = arith.constant 0 : i32
      %dma_wait3A_610 = arith.constant 0 : i32
      %dma_wait3A_611 = tpu.memref_slice %arg2[%add3A_595, %dma_wait3A_609, %dma_wait3A_610] : memref<4000x80x128xf32, #tpu.memory_space<hbm>> -> memref<1x80x128xf32, #tpu.memory_space<hbm>>
      %dma_wait3A_612 = tpu.memref_squeeze %dma_wait3A_611 : memref<1x80x128xf32, #tpu.memory_space<hbm>> -> memref<80x128xf32, #tpu.memory_space<hbm>>
      tpu.wait_dma2 semaphore(%arg14 : memref<!tpu.dma_semaphore, #tpu.memory_space<semaphore_mem>>) src(%dma_wait3A_612 : memref<80x128xf32, #tpu.memory_space<hbm>>) dst(%dma_wait3A_608 : memref<80x128xf32, #tpu.memory_space<vmem>>)
      %dma_start3A_613 = arith.constant 0 : i32
      %dma_start3A_614 = arith.constant 0 : i32
      %dma_start3A_615 = arith.constant 0 : i32
      %dma_start3A_616 = tpu.memref_slice %arg10[%dma_start3A_613, %dma_start3A_614, %dma_start3A_615] : memref<3x80x128xf32, #tpu.memory_space<vmem>> -> memref<1x80x128xf32, #tpu.memory_space<vmem>>
      %dma_start3A_617 = tpu.memref_squeeze %dma_start3A_616 : memref<1x80x128xf32, #tpu.memory_space<vmem>> -> memref<80x128xf32, #tpu.memory_space<vmem>>
      %dma_start3A_618 = arith.constant 0 : i32
      %dma_start3A_619 = tpu.memref_slice %arg9[%add3A_592, %dma_start3A_618] : memref<25x80xi32, #tpu.memory_space<vmem>> -> memref<1x80xi32, #tpu.memory_space<vmem>>
      %dma_start3A_620 = tpu.memref_squeeze %dma_start3A_619 : memref<1x80xi32, #tpu.memory_space<vmem>> -> memref<80xi32, #tpu.memory_space<vmem>>
      %dma_start3A_621 = arith.constant 0 : i32
      %dma_start3A_622 = arith.constant 0 : i32
      %dma_start3A_623 = tpu.memref_slice %arg12[%dma_start3A_621, %dma_start3A_622] : memref<10000x128xf32, #tpu.memory_space<vmem_shared>> -> memref<10000x128xf32, #tpu.memory_space<vmem_shared>>
      tpu.enqueue_indirect_dma source(%dma_start3A_617 : memref<80x128xf32, #tpu.memory_space<vmem>>) target(%dma_start3A_623 : memref<10000x128xf32, #tpu.memory_space<vmem_shared>>) offsets(%dma_start3A_620 : memref<80xi32, #tpu.memory_space<vmem>>) semaphore(%arg17 : memref<!tpu.dma_semaphore, #tpu.memory_space<semaphore_mem>>) {add = true}
      %dma_start3A_624 = arith.constant 0 : i32
      %dma_start3A_625 = tpu.memref_slice %arg9[%add3A_592, %dma_start3A_624] : memref<25x80xi32, #tpu.memory_space<vmem>> -> memref<1x80xi32, #tpu.memory_space<vmem>>
      %dma_start3A_626 = tpu.memref_squeeze %dma_start3A_625 : memref<1x80xi32, #tpu.memory_space<vmem>> -> memref<80xi32, #tpu.memory_space<vmem>>
      %dma_start3A_627 = arith.constant 0 : i32
      %dma_start3A_628 = tpu.memref_slice %arg13[%dma_start3A_627] : memref<10000xf32, #tpu.memory_space<vmem_shared>> -> memref<10000xf32, #tpu.memory_space<vmem_shared>>
      tpu.enqueue_indirect_dma source(%arg11 : memref<80xf32, #tpu.memory_space<vmem>>) target(%dma_start3A_628 : memref<10000xf32, #tpu.memory_space<vmem_shared>>) offsets(%dma_start3A_626 : memref<80xi32, #tpu.memory_space<vmem>>) semaphore(%arg20 : memref<!tpu.dma_semaphore, #tpu.memory_space<semaphore_mem>>) {add = true}
      %sub3A_629 = arith.constant 1 : i32
      %sub3A_630 = arith.subi %add3A_592, %sub3A_629 : i32
      %dma_wait3A_631 = arith.constant 2 : i32
      %dma_wait3A_632 = arith.constant 0 : i32
      %dma_wait3A_633 = arith.constant 0 : i32
      %dma_wait3A_634 = tpu.memref_slice %arg10[%dma_wait3A_631, %dma_wait3A_632, %dma_wait3A_633] : memref<3x80x128xf32, #tpu.memory_space<vmem>> -> memref<1x80x128xf32, #tpu.memory_space<vmem>>
      %dma_wait3A_635 = tpu.memref_squeeze %dma_wait3A_634 : memref<1x80x128xf32, #tpu.memory_space<vmem>> -> memref<80x128xf32, #tpu.memory_space<vmem>>
      %dma_wait3A_636 = arith.constant 0 : i32
      %dma_wait3A_637 = tpu.memref_slice %arg9[%sub3A_630, %dma_wait3A_636] : memref<25x80xi32, #tpu.memory_space<vmem>> -> memref<1x80xi32, #tpu.memory_space<vmem>>
      %dma_wait3A_638 = tpu.memref_squeeze %dma_wait3A_637 : memref<1x80xi32, #tpu.memory_space<vmem>> -> memref<80xi32, #tpu.memory_space<vmem>>
      %dma_wait3A_639 = arith.constant 0 : i32
      %dma_wait3A_640 = arith.constant 0 : i32
      %dma_wait3A_641 = tpu.memref_slice %arg12[%dma_wait3A_639, %dma_wait3A_640] : memref<10000x128xf32, #tpu.memory_space<vmem_shared>> -> memref<10000x128xf32, #tpu.memory_space<vmem_shared>>
      tpu.wait_indirect_dma semaphore(%arg19 : memref<!tpu.dma_semaphore, #tpu.memory_space<semaphore_mem>>) src(%dma_wait3A_635 : memref<80x128xf32, #tpu.memory_space<vmem>>) dst(%dma_wait3A_641 : memref<10000x128xf32, #tpu.memory_space<vmem_shared>>)
      %add3A_642 = arith.constant 2 : i32
      %add3A_643 = arith.addi %add3A_594, %add3A_642 : i32
      %lt3A_644 = arith.constant 125 : i32
      %lt3A_645 = arith.cmpi slt, %add3A_643, %lt3A_644 : i32
      %convert_element_type3A_646 = arith.extui %lt3A_645 : i1 to i32
      %cond3A_647 = arith.constant 0 : i32
      %cond3A_648 = arith.cmpi ne, %convert_element_type3A_646, %cond3A_647 : i32
      scf.if %cond3A_648 {
        %add3A_649 = arith.addi %mul3A_2, %add3A_594 : i32
        %add3A_650 = arith.constant 2 : i32
        %add3A_651 = arith.addi %add3A_649, %add3A_650 : i32
        %dma_start3A_652 = arith.constant 2 : i32
        %dma_start3A_653 = arith.constant 0 : i32
        %dma_start3A_654 = arith.constant 0 : i32
        %dma_start3A_655 = tpu.memref_slice %arg10[%dma_start3A_652, %dma_start3A_653, %dma_start3A_654] : memref<3x80x128xf32, #tpu.memory_space<vmem>> -> memref<1x80x128xf32, #tpu.memory_space<vmem>>
        %dma_start3A_656 = tpu.memref_squeeze %dma_start3A_655 : memref<1x80x128xf32, #tpu.memory_space<vmem>> -> memref<80x128xf32, #tpu.memory_space<vmem>>
        %dma_start3A_657 = arith.constant 0 : i32
        %dma_start3A_658 = arith.constant 0 : i32
        %dma_start3A_659 = tpu.memref_slice %arg2[%add3A_651, %dma_start3A_657, %dma_start3A_658] : memref<4000x80x128xf32, #tpu.memory_space<hbm>> -> memref<1x80x128xf32, #tpu.memory_space<hbm>>
        %dma_start3A_660 = tpu.memref_squeeze %dma_start3A_659 : memref<1x80x128xf32, #tpu.memory_space<hbm>> -> memref<80x128xf32, #tpu.memory_space<hbm>>
        %dma_start3A_661 = arith.constant 0 : i32
        %dma_start3A_662 = arith.constant 0 : i32
        %dma_start3A_663 = tpu.memref_slice %arg10[%dma_start3A_652, %dma_start3A_661, %dma_start3A_662] : memref<3x80x128xf32, #tpu.memory_space<vmem>> -> memref<1x80x128xf32, #tpu.memory_space<vmem>>
        %dma_start3A_664 = tpu.memref_squeeze %dma_start3A_663 : memref<1x80x128xf32, #tpu.memory_space<vmem>> -> memref<80x128xf32, #tpu.memory_space<vmem>>
        %dma_start3A_665 = arith.constant 0 : i32
        %dma_start3A_666 = arith.constant 0 : i32
        %dma_start3A_667 = tpu.memref_slice %arg2[%add3A_651, %dma_start3A_665, %dma_start3A_666] : memref<4000x80x128xf32, #tpu.memory_space<hbm>> -> memref<1x80x128xf32, #tpu.memory_space<hbm>>
        %dma_start3A_668 = tpu.memref_squeeze %dma_start3A_667 : memref<1x80x128xf32, #tpu.memory_space<hbm>> -> memref<80x128xf32, #tpu.memory_space<hbm>>
        tpu.enqueue_dma source(%dma_start3A_668 : memref<80x128xf32, #tpu.memory_space<hbm>>) target(%dma_start3A_664 : memref<80x128xf32, #tpu.memory_space<vmem>>) target_semaphore(%arg16 : memref<!tpu.dma_semaphore, #tpu.memory_space<semaphore_mem>>)
      } else {
      }
    }
    %scan3A_106 = arith.constant 8 : i32
    %dma_wait3A_107 = arith.constant 0 : i32
    %dma_wait3A_108 = arith.constant 24 : i32
    %dma_wait3A_109 = arith.constant 0 : i32
    %dma_wait3A_110 = arith.constant 0 : i32
    %dma_wait3A_111 = tpu.memref_slice %arg10[%dma_wait3A_107, %dma_wait3A_109, %dma_wait3A_110] : memref<3x80x128xf32, #tpu.memory_space<vmem>> -> memref<1x80x128xf32, #tpu.memory_space<vmem>>
    %dma_wait3A_112 = tpu.memref_squeeze %dma_wait3A_111 : memref<1x80x128xf32, #tpu.memory_space<vmem>> -> memref<80x128xf32, #tpu.memory_space<vmem>>
    %dma_wait3A_113 = arith.constant 0 : i32
    %dma_wait3A_114 = tpu.memref_slice %arg9[%dma_wait3A_108, %dma_wait3A_113] : memref<25x80xi32, #tpu.memory_space<vmem>> -> memref<1x80xi32, #tpu.memory_space<vmem>>
    %dma_wait3A_115 = tpu.memref_squeeze %dma_wait3A_114 : memref<1x80xi32, #tpu.memory_space<vmem>> -> memref<80xi32, #tpu.memory_space<vmem>>
    %dma_wait3A_116 = arith.constant 0 : i32
    %dma_wait3A_117 = arith.constant 0 : i32
    %dma_wait3A_118 = tpu.memref_slice %arg12[%dma_wait3A_116, %dma_wait3A_117] : memref<10000x128xf32, #tpu.memory_space<vmem_shared>> -> memref<10000x128xf32, #tpu.memory_space<vmem_shared>>
    tpu.wait_indirect_dma semaphore(%arg17 : memref<!tpu.dma_semaphore, #tpu.memory_space<semaphore_mem>>) src(%dma_wait3A_112 : memref<80x128xf32, #tpu.memory_space<vmem>>) dst(%dma_wait3A_118 : memref<10000x128xf32, #tpu.memory_space<vmem_shared>>)
    %scan3A_119 = arith.constant 0 : i32
    %scan3A_120 = arith.constant 0 : i32
    %scan3A_121 = arith.constant 25 : i32
    %scan3A_122 = arith.addi %scan3A_120, %scan3A_121 : i32
    %scan3A_123 = arith.constant 1 : i32
    scf.for %scan3A_468 = %scan3A_120 to %scan3A_122 step %scan3A_123  : i32 {
      %dma_wait3A_469 = arith.constant 0 : i32
      %dma_wait3A_470 = arith.constant 0 : i32
      %dma_wait3A_471 = tpu.memref_slice %arg9[%dma_wait3A_469, %dma_wait3A_470] : memref<25x80xi32, #tpu.memory_space<vmem>> -> memref<1x80xi32, #tpu.memory_space<vmem>>
      %dma_wait3A_472 = tpu.memref_squeeze %dma_wait3A_471 : memref<1x80xi32, #tpu.memory_space<vmem>> -> memref<80xi32, #tpu.memory_space<vmem>>
      %dma_wait3A_473 = arith.constant 0 : i32
      %dma_wait3A_474 = tpu.memref_slice %arg13[%dma_wait3A_473] : memref<10000xf32, #tpu.memory_space<vmem_shared>> -> memref<10000xf32, #tpu.memory_space<vmem_shared>>
      tpu.wait_indirect_dma semaphore(%arg20 : memref<!tpu.dma_semaphore, #tpu.memory_space<semaphore_mem>>) src(%arg11 : memref<80xf32, #tpu.memory_space<vmem>>) dst(%dma_wait3A_474 : memref<10000xf32, #tpu.memory_space<vmem_shared>>)
    }
    %scan3A_124 = arith.constant 25 : i32
    %run_scoped3A_125 = arith.constant 1 : i32
    "tpu.region"() ({
      %run_scoped3A_468 = tpu.sem_alloc : memref<!tpu.dma_semaphore, #tpu.memory_space<semaphore_mem>>
      %dma_start3A_469 = arith.constant 0 : i32
      %dma_start3A_470 = arith.constant 0 : i32
      %dma_start3A_471 = tpu.memref_slice %arg3[%add3A, %run_scoped3A_125, %dma_start3A_469, %dma_start3A_470] : memref<32x5x25x80xi32, #tpu.memory_space<hbm>> -> memref<1x1x25x80xi32, #tpu.memory_space<hbm>>
      %dma_start3A_472 = tpu.memref_squeeze %dma_start3A_471 : memref<1x1x25x80xi32, #tpu.memory_space<hbm>> -> memref<25x80xi32, #tpu.memory_space<hbm>>
      %dma_start3A_473 = arith.constant 0 : i32
      %dma_start3A_474 = arith.constant 0 : i32
      %dma_start3A_475 = tpu.memref_slice %arg3[%add3A, %run_scoped3A_125, %dma_start3A_473, %dma_start3A_474] : memref<32x5x25x80xi32, #tpu.memory_space<hbm>> -> memref<1x1x25x80xi32, #tpu.memory_space<hbm>>
      %dma_start3A_476 = tpu.memref_squeeze %dma_start3A_475 : memref<1x1x25x80xi32, #tpu.memory_space<hbm>> -> memref<25x80xi32, #tpu.memory_space<hbm>>
      tpu.enqueue_dma source(%dma_start3A_476 : memref<25x80xi32, #tpu.memory_space<hbm>>) target(%arg9 : memref<25x80xi32, #tpu.memory_space<vmem>>) target_semaphore(%run_scoped3A_468 : memref<!tpu.dma_semaphore, #tpu.memory_space<semaphore_mem>>)
      %dma_wait3A_477 = arith.constant 0 : i32
      %dma_wait3A_478 = arith.constant 0 : i32
      %dma_wait3A_479 = tpu.memref_slice %arg3[%add3A, %run_scoped3A_125, %dma_wait3A_477, %dma_wait3A_478] : memref<32x5x25x80xi32, #tpu.memory_space<hbm>> -> memref<1x1x25x80xi32, #tpu.memory_space<hbm>>
      %dma_wait3A_480 = tpu.memref_squeeze %dma_wait3A_479 : memref<1x1x25x80xi32, #tpu.memory_space<hbm>> -> memref<25x80xi32, #tpu.memory_space<hbm>>
      %dma_wait3A_481 = arith.constant 0 : i32
      %dma_wait3A_482 = arith.constant 0 : i32
      %dma_wait3A_483 = tpu.memref_slice %arg3[%add3A, %run_scoped3A_125, %dma_wait3A_481, %dma_wait3A_482] : memref<32x5x25x80xi32, #tpu.memory_space<hbm>> -> memref<1x1x25x80xi32, #tpu.memory_space<hbm>>
      %dma_wait3A_484 = tpu.memref_squeeze %dma_wait3A_483 : memref<1x1x25x80xi32, #tpu.memory_space<hbm>> -> memref<25x80xi32, #tpu.memory_space<hbm>>
      tpu.wait_dma2 semaphore(%run_scoped3A_468 : memref<!tpu.dma_semaphore, #tpu.memory_space<semaphore_mem>>) src(%dma_wait3A_484 : memref<25x80xi32, #tpu.memory_space<hbm>>) dst(%arg9 : memref<25x80xi32, #tpu.memory_space<vmem>>)
      tpu.yield
    }) : () -> ()
    %add3A_126 = arith.constant 25 : i32
    %add3A_127 = arith.addi %mul3A_2, %add3A_126 : i32
    %dma_wait3A_128 = arith.constant 1 : i32
    %dma_wait3A_129 = arith.constant 0 : i32
    %dma_wait3A_130 = arith.constant 0 : i32
    %dma_wait3A_131 = tpu.memref_slice %arg10[%dma_wait3A_128, %dma_wait3A_129, %dma_wait3A_130] : memref<3x80x128xf32, #tpu.memory_space<vmem>> -> memref<1x80x128xf32, #tpu.memory_space<vmem>>
    %dma_wait3A_132 = tpu.memref_squeeze %dma_wait3A_131 : memref<1x80x128xf32, #tpu.memory_space<vmem>> -> memref<80x128xf32, #tpu.memory_space<vmem>>
    %dma_wait3A_133 = arith.constant 0 : i32
    %dma_wait3A_134 = arith.constant 0 : i32
    %dma_wait3A_135 = tpu.memref_slice %arg2[%add3A_127, %dma_wait3A_133, %dma_wait3A_134] : memref<4000x80x128xf32, #tpu.memory_space<hbm>> -> memref<1x80x128xf32, #tpu.memory_space<hbm>>
    %dma_wait3A_136 = tpu.memref_squeeze %dma_wait3A_135 : memref<1x80x128xf32, #tpu.memory_space<hbm>> -> memref<80x128xf32, #tpu.memory_space<hbm>>
    %dma_wait3A_137 = arith.constant 0 : i32
    %dma_wait3A_138 = arith.constant 0 : i32
    %dma_wait3A_139 = tpu.memref_slice %arg10[%dma_wait3A_128, %dma_wait3A_137, %dma_wait3A_138] : memref<3x80x128xf32, #tpu.memory_space<vmem>> -> memref<1x80x128xf32, #tpu.memory_space<vmem>>
    %dma_wait3A_140 = tpu.memref_squeeze %dma_wait3A_139 : memref<1x80x128xf32, #tpu.memory_space<vmem>> -> memref<80x128xf32, #tpu.memory_space<vmem>>
    %dma_wait3A_141 = arith.constant 0 : i32
    %dma_wait3A_142 = arith.constant 0 : i32
    %dma_wait3A_143 = tpu.memref_slice %arg2[%add3A_127, %dma_wait3A_141, %dma_wait3A_142] : memref<4000x80x128xf32, #tpu.memory_space<hbm>> -> memref<1x80x128xf32, #tpu.memory_space<hbm>>
    %dma_wait3A_144 = tpu.memref_squeeze %dma_wait3A_143 : memref<1x80x128xf32, #tpu.memory_space<hbm>> -> memref<80x128xf32, #tpu.memory_space<hbm>>
    tpu.wait_dma2 semaphore(%arg15 : memref<!tpu.dma_semaphore, #tpu.memory_space<semaphore_mem>>) src(%dma_wait3A_144 : memref<80x128xf32, #tpu.memory_space<hbm>>) dst(%dma_wait3A_140 : memref<80x128xf32, #tpu.memory_space<vmem>>)
    %dma_start3A_145 = arith.constant 1 : i32
    %dma_start3A_146 = arith.constant 0 : i32
    %dma_start3A_147 = arith.constant 0 : i32
    %dma_start3A_148 = arith.constant 0 : i32
    %dma_start3A_149 = tpu.memref_slice %arg10[%dma_start3A_145, %dma_start3A_147, %dma_start3A_148] : memref<3x80x128xf32, #tpu.memory_space<vmem>> -> memref<1x80x128xf32, #tpu.memory_space<vmem>>
    %dma_start3A_150 = tpu.memref_squeeze %dma_start3A_149 : memref<1x80x128xf32, #tpu.memory_space<vmem>> -> memref<80x128xf32, #tpu.memory_space<vmem>>
    %dma_start3A_151 = arith.constant 0 : i32
    %dma_start3A_152 = tpu.memref_slice %arg9[%dma_start3A_146, %dma_start3A_151] : memref<25x80xi32, #tpu.memory_space<vmem>> -> memref<1x80xi32, #tpu.memory_space<vmem>>
    %dma_start3A_153 = tpu.memref_squeeze %dma_start3A_152 : memref<1x80xi32, #tpu.memory_space<vmem>> -> memref<80xi32, #tpu.memory_space<vmem>>
    %dma_start3A_154 = arith.constant 0 : i32
    %dma_start3A_155 = arith.constant 0 : i32
    %dma_start3A_156 = tpu.memref_slice %arg12[%dma_start3A_154, %dma_start3A_155] : memref<10000x128xf32, #tpu.memory_space<vmem_shared>> -> memref<10000x128xf32, #tpu.memory_space<vmem_shared>>
    tpu.enqueue_indirect_dma source(%dma_start3A_150 : memref<80x128xf32, #tpu.memory_space<vmem>>) target(%dma_start3A_156 : memref<10000x128xf32, #tpu.memory_space<vmem_shared>>) offsets(%dma_start3A_153 : memref<80xi32, #tpu.memory_space<vmem>>) semaphore(%arg18 : memref<!tpu.dma_semaphore, #tpu.memory_space<semaphore_mem>>) {add = true}
    %dma_start3A_157 = arith.constant 0 : i32
    %dma_start3A_158 = arith.constant 0 : i32
    %dma_start3A_159 = tpu.memref_slice %arg9[%dma_start3A_157, %dma_start3A_158] : memref<25x80xi32, #tpu.memory_space<vmem>> -> memref<1x80xi32, #tpu.memory_space<vmem>>
    %dma_start3A_160 = tpu.memref_squeeze %dma_start3A_159 : memref<1x80xi32, #tpu.memory_space<vmem>> -> memref<80xi32, #tpu.memory_space<vmem>>
    %dma_start3A_161 = arith.constant 0 : i32
    %dma_start3A_162 = tpu.memref_slice %arg13[%dma_start3A_161] : memref<10000xf32, #tpu.memory_space<vmem_shared>> -> memref<10000xf32, #tpu.memory_space<vmem_shared>>
    tpu.enqueue_indirect_dma source(%arg11 : memref<80xf32, #tpu.memory_space<vmem>>) target(%dma_start3A_162 : memref<10000xf32, #tpu.memory_space<vmem_shared>>) offsets(%dma_start3A_160 : memref<80xi32, #tpu.memory_space<vmem>>) semaphore(%arg20 : memref<!tpu.dma_semaphore, #tpu.memory_space<semaphore_mem>>) {add = true}
    %add3A_163 = arith.constant 25 : i32
    %add3A_164 = arith.addi %mul3A_2, %add3A_163 : i32
    %add3A_165 = arith.constant 2 : i32
    %add3A_166 = arith.addi %add3A_164, %add3A_165 : i32
    %dma_start3A_167 = arith.constant 0 : i32
    %dma_start3A_168 = arith.constant 0 : i32
    %dma_start3A_169 = arith.constant 0 : i32
    %dma_start3A_170 = tpu.memref_slice %arg10[%dma_start3A_167, %dma_start3A_168, %dma_start3A_169] : memref<3x80x128xf32, #tpu.memory_space<vmem>> -> memref<1x80x128xf32, #tpu.memory_space<vmem>>
    %dma_start3A_171 = tpu.memref_squeeze %dma_start3A_170 : memref<1x80x128xf32, #tpu.memory_space<vmem>> -> memref<80x128xf32, #tpu.memory_space<vmem>>
    %dma_start3A_172 = arith.constant 0 : i32
    %dma_start3A_173 = arith.constant 0 : i32
    %dma_start3A_174 = tpu.memref_slice %arg2[%add3A_166, %dma_start3A_172, %dma_start3A_173] : memref<4000x80x128xf32, #tpu.memory_space<hbm>> -> memref<1x80x128xf32, #tpu.memory_space<hbm>>
    %dma_start3A_175 = tpu.memref_squeeze %dma_start3A_174 : memref<1x80x128xf32, #tpu.memory_space<hbm>> -> memref<80x128xf32, #tpu.memory_space<hbm>>
    %dma_start3A_176 = arith.constant 0 : i32
    %dma_start3A_177 = arith.constant 0 : i32
    %dma_start3A_178 = tpu.memref_slice %arg10[%dma_start3A_167, %dma_start3A_176, %dma_start3A_177] : memref<3x80x128xf32, #tpu.memory_space<vmem>> -> memref<1x80x128xf32, #tpu.memory_space<vmem>>
    %dma_start3A_179 = tpu.memref_squeeze %dma_start3A_178 : memref<1x80x128xf32, #tpu.memory_space<vmem>> -> memref<80x128xf32, #tpu.memory_space<vmem>>
    %dma_start3A_180 = arith.constant 0 : i32
    %dma_start3A_181 = arith.constant 0 : i32
    %dma_start3A_182 = tpu.memref_slice %arg2[%add3A_166, %dma_start3A_180, %dma_start3A_181] : memref<4000x80x128xf32, #tpu.memory_space<hbm>> -> memref<1x80x128xf32, #tpu.memory_space<hbm>>
    %dma_start3A_183 = tpu.memref_squeeze %dma_start3A_182 : memref<1x80x128xf32, #tpu.memory_space<hbm>> -> memref<80x128xf32, #tpu.memory_space<hbm>>
    tpu.enqueue_dma source(%dma_start3A_183 : memref<80x128xf32, #tpu.memory_space<hbm>>) target(%dma_start3A_179 : memref<80x128xf32, #tpu.memory_space<vmem>>) target_semaphore(%arg14 : memref<!tpu.dma_semaphore, #tpu.memory_space<semaphore_mem>>)
    %scan3A_184 = arith.constant 0 : i32
    %scan3A_185 = arith.constant 0 : i32
    %scan3A_186 = arith.constant 8 : i32
    %scan3A_187 = arith.addi %scan3A_185, %scan3A_186 : i32
    %scan3A_188 = arith.constant 1 : i32
    scf.for %scan3A_468 = %scan3A_185 to %scan3A_187 step %scan3A_188  : i32 {
      %mul3A_469 = arith.constant 3 : i32
      %mul3A_470 = arith.muli %mul3A_469, %scan3A_468 : i32
      %add3A_471 = arith.constant 1 : i32
      %add3A_472 = arith.addi %mul3A_470, %add3A_471 : i32
      %add3A_473 = arith.constant 0 : i32
      %add3A_474 = arith.addi %add3A_472, %add3A_473 : i32
      %add3A_475 = arith.constant 25 : i32
      %add3A_476 = arith.addi %add3A_475, %add3A_474 : i32
      %add3A_477 = arith.addi %mul3A_2, %add3A_476 : i32
      %dma_wait3A_478 = arith.constant 2 : i32
      %dma_wait3A_479 = arith.constant 0 : i32
      %dma_wait3A_480 = arith.constant 0 : i32
      %dma_wait3A_481 = tpu.memref_slice %arg10[%dma_wait3A_478, %dma_wait3A_479, %dma_wait3A_480] : memref<3x80x128xf32, #tpu.memory_space<vmem>> -> memref<1x80x128xf32, #tpu.memory_space<vmem>>
      %dma_wait3A_482 = tpu.memref_squeeze %dma_wait3A_481 : memref<1x80x128xf32, #tpu.memory_space<vmem>> -> memref<80x128xf32, #tpu.memory_space<vmem>>
      %dma_wait3A_483 = arith.constant 0 : i32
      %dma_wait3A_484 = arith.constant 0 : i32
      %dma_wait3A_485 = tpu.memref_slice %arg2[%add3A_477, %dma_wait3A_483, %dma_wait3A_484] : memref<4000x80x128xf32, #tpu.memory_space<hbm>> -> memref<1x80x128xf32, #tpu.memory_space<hbm>>
      %dma_wait3A_486 = tpu.memref_squeeze %dma_wait3A_485 : memref<1x80x128xf32, #tpu.memory_space<hbm>> -> memref<80x128xf32, #tpu.memory_space<hbm>>
      %dma_wait3A_487 = arith.constant 0 : i32
      %dma_wait3A_488 = arith.constant 0 : i32
      %dma_wait3A_489 = tpu.memref_slice %arg10[%dma_wait3A_478, %dma_wait3A_487, %dma_wait3A_488] : memref<3x80x128xf32, #tpu.memory_space<vmem>> -> memref<1x80x128xf32, #tpu.memory_space<vmem>>
      %dma_wait3A_490 = tpu.memref_squeeze %dma_wait3A_489 : memref<1x80x128xf32, #tpu.memory_space<vmem>> -> memref<80x128xf32, #tpu.memory_space<vmem>>
      %dma_wait3A_491 = arith.constant 0 : i32
      %dma_wait3A_492 = arith.constant 0 : i32
      %dma_wait3A_493 = tpu.memref_slice %arg2[%add3A_477, %dma_wait3A_491, %dma_wait3A_492] : memref<4000x80x128xf32, #tpu.memory_space<hbm>> -> memref<1x80x128xf32, #tpu.memory_space<hbm>>
      %dma_wait3A_494 = tpu.memref_squeeze %dma_wait3A_493 : memref<1x80x128xf32, #tpu.memory_space<hbm>> -> memref<80x128xf32, #tpu.memory_space<hbm>>
      tpu.wait_dma2 semaphore(%arg16 : memref<!tpu.dma_semaphore, #tpu.memory_space<semaphore_mem>>) src(%dma_wait3A_494 : memref<80x128xf32, #tpu.memory_space<hbm>>) dst(%dma_wait3A_490 : memref<80x128xf32, #tpu.memory_space<vmem>>)
      %dma_start3A_495 = arith.constant 2 : i32
      %dma_start3A_496 = arith.constant 0 : i32
      %dma_start3A_497 = arith.constant 0 : i32
      %dma_start3A_498 = tpu.memref_slice %arg10[%dma_start3A_495, %dma_start3A_496, %dma_start3A_497] : memref<3x80x128xf32, #tpu.memory_space<vmem>> -> memref<1x80x128xf32, #tpu.memory_space<vmem>>
      %dma_start3A_499 = tpu.memref_squeeze %dma_start3A_498 : memref<1x80x128xf32, #tpu.memory_space<vmem>> -> memref<80x128xf32, #tpu.memory_space<vmem>>
      %dma_start3A_500 = arith.constant 0 : i32
      %dma_start3A_501 = tpu.memref_slice %arg9[%add3A_474, %dma_start3A_500] : memref<25x80xi32, #tpu.memory_space<vmem>> -> memref<1x80xi32, #tpu.memory_space<vmem>>
      %dma_start3A_502 = tpu.memref_squeeze %dma_start3A_501 : memref<1x80xi32, #tpu.memory_space<vmem>> -> memref<80xi32, #tpu.memory_space<vmem>>
      %dma_start3A_503 = arith.constant 0 : i32
      %dma_start3A_504 = arith.constant 0 : i32
      %dma_start3A_505 = tpu.memref_slice %arg12[%dma_start3A_503, %dma_start3A_504] : memref<10000x128xf32, #tpu.memory_space<vmem_shared>> -> memref<10000x128xf32, #tpu.memory_space<vmem_shared>>
      tpu.enqueue_indirect_dma source(%dma_start3A_499 : memref<80x128xf32, #tpu.memory_space<vmem>>) target(%dma_start3A_505 : memref<10000x128xf32, #tpu.memory_space<vmem_shared>>) offsets(%dma_start3A_502 : memref<80xi32, #tpu.memory_space<vmem>>) semaphore(%arg19 : memref<!tpu.dma_semaphore, #tpu.memory_space<semaphore_mem>>) {add = true}
      %dma_start3A_506 = arith.constant 0 : i32
      %dma_start3A_507 = tpu.memref_slice %arg9[%add3A_474, %dma_start3A_506] : memref<25x80xi32, #tpu.memory_space<vmem>> -> memref<1x80xi32, #tpu.memory_space<vmem>>
      %dma_start3A_508 = tpu.memref_squeeze %dma_start3A_507 : memref<1x80xi32, #tpu.memory_space<vmem>> -> memref<80xi32, #tpu.memory_space<vmem>>
      %dma_start3A_509 = arith.constant 0 : i32
      %dma_start3A_510 = tpu.memref_slice %arg13[%dma_start3A_509] : memref<10000xf32, #tpu.memory_space<vmem_shared>> -> memref<10000xf32, #tpu.memory_space<vmem_shared>>
      tpu.enqueue_indirect_dma source(%arg11 : memref<80xf32, #tpu.memory_space<vmem>>) target(%dma_start3A_510 : memref<10000xf32, #tpu.memory_space<vmem_shared>>) offsets(%dma_start3A_508 : memref<80xi32, #tpu.memory_space<vmem>>) semaphore(%arg20 : memref<!tpu.dma_semaphore, #tpu.memory_space<semaphore_mem>>) {add = true}
      %sub3A = arith.constant 1 : i32
      %sub3A_511 = arith.subi %add3A_474, %sub3A : i32
      %dma_wait3A_512 = arith.constant 1 : i32
      %dma_wait3A_513 = arith.constant 0 : i32
      %dma_wait3A_514 = arith.constant 0 : i32
      %dma_wait3A_515 = tpu.memref_slice %arg10[%dma_wait3A_512, %dma_wait3A_513, %dma_wait3A_514] : memref<3x80x128xf32, #tpu.memory_space<vmem>> -> memref<1x80x128xf32, #tpu.memory_space<vmem>>
      %dma_wait3A_516 = tpu.memref_squeeze %dma_wait3A_515 : memref<1x80x128xf32, #tpu.memory_space<vmem>> -> memref<80x128xf32, #tpu.memory_space<vmem>>
      %dma_wait3A_517 = arith.constant 0 : i32
      %dma_wait3A_518 = tpu.memref_slice %arg9[%sub3A_511, %dma_wait3A_517] : memref<25x80xi32, #tpu.memory_space<vmem>> -> memref<1x80xi32, #tpu.memory_space<vmem>>
      %dma_wait3A_519 = tpu.memref_squeeze %dma_wait3A_518 : memref<1x80xi32, #tpu.memory_space<vmem>> -> memref<80xi32, #tpu.memory_space<vmem>>
      %dma_wait3A_520 = arith.constant 0 : i32
      %dma_wait3A_521 = arith.constant 0 : i32
      %dma_wait3A_522 = tpu.memref_slice %arg12[%dma_wait3A_520, %dma_wait3A_521] : memref<10000x128xf32, #tpu.memory_space<vmem_shared>> -> memref<10000x128xf32, #tpu.memory_space<vmem_shared>>
      tpu.wait_indirect_dma semaphore(%arg18 : memref<!tpu.dma_semaphore, #tpu.memory_space<semaphore_mem>>) src(%dma_wait3A_516 : memref<80x128xf32, #tpu.memory_space<vmem>>) dst(%dma_wait3A_522 : memref<10000x128xf32, #tpu.memory_space<vmem_shared>>)
      %add3A_523 = arith.constant 2 : i32
      %add3A_524 = arith.addi %add3A_476, %add3A_523 : i32
      %lt3A = arith.constant 125 : i32
      %lt3A_525 = arith.cmpi slt, %add3A_524, %lt3A : i32
      %convert_element_type3A_526 = arith.extui %lt3A_525 : i1 to i32
      %cond3A_527 = arith.constant 0 : i32
      %cond3A_528 = arith.cmpi ne, %convert_element_type3A_526, %cond3A_527 : i32
      scf.if %cond3A_528 {
        %add3A_649 = arith.addi %mul3A_2, %add3A_476 : i32
        %add3A_650 = arith.constant 2 : i32
        %add3A_651 = arith.addi %add3A_649, %add3A_650 : i32
        %dma_start3A_652 = arith.constant 1 : i32
        %dma_start3A_653 = arith.constant 0 : i32
        %dma_start3A_654 = arith.constant 0 : i32
        %dma_start3A_655 = tpu.memref_slice %arg10[%dma_start3A_652, %dma_start3A_653, %dma_start3A_654] : memref<3x80x128xf32, #tpu.memory_space<vmem>> -> memref<1x80x128xf32, #tpu.memory_space<vmem>>
        %dma_start3A_656 = tpu.memref_squeeze %dma_start3A_655 : memref<1x80x128xf32, #tpu.memory_space<vmem>> -> memref<80x128xf32, #tpu.memory_space<vmem>>
        %dma_start3A_657 = arith.constant 0 : i32
        %dma_start3A_658 = arith.constant 0 : i32
        %dma_start3A_659 = tpu.memref_slice %arg2[%add3A_651, %dma_start3A_657, %dma_start3A_658] : memref<4000x80x128xf32, #tpu.memory_space<hbm>> -> memref<1x80x128xf32, #tpu.memory_space<hbm>>
        %dma_start3A_660 = tpu.memref_squeeze %dma_start3A_659 : memref<1x80x128xf32, #tpu.memory_space<hbm>> -> memref<80x128xf32, #tpu.memory_space<hbm>>
        %dma_start3A_661 = arith.constant 0 : i32
        %dma_start3A_662 = arith.constant 0 : i32
        %dma_start3A_663 = tpu.memref_slice %arg10[%dma_start3A_652, %dma_start3A_661, %dma_start3A_662] : memref<3x80x128xf32, #tpu.memory_space<vmem>> -> memref<1x80x128xf32, #tpu.memory_space<vmem>>
        %dma_start3A_664 = tpu.memref_squeeze %dma_start3A_663 : memref<1x80x128xf32, #tpu.memory_space<vmem>> -> memref<80x128xf32, #tpu.memory_space<vmem>>
        %dma_start3A_665 = arith.constant 0 : i32
        %dma_start3A_666 = arith.constant 0 : i32
        %dma_start3A_667 = tpu.memref_slice %arg2[%add3A_651, %dma_start3A_665, %dma_start3A_666] : memref<4000x80x128xf32, #tpu.memory_space<hbm>> -> memref<1x80x128xf32, #tpu.memory_space<hbm>>
        %dma_start3A_668 = tpu.memref_squeeze %dma_start3A_667 : memref<1x80x128xf32, #tpu.memory_space<hbm>> -> memref<80x128xf32, #tpu.memory_space<hbm>>
        tpu.enqueue_dma source(%dma_start3A_668 : memref<80x128xf32, #tpu.memory_space<hbm>>) target(%dma_start3A_664 : memref<80x128xf32, #tpu.memory_space<vmem>>) target_semaphore(%arg15 : memref<!tpu.dma_semaphore, #tpu.memory_space<semaphore_mem>>)
      } else {
      }
      %add3A_529 = arith.constant 1 : i32
      %add3A_530 = arith.addi %mul3A_470, %add3A_529 : i32
      %add3A_531 = arith.constant 1 : i32
      %add3A_532 = arith.addi %add3A_530, %add3A_531 : i32
      %add3A_533 = arith.constant 25 : i32
      %add3A_534 = arith.addi %add3A_533, %add3A_532 : i32
      %add3A_535 = arith.addi %mul3A_2, %add3A_534 : i32
      %dma_wait3A_536 = arith.constant 0 : i32
      %dma_wait3A_537 = arith.constant 0 : i32
      %dma_wait3A_538 = arith.constant 0 : i32
      %dma_wait3A_539 = tpu.memref_slice %arg10[%dma_wait3A_536, %dma_wait3A_537, %dma_wait3A_538] : memref<3x80x128xf32, #tpu.memory_space<vmem>> -> memref<1x80x128xf32, #tpu.memory_space<vmem>>
      %dma_wait3A_540 = tpu.memref_squeeze %dma_wait3A_539 : memref<1x80x128xf32, #tpu.memory_space<vmem>> -> memref<80x128xf32, #tpu.memory_space<vmem>>
      %dma_wait3A_541 = arith.constant 0 : i32
      %dma_wait3A_542 = arith.constant 0 : i32
      %dma_wait3A_543 = tpu.memref_slice %arg2[%add3A_535, %dma_wait3A_541, %dma_wait3A_542] : memref<4000x80x128xf32, #tpu.memory_space<hbm>> -> memref<1x80x128xf32, #tpu.memory_space<hbm>>
      %dma_wait3A_544 = tpu.memref_squeeze %dma_wait3A_543 : memref<1x80x128xf32, #tpu.memory_space<hbm>> -> memref<80x128xf32, #tpu.memory_space<hbm>>
      %dma_wait3A_545 = arith.constant 0 : i32
      %dma_wait3A_546 = arith.constant 0 : i32
      %dma_wait3A_547 = tpu.memref_slice %arg10[%dma_wait3A_536, %dma_wait3A_545, %dma_wait3A_546] : memref<3x80x128xf32, #tpu.memory_space<vmem>> -> memref<1x80x128xf32, #tpu.memory_space<vmem>>
      %dma_wait3A_548 = tpu.memref_squeeze %dma_wait3A_547 : memref<1x80x128xf32, #tpu.memory_space<vmem>> -> memref<80x128xf32, #tpu.memory_space<vmem>>
      %dma_wait3A_549 = arith.constant 0 : i32
      %dma_wait3A_550 = arith.constant 0 : i32
      %dma_wait3A_551 = tpu.memref_slice %arg2[%add3A_535, %dma_wait3A_549, %dma_wait3A_550] : memref<4000x80x128xf32, #tpu.memory_space<hbm>> -> memref<1x80x128xf32, #tpu.memory_space<hbm>>
      %dma_wait3A_552 = tpu.memref_squeeze %dma_wait3A_551 : memref<1x80x128xf32, #tpu.memory_space<hbm>> -> memref<80x128xf32, #tpu.memory_space<hbm>>
      tpu.wait_dma2 semaphore(%arg14 : memref<!tpu.dma_semaphore, #tpu.memory_space<semaphore_mem>>) src(%dma_wait3A_552 : memref<80x128xf32, #tpu.memory_space<hbm>>) dst(%dma_wait3A_548 : memref<80x128xf32, #tpu.memory_space<vmem>>)
      %dma_start3A_553 = arith.constant 0 : i32
      %dma_start3A_554 = arith.constant 0 : i32
      %dma_start3A_555 = arith.constant 0 : i32
      %dma_start3A_556 = tpu.memref_slice %arg10[%dma_start3A_553, %dma_start3A_554, %dma_start3A_555] : memref<3x80x128xf32, #tpu.memory_space<vmem>> -> memref<1x80x128xf32, #tpu.memory_space<vmem>>
      %dma_start3A_557 = tpu.memref_squeeze %dma_start3A_556 : memref<1x80x128xf32, #tpu.memory_space<vmem>> -> memref<80x128xf32, #tpu.memory_space<vmem>>
      %dma_start3A_558 = arith.constant 0 : i32
      %dma_start3A_559 = tpu.memref_slice %arg9[%add3A_532, %dma_start3A_558] : memref<25x80xi32, #tpu.memory_space<vmem>> -> memref<1x80xi32, #tpu.memory_space<vmem>>
      %dma_start3A_560 = tpu.memref_squeeze %dma_start3A_559 : memref<1x80xi32, #tpu.memory_space<vmem>> -> memref<80xi32, #tpu.memory_space<vmem>>
      %dma_start3A_561 = arith.constant 0 : i32
      %dma_start3A_562 = arith.constant 0 : i32
      %dma_start3A_563 = tpu.memref_slice %arg12[%dma_start3A_561, %dma_start3A_562] : memref<10000x128xf32, #tpu.memory_space<vmem_shared>> -> memref<10000x128xf32, #tpu.memory_space<vmem_shared>>
      tpu.enqueue_indirect_dma source(%dma_start3A_557 : memref<80x128xf32, #tpu.memory_space<vmem>>) target(%dma_start3A_563 : memref<10000x128xf32, #tpu.memory_space<vmem_shared>>) offsets(%dma_start3A_560 : memref<80xi32, #tpu.memory_space<vmem>>) semaphore(%arg17 : memref<!tpu.dma_semaphore, #tpu.memory_space<semaphore_mem>>) {add = true}
      %dma_start3A_564 = arith.constant 0 : i32
      %dma_start3A_565 = tpu.memref_slice %arg9[%add3A_532, %dma_start3A_564] : memref<25x80xi32, #tpu.memory_space<vmem>> -> memref<1x80xi32, #tpu.memory_space<vmem>>
      %dma_start3A_566 = tpu.memref_squeeze %dma_start3A_565 : memref<1x80xi32, #tpu.memory_space<vmem>> -> memref<80xi32, #tpu.memory_space<vmem>>
      %dma_start3A_567 = arith.constant 0 : i32
      %dma_start3A_568 = tpu.memref_slice %arg13[%dma_start3A_567] : memref<10000xf32, #tpu.memory_space<vmem_shared>> -> memref<10000xf32, #tpu.memory_space<vmem_shared>>
      tpu.enqueue_indirect_dma source(%arg11 : memref<80xf32, #tpu.memory_space<vmem>>) target(%dma_start3A_568 : memref<10000xf32, #tpu.memory_space<vmem_shared>>) offsets(%dma_start3A_566 : memref<80xi32, #tpu.memory_space<vmem>>) semaphore(%arg20 : memref<!tpu.dma_semaphore, #tpu.memory_space<semaphore_mem>>) {add = true}
      %sub3A_569 = arith.constant 1 : i32
      %sub3A_570 = arith.subi %add3A_532, %sub3A_569 : i32
      %dma_wait3A_571 = arith.constant 2 : i32
      %dma_wait3A_572 = arith.constant 0 : i32
      %dma_wait3A_573 = arith.constant 0 : i32
      %dma_wait3A_574 = tpu.memref_slice %arg10[%dma_wait3A_571, %dma_wait3A_572, %dma_wait3A_573] : memref<3x80x128xf32, #tpu.memory_space<vmem>> -> memref<1x80x128xf32, #tpu.memory_space<vmem>>
      %dma_wait3A_575 = tpu.memref_squeeze %dma_wait3A_574 : memref<1x80x128xf32, #tpu.memory_space<vmem>> -> memref<80x128xf32, #tpu.memory_space<vmem>>
      %dma_wait3A_576 = arith.constant 0 : i32
      %dma_wait3A_577 = tpu.memref_slice %arg9[%sub3A_570, %dma_wait3A_576] : memref<25x80xi32, #tpu.memory_space<vmem>> -> memref<1x80xi32, #tpu.memory_space<vmem>>
      %dma_wait3A_578 = tpu.memref_squeeze %dma_wait3A_577 : memref<1x80xi32, #tpu.memory_space<vmem>> -> memref<80xi32, #tpu.memory_space<vmem>>
      %dma_wait3A_579 = arith.constant 0 : i32
      %dma_wait3A_580 = arith.constant 0 : i32
      %dma_wait3A_581 = tpu.memref_slice %arg12[%dma_wait3A_579, %dma_wait3A_580] : memref<10000x128xf32, #tpu.memory_space<vmem_shared>> -> memref<10000x128xf32, #tpu.memory_space<vmem_shared>>
      tpu.wait_indirect_dma semaphore(%arg19 : memref<!tpu.dma_semaphore, #tpu.memory_space<semaphore_mem>>) src(%dma_wait3A_575 : memref<80x128xf32, #tpu.memory_space<vmem>>) dst(%dma_wait3A_581 : memref<10000x128xf32, #tpu.memory_space<vmem_shared>>)
      %add3A_582 = arith.constant 2 : i32
      %add3A_583 = arith.addi %add3A_534, %add3A_582 : i32
      %lt3A_584 = arith.constant 125 : i32
      %lt3A_585 = arith.cmpi slt, %add3A_583, %lt3A_584 : i32
      %convert_element_type3A_586 = arith.extui %lt3A_585 : i1 to i32
      %cond3A_587 = arith.constant 0 : i32
      %cond3A_588 = arith.cmpi ne, %convert_element_type3A_586, %cond3A_587 : i32
      scf.if %cond3A_588 {
        %add3A_649 = arith.addi %mul3A_2, %add3A_534 : i32
        %add3A_650 = arith.constant 2 : i32
        %add3A_651 = arith.addi %add3A_649, %add3A_650 : i32
        %dma_start3A_652 = arith.constant 2 : i32
        %dma_start3A_653 = arith.constant 0 : i32
        %dma_start3A_654 = arith.constant 0 : i32
        %dma_start3A_655 = tpu.memref_slice %arg10[%dma_start3A_652, %dma_start3A_653, %dma_start3A_654] : memref<3x80x128xf32, #tpu.memory_space<vmem>> -> memref<1x80x128xf32, #tpu.memory_space<vmem>>
        %dma_start3A_656 = tpu.memref_squeeze %dma_start3A_655 : memref<1x80x128xf32, #tpu.memory_space<vmem>> -> memref<80x128xf32, #tpu.memory_space<vmem>>
        %dma_start3A_657 = arith.constant 0 : i32
        %dma_start3A_658 = arith.constant 0 : i32
        %dma_start3A_659 = tpu.memref_slice %arg2[%add3A_651, %dma_start3A_657, %dma_start3A_658] : memref<4000x80x128xf32, #tpu.memory_space<hbm>> -> memref<1x80x128xf32, #tpu.memory_space<hbm>>
        %dma_start3A_660 = tpu.memref_squeeze %dma_start3A_659 : memref<1x80x128xf32, #tpu.memory_space<hbm>> -> memref<80x128xf32, #tpu.memory_space<hbm>>
        %dma_start3A_661 = arith.constant 0 : i32
        %dma_start3A_662 = arith.constant 0 : i32
        %dma_start3A_663 = tpu.memref_slice %arg10[%dma_start3A_652, %dma_start3A_661, %dma_start3A_662] : memref<3x80x128xf32, #tpu.memory_space<vmem>> -> memref<1x80x128xf32, #tpu.memory_space<vmem>>
        %dma_start3A_664 = tpu.memref_squeeze %dma_start3A_663 : memref<1x80x128xf32, #tpu.memory_space<vmem>> -> memref<80x128xf32, #tpu.memory_space<vmem>>
        %dma_start3A_665 = arith.constant 0 : i32
        %dma_start3A_666 = arith.constant 0 : i32
        %dma_start3A_667 = tpu.memref_slice %arg2[%add3A_651, %dma_start3A_665, %dma_start3A_666] : memref<4000x80x128xf32, #tpu.memory_space<hbm>> -> memref<1x80x128xf32, #tpu.memory_space<hbm>>
        %dma_start3A_668 = tpu.memref_squeeze %dma_start3A_667 : memref<1x80x128xf32, #tpu.memory_space<hbm>> -> memref<80x128xf32, #tpu.memory_space<hbm>>
        tpu.enqueue_dma source(%dma_start3A_668 : memref<80x128xf32, #tpu.memory_space<hbm>>) target(%dma_start3A_664 : memref<80x128xf32, #tpu.memory_space<vmem>>) target_semaphore(%arg16 : memref<!tpu.dma_semaphore, #tpu.memory_space<semaphore_mem>>)
      } else {
      }
      %add3A_589 = arith.constant 1 : i32
      %add3A_590 = arith.addi %mul3A_470, %add3A_589 : i32
      %add3A_591 = arith.constant 2 : i32
      %add3A_592 = arith.addi %add3A_590, %add3A_591 : i32
      %add3A_593 = arith.constant 25 : i32
      %add3A_594 = arith.addi %add3A_593, %add3A_592 : i32
      %add3A_595 = arith.addi %mul3A_2, %add3A_594 : i32
      %dma_wait3A_596 = arith.constant 1 : i32
      %dma_wait3A_597 = arith.constant 0 : i32
      %dma_wait3A_598 = arith.constant 0 : i32
      %dma_wait3A_599 = tpu.memref_slice %arg10[%dma_wait3A_596, %dma_wait3A_597, %dma_wait3A_598] : memref<3x80x128xf32, #tpu.memory_space<vmem>> -> memref<1x80x128xf32, #tpu.memory_space<vmem>>
      %dma_wait3A_600 = tpu.memref_squeeze %dma_wait3A_599 : memref<1x80x128xf32, #tpu.memory_space<vmem>> -> memref<80x128xf32, #tpu.memory_space<vmem>>
      %dma_wait3A_601 = arith.constant 0 : i32
      %dma_wait3A_602 = arith.constant 0 : i32
      %dma_wait3A_603 = tpu.memref_slice %arg2[%add3A_595, %dma_wait3A_601, %dma_wait3A_602] : memref<4000x80x128xf32, #tpu.memory_space<hbm>> -> memref<1x80x128xf32, #tpu.memory_space<hbm>>
      %dma_wait3A_604 = tpu.memref_squeeze %dma_wait3A_603 : memref<1x80x128xf32, #tpu.memory_space<hbm>> -> memref<80x128xf32, #tpu.memory_space<hbm>>
      %dma_wait3A_605 = arith.constant 0 : i32
      %dma_wait3A_606 = arith.constant 0 : i32
      %dma_wait3A_607 = tpu.memref_slice %arg10[%dma_wait3A_596, %dma_wait3A_605, %dma_wait3A_606] : memref<3x80x128xf32, #tpu.memory_space<vmem>> -> memref<1x80x128xf32, #tpu.memory_space<vmem>>
      %dma_wait3A_608 = tpu.memref_squeeze %dma_wait3A_607 : memref<1x80x128xf32, #tpu.memory_space<vmem>> -> memref<80x128xf32, #tpu.memory_space<vmem>>
      %dma_wait3A_609 = arith.constant 0 : i32
      %dma_wait3A_610 = arith.constant 0 : i32
      %dma_wait3A_611 = tpu.memref_slice %arg2[%add3A_595, %dma_wait3A_609, %dma_wait3A_610] : memref<4000x80x128xf32, #tpu.memory_space<hbm>> -> memref<1x80x128xf32, #tpu.memory_space<hbm>>
      %dma_wait3A_612 = tpu.memref_squeeze %dma_wait3A_611 : memref<1x80x128xf32, #tpu.memory_space<hbm>> -> memref<80x128xf32, #tpu.memory_space<hbm>>
      tpu.wait_dma2 semaphore(%arg15 : memref<!tpu.dma_semaphore, #tpu.memory_space<semaphore_mem>>) src(%dma_wait3A_612 : memref<80x128xf32, #tpu.memory_space<hbm>>) dst(%dma_wait3A_608 : memref<80x128xf32, #tpu.memory_space<vmem>>)
      %dma_start3A_613 = arith.constant 1 : i32
      %dma_start3A_614 = arith.constant 0 : i32
      %dma_start3A_615 = arith.constant 0 : i32
      %dma_start3A_616 = tpu.memref_slice %arg10[%dma_start3A_613, %dma_start3A_614, %dma_start3A_615] : memref<3x80x128xf32, #tpu.memory_space<vmem>> -> memref<1x80x128xf32, #tpu.memory_space<vmem>>
      %dma_start3A_617 = tpu.memref_squeeze %dma_start3A_616 : memref<1x80x128xf32, #tpu.memory_space<vmem>> -> memref<80x128xf32, #tpu.memory_space<vmem>>
      %dma_start3A_618 = arith.constant 0 : i32
      %dma_start3A_619 = tpu.memref_slice %arg9[%add3A_592, %dma_start3A_618] : memref<25x80xi32, #tpu.memory_space<vmem>> -> memref<1x80xi32, #tpu.memory_space<vmem>>
      %dma_start3A_620 = tpu.memref_squeeze %dma_start3A_619 : memref<1x80xi32, #tpu.memory_space<vmem>> -> memref<80xi32, #tpu.memory_space<vmem>>
      %dma_start3A_621 = arith.constant 0 : i32
      %dma_start3A_622 = arith.constant 0 : i32
      %dma_start3A_623 = tpu.memref_slice %arg12[%dma_start3A_621, %dma_start3A_622] : memref<10000x128xf32, #tpu.memory_space<vmem_shared>> -> memref<10000x128xf32, #tpu.memory_space<vmem_shared>>
      tpu.enqueue_indirect_dma source(%dma_start3A_617 : memref<80x128xf32, #tpu.memory_space<vmem>>) target(%dma_start3A_623 : memref<10000x128xf32, #tpu.memory_space<vmem_shared>>) offsets(%dma_start3A_620 : memref<80xi32, #tpu.memory_space<vmem>>) semaphore(%arg18 : memref<!tpu.dma_semaphore, #tpu.memory_space<semaphore_mem>>) {add = true}
      %dma_start3A_624 = arith.constant 0 : i32
      %dma_start3A_625 = tpu.memref_slice %arg9[%add3A_592, %dma_start3A_624] : memref<25x80xi32, #tpu.memory_space<vmem>> -> memref<1x80xi32, #tpu.memory_space<vmem>>
      %dma_start3A_626 = tpu.memref_squeeze %dma_start3A_625 : memref<1x80xi32, #tpu.memory_space<vmem>> -> memref<80xi32, #tpu.memory_space<vmem>>
      %dma_start3A_627 = arith.constant 0 : i32
      %dma_start3A_628 = tpu.memref_slice %arg13[%dma_start3A_627] : memref<10000xf32, #tpu.memory_space<vmem_shared>> -> memref<10000xf32, #tpu.memory_space<vmem_shared>>
      tpu.enqueue_indirect_dma source(%arg11 : memref<80xf32, #tpu.memory_space<vmem>>) target(%dma_start3A_628 : memref<10000xf32, #tpu.memory_space<vmem_shared>>) offsets(%dma_start3A_626 : memref<80xi32, #tpu.memory_space<vmem>>) semaphore(%arg20 : memref<!tpu.dma_semaphore, #tpu.memory_space<semaphore_mem>>) {add = true}
      %sub3A_629 = arith.constant 1 : i32
      %sub3A_630 = arith.subi %add3A_592, %sub3A_629 : i32
      %dma_wait3A_631 = arith.constant 0 : i32
      %dma_wait3A_632 = arith.constant 0 : i32
      %dma_wait3A_633 = arith.constant 0 : i32
      %dma_wait3A_634 = tpu.memref_slice %arg10[%dma_wait3A_631, %dma_wait3A_632, %dma_wait3A_633] : memref<3x80x128xf32, #tpu.memory_space<vmem>> -> memref<1x80x128xf32, #tpu.memory_space<vmem>>
      %dma_wait3A_635 = tpu.memref_squeeze %dma_wait3A_634 : memref<1x80x128xf32, #tpu.memory_space<vmem>> -> memref<80x128xf32, #tpu.memory_space<vmem>>
      %dma_wait3A_636 = arith.constant 0 : i32
      %dma_wait3A_637 = tpu.memref_slice %arg9[%sub3A_630, %dma_wait3A_636] : memref<25x80xi32, #tpu.memory_space<vmem>> -> memref<1x80xi32, #tpu.memory_space<vmem>>
      %dma_wait3A_638 = tpu.memref_squeeze %dma_wait3A_637 : memref<1x80xi32, #tpu.memory_space<vmem>> -> memref<80xi32, #tpu.memory_space<vmem>>
      %dma_wait3A_639 = arith.constant 0 : i32
      %dma_wait3A_640 = arith.constant 0 : i32
      %dma_wait3A_641 = tpu.memref_slice %arg12[%dma_wait3A_639, %dma_wait3A_640] : memref<10000x128xf32, #tpu.memory_space<vmem_shared>> -> memref<10000x128xf32, #tpu.memory_space<vmem_shared>>
      tpu.wait_indirect_dma semaphore(%arg17 : memref<!tpu.dma_semaphore, #tpu.memory_space<semaphore_mem>>) src(%dma_wait3A_635 : memref<80x128xf32, #tpu.memory_space<vmem>>) dst(%dma_wait3A_641 : memref<10000x128xf32, #tpu.memory_space<vmem_shared>>)
      %add3A_642 = arith.constant 2 : i32
      %add3A_643 = arith.addi %add3A_594, %add3A_642 : i32
      %lt3A_644 = arith.constant 125 : i32
      %lt3A_645 = arith.cmpi slt, %add3A_643, %lt3A_644 : i32
      %convert_element_type3A_646 = arith.extui %lt3A_645 : i1 to i32
      %cond3A_647 = arith.constant 0 : i32
      %cond3A_648 = arith.cmpi ne, %convert_element_type3A_646, %cond3A_647 : i32
      scf.if %cond3A_648 {
        %add3A_649 = arith.addi %mul3A_2, %add3A_594 : i32
        %add3A_650 = arith.constant 2 : i32
        %add3A_651 = arith.addi %add3A_649, %add3A_650 : i32
        %dma_start3A_652 = arith.constant 0 : i32
        %dma_start3A_653 = arith.constant 0 : i32
        %dma_start3A_654 = arith.constant 0 : i32
        %dma_start3A_655 = tpu.memref_slice %arg10[%dma_start3A_652, %dma_start3A_653, %dma_start3A_654] : memref<3x80x128xf32, #tpu.memory_space<vmem>> -> memref<1x80x128xf32, #tpu.memory_space<vmem>>
        %dma_start3A_656 = tpu.memref_squeeze %dma_start3A_655 : memref<1x80x128xf32, #tpu.memory_space<vmem>> -> memref<80x128xf32, #tpu.memory_space<vmem>>
        %dma_start3A_657 = arith.constant 0 : i32
        %dma_start3A_658 = arith.constant 0 : i32
        %dma_start3A_659 = tpu.memref_slice %arg2[%add3A_651, %dma_start3A_657, %dma_start3A_658] : memref<4000x80x128xf32, #tpu.memory_space<hbm>> -> memref<1x80x128xf32, #tpu.memory_space<hbm>>
        %dma_start3A_660 = tpu.memref_squeeze %dma_start3A_659 : memref<1x80x128xf32, #tpu.memory_space<hbm>> -> memref<80x128xf32, #tpu.memory_space<hbm>>
        %dma_start3A_661 = arith.constant 0 : i32
        %dma_start3A_662 = arith.constant 0 : i32
        %dma_start3A_663 = tpu.memref_slice %arg10[%dma_start3A_652, %dma_start3A_661, %dma_start3A_662] : memref<3x80x128xf32, #tpu.memory_space<vmem>> -> memref<1x80x128xf32, #tpu.memory_space<vmem>>
        %dma_start3A_664 = tpu.memref_squeeze %dma_start3A_663 : memref<1x80x128xf32, #tpu.memory_space<vmem>> -> memref<80x128xf32, #tpu.memory_space<vmem>>
        %dma_start3A_665 = arith.constant 0 : i32
        %dma_start3A_666 = arith.constant 0 : i32
        %dma_start3A_667 = tpu.memref_slice %arg2[%add3A_651, %dma_start3A_665, %dma_start3A_666] : memref<4000x80x128xf32, #tpu.memory_space<hbm>> -> memref<1x80x128xf32, #tpu.memory_space<hbm>>
        %dma_start3A_668 = tpu.memref_squeeze %dma_start3A_667 : memref<1x80x128xf32, #tpu.memory_space<hbm>> -> memref<80x128xf32, #tpu.memory_space<hbm>>
        tpu.enqueue_dma source(%dma_start3A_668 : memref<80x128xf32, #tpu.memory_space<hbm>>) target(%dma_start3A_664 : memref<80x128xf32, #tpu.memory_space<vmem>>) target_semaphore(%arg14 : memref<!tpu.dma_semaphore, #tpu.memory_space<semaphore_mem>>)
      } else {
      }
    }
    %scan3A_189 = arith.constant 8 : i32
    %dma_wait3A_190 = arith.constant 1 : i32
    %dma_wait3A_191 = arith.constant 24 : i32
    %dma_wait3A_192 = arith.constant 0 : i32
    %dma_wait3A_193 = arith.constant 0 : i32
    %dma_wait3A_194 = tpu.memref_slice %arg10[%dma_wait3A_190, %dma_wait3A_192, %dma_wait3A_193] : memref<3x80x128xf32, #tpu.memory_space<vmem>> -> memref<1x80x128xf32, #tpu.memory_space<vmem>>
    %dma_wait3A_195 = tpu.memref_squeeze %dma_wait3A_194 : memref<1x80x128xf32, #tpu.memory_space<vmem>> -> memref<80x128xf32, #tpu.memory_space<vmem>>
    %dma_wait3A_196 = arith.constant 0 : i32
    %dma_wait3A_197 = tpu.memref_slice %arg9[%dma_wait3A_191, %dma_wait3A_196] : memref<25x80xi32, #tpu.memory_space<vmem>> -> memref<1x80xi32, #tpu.memory_space<vmem>>
    %dma_wait3A_198 = tpu.memref_squeeze %dma_wait3A_197 : memref<1x80xi32, #tpu.memory_space<vmem>> -> memref<80xi32, #tpu.memory_space<vmem>>
    %dma_wait3A_199 = arith.constant 0 : i32
    %dma_wait3A_200 = arith.constant 0 : i32
    %dma_wait3A_201 = tpu.memref_slice %arg12[%dma_wait3A_199, %dma_wait3A_200] : memref<10000x128xf32, #tpu.memory_space<vmem_shared>> -> memref<10000x128xf32, #tpu.memory_space<vmem_shared>>
    tpu.wait_indirect_dma semaphore(%arg18 : memref<!tpu.dma_semaphore, #tpu.memory_space<semaphore_mem>>) src(%dma_wait3A_195 : memref<80x128xf32, #tpu.memory_space<vmem>>) dst(%dma_wait3A_201 : memref<10000x128xf32, #tpu.memory_space<vmem_shared>>)
    %scan3A_202 = arith.constant 0 : i32
    %scan3A_203 = arith.constant 0 : i32
    %scan3A_204 = arith.constant 25 : i32
    %scan3A_205 = arith.addi %scan3A_203, %scan3A_204 : i32
    %scan3A_206 = arith.constant 1 : i32
    scf.for %scan3A_468 = %scan3A_203 to %scan3A_205 step %scan3A_206  : i32 {
      %dma_wait3A_469 = arith.constant 0 : i32
      %dma_wait3A_470 = arith.constant 0 : i32
      %dma_wait3A_471 = tpu.memref_slice %arg9[%dma_wait3A_469, %dma_wait3A_470] : memref<25x80xi32, #tpu.memory_space<vmem>> -> memref<1x80xi32, #tpu.memory_space<vmem>>
      %dma_wait3A_472 = tpu.memref_squeeze %dma_wait3A_471 : memref<1x80xi32, #tpu.memory_space<vmem>> -> memref<80xi32, #tpu.memory_space<vmem>>
      %dma_wait3A_473 = arith.constant 0 : i32
      %dma_wait3A_474 = tpu.memref_slice %arg13[%dma_wait3A_473] : memref<10000xf32, #tpu.memory_space<vmem_shared>> -> memref<10000xf32, #tpu.memory_space<vmem_shared>>
      tpu.wait_indirect_dma semaphore(%arg20 : memref<!tpu.dma_semaphore, #tpu.memory_space<semaphore_mem>>) src(%arg11 : memref<80xf32, #tpu.memory_space<vmem>>) dst(%dma_wait3A_474 : memref<10000xf32, #tpu.memory_space<vmem_shared>>)
    }
    %scan3A_207 = arith.constant 25 : i32
    %run_scoped3A_208 = arith.constant 2 : i32
    "tpu.region"() ({
      %run_scoped3A_468 = tpu.sem_alloc : memref<!tpu.dma_semaphore, #tpu.memory_space<semaphore_mem>>
      %dma_start3A_469 = arith.constant 0 : i32
      %dma_start3A_470 = arith.constant 0 : i32
      %dma_start3A_471 = tpu.memref_slice %arg3[%add3A, %run_scoped3A_208, %dma_start3A_469, %dma_start3A_470] : memref<32x5x25x80xi32, #tpu.memory_space<hbm>> -> memref<1x1x25x80xi32, #tpu.memory_space<hbm>>
      %dma_start3A_472 = tpu.memref_squeeze %dma_start3A_471 : memref<1x1x25x80xi32, #tpu.memory_space<hbm>> -> memref<25x80xi32, #tpu.memory_space<hbm>>
      %dma_start3A_473 = arith.constant 0 : i32
      %dma_start3A_474 = arith.constant 0 : i32
      %dma_start3A_475 = tpu.memref_slice %arg3[%add3A, %run_scoped3A_208, %dma_start3A_473, %dma_start3A_474] : memref<32x5x25x80xi32, #tpu.memory_space<hbm>> -> memref<1x1x25x80xi32, #tpu.memory_space<hbm>>
      %dma_start3A_476 = tpu.memref_squeeze %dma_start3A_475 : memref<1x1x25x80xi32, #tpu.memory_space<hbm>> -> memref<25x80xi32, #tpu.memory_space<hbm>>
      tpu.enqueue_dma source(%dma_start3A_476 : memref<25x80xi32, #tpu.memory_space<hbm>>) target(%arg9 : memref<25x80xi32, #tpu.memory_space<vmem>>) target_semaphore(%run_scoped3A_468 : memref<!tpu.dma_semaphore, #tpu.memory_space<semaphore_mem>>)
      %dma_wait3A_477 = arith.constant 0 : i32
      %dma_wait3A_478 = arith.constant 0 : i32
      %dma_wait3A_479 = tpu.memref_slice %arg3[%add3A, %run_scoped3A_208, %dma_wait3A_477, %dma_wait3A_478] : memref<32x5x25x80xi32, #tpu.memory_space<hbm>> -> memref<1x1x25x80xi32, #tpu.memory_space<hbm>>
      %dma_wait3A_480 = tpu.memref_squeeze %dma_wait3A_479 : memref<1x1x25x80xi32, #tpu.memory_space<hbm>> -> memref<25x80xi32, #tpu.memory_space<hbm>>
      %dma_wait3A_481 = arith.constant 0 : i32
      %dma_wait3A_482 = arith.constant 0 : i32
      %dma_wait3A_483 = tpu.memref_slice %arg3[%add3A, %run_scoped3A_208, %dma_wait3A_481, %dma_wait3A_482] : memref<32x5x25x80xi32, #tpu.memory_space<hbm>> -> memref<1x1x25x80xi32, #tpu.memory_space<hbm>>
      %dma_wait3A_484 = tpu.memref_squeeze %dma_wait3A_483 : memref<1x1x25x80xi32, #tpu.memory_space<hbm>> -> memref<25x80xi32, #tpu.memory_space<hbm>>
      tpu.wait_dma2 semaphore(%run_scoped3A_468 : memref<!tpu.dma_semaphore, #tpu.memory_space<semaphore_mem>>) src(%dma_wait3A_484 : memref<25x80xi32, #tpu.memory_space<hbm>>) dst(%arg9 : memref<25x80xi32, #tpu.memory_space<vmem>>)
      tpu.yield
    }) : () -> ()
    %add3A_209 = arith.constant 50 : i32
    %add3A_210 = arith.addi %mul3A_2, %add3A_209 : i32
    %dma_wait3A_211 = arith.constant 2 : i32
    %dma_wait3A_212 = arith.constant 0 : i32
    %dma_wait3A_213 = arith.constant 0 : i32
    %dma_wait3A_214 = tpu.memref_slice %arg10[%dma_wait3A_211, %dma_wait3A_212, %dma_wait3A_213] : memref<3x80x128xf32, #tpu.memory_space<vmem>> -> memref<1x80x128xf32, #tpu.memory_space<vmem>>
    %dma_wait3A_215 = tpu.memref_squeeze %dma_wait3A_214 : memref<1x80x128xf32, #tpu.memory_space<vmem>> -> memref<80x128xf32, #tpu.memory_space<vmem>>
    %dma_wait3A_216 = arith.constant 0 : i32
    %dma_wait3A_217 = arith.constant 0 : i32
    %dma_wait3A_218 = tpu.memref_slice %arg2[%add3A_210, %dma_wait3A_216, %dma_wait3A_217] : memref<4000x80x128xf32, #tpu.memory_space<hbm>> -> memref<1x80x128xf32, #tpu.memory_space<hbm>>
    %dma_wait3A_219 = tpu.memref_squeeze %dma_wait3A_218 : memref<1x80x128xf32, #tpu.memory_space<hbm>> -> memref<80x128xf32, #tpu.memory_space<hbm>>
    %dma_wait3A_220 = arith.constant 0 : i32
    %dma_wait3A_221 = arith.constant 0 : i32
    %dma_wait3A_222 = tpu.memref_slice %arg10[%dma_wait3A_211, %dma_wait3A_220, %dma_wait3A_221] : memref<3x80x128xf32, #tpu.memory_space<vmem>> -> memref<1x80x128xf32, #tpu.memory_space<vmem>>
    %dma_wait3A_223 = tpu.memref_squeeze %dma_wait3A_222 : memref<1x80x128xf32, #tpu.memory_space<vmem>> -> memref<80x128xf32, #tpu.memory_space<vmem>>
    %dma_wait3A_224 = arith.constant 0 : i32
    %dma_wait3A_225 = arith.constant 0 : i32
    %dma_wait3A_226 = tpu.memref_slice %arg2[%add3A_210, %dma_wait3A_224, %dma_wait3A_225] : memref<4000x80x128xf32, #tpu.memory_space<hbm>> -> memref<1x80x128xf32, #tpu.memory_space<hbm>>
    %dma_wait3A_227 = tpu.memref_squeeze %dma_wait3A_226 : memref<1x80x128xf32, #tpu.memory_space<hbm>> -> memref<80x128xf32, #tpu.memory_space<hbm>>
    tpu.wait_dma2 semaphore(%arg16 : memref<!tpu.dma_semaphore, #tpu.memory_space<semaphore_mem>>) src(%dma_wait3A_227 : memref<80x128xf32, #tpu.memory_space<hbm>>) dst(%dma_wait3A_223 : memref<80x128xf32, #tpu.memory_space<vmem>>)
    %dma_start3A_228 = arith.constant 2 : i32
    %dma_start3A_229 = arith.constant 0 : i32
    %dma_start3A_230 = arith.constant 0 : i32
    %dma_start3A_231 = arith.constant 0 : i32
    %dma_start3A_232 = tpu.memref_slice %arg10[%dma_start3A_228, %dma_start3A_230, %dma_start3A_231] : memref<3x80x128xf32, #tpu.memory_space<vmem>> -> memref<1x80x128xf32, #tpu.memory_space<vmem>>
    %dma_start3A_233 = tpu.memref_squeeze %dma_start3A_232 : memref<1x80x128xf32, #tpu.memory_space<vmem>> -> memref<80x128xf32, #tpu.memory_space<vmem>>
    %dma_start3A_234 = arith.constant 0 : i32
    %dma_start3A_235 = tpu.memref_slice %arg9[%dma_start3A_229, %dma_start3A_234] : memref<25x80xi32, #tpu.memory_space<vmem>> -> memref<1x80xi32, #tpu.memory_space<vmem>>
    %dma_start3A_236 = tpu.memref_squeeze %dma_start3A_235 : memref<1x80xi32, #tpu.memory_space<vmem>> -> memref<80xi32, #tpu.memory_space<vmem>>
    %dma_start3A_237 = arith.constant 0 : i32
    %dma_start3A_238 = arith.constant 0 : i32
    %dma_start3A_239 = tpu.memref_slice %arg12[%dma_start3A_237, %dma_start3A_238] : memref<10000x128xf32, #tpu.memory_space<vmem_shared>> -> memref<10000x128xf32, #tpu.memory_space<vmem_shared>>
    tpu.enqueue_indirect_dma source(%dma_start3A_233 : memref<80x128xf32, #tpu.memory_space<vmem>>) target(%dma_start3A_239 : memref<10000x128xf32, #tpu.memory_space<vmem_shared>>) offsets(%dma_start3A_236 : memref<80xi32, #tpu.memory_space<vmem>>) semaphore(%arg19 : memref<!tpu.dma_semaphore, #tpu.memory_space<semaphore_mem>>) {add = true}
    %dma_start3A_240 = arith.constant 0 : i32
    %dma_start3A_241 = arith.constant 0 : i32
    %dma_start3A_242 = tpu.memref_slice %arg9[%dma_start3A_240, %dma_start3A_241] : memref<25x80xi32, #tpu.memory_space<vmem>> -> memref<1x80xi32, #tpu.memory_space<vmem>>
    %dma_start3A_243 = tpu.memref_squeeze %dma_start3A_242 : memref<1x80xi32, #tpu.memory_space<vmem>> -> memref<80xi32, #tpu.memory_space<vmem>>
    %dma_start3A_244 = arith.constant 0 : i32
    %dma_start3A_245 = tpu.memref_slice %arg13[%dma_start3A_244] : memref<10000xf32, #tpu.memory_space<vmem_shared>> -> memref<10000xf32, #tpu.memory_space<vmem_shared>>
    tpu.enqueue_indirect_dma source(%arg11 : memref<80xf32, #tpu.memory_space<vmem>>) target(%dma_start3A_245 : memref<10000xf32, #tpu.memory_space<vmem_shared>>) offsets(%dma_start3A_243 : memref<80xi32, #tpu.memory_space<vmem>>) semaphore(%arg20 : memref<!tpu.dma_semaphore, #tpu.memory_space<semaphore_mem>>) {add = true}
    %add3A_246 = arith.constant 50 : i32
    %add3A_247 = arith.addi %mul3A_2, %add3A_246 : i32
    %add3A_248 = arith.constant 2 : i32
    %add3A_249 = arith.addi %add3A_247, %add3A_248 : i32
    %dma_start3A_250 = arith.constant 1 : i32
    %dma_start3A_251 = arith.constant 0 : i32
    %dma_start3A_252 = arith.constant 0 : i32
    %dma_start3A_253 = tpu.memref_slice %arg10[%dma_start3A_250, %dma_start3A_251, %dma_start3A_252] : memref<3x80x128xf32, #tpu.memory_space<vmem>> -> memref<1x80x128xf32, #tpu.memory_space<vmem>>
    %dma_start3A_254 = tpu.memref_squeeze %dma_start3A_253 : memref<1x80x128xf32, #tpu.memory_space<vmem>> -> memref<80x128xf32, #tpu.memory_space<vmem>>
    %dma_start3A_255 = arith.constant 0 : i32
    %dma_start3A_256 = arith.constant 0 : i32
    %dma_start3A_257 = tpu.memref_slice %arg2[%add3A_249, %dma_start3A_255, %dma_start3A_256] : memref<4000x80x128xf32, #tpu.memory_space<hbm>> -> memref<1x80x128xf32, #tpu.memory_space<hbm>>
    %dma_start3A_258 = tpu.memref_squeeze %dma_start3A_257 : memref<1x80x128xf32, #tpu.memory_space<hbm>> -> memref<80x128xf32, #tpu.memory_space<hbm>>
    %dma_start3A_259 = arith.constant 0 : i32
    %dma_start3A_260 = arith.constant 0 : i32
    %dma_start3A_261 = tpu.memref_slice %arg10[%dma_start3A_250, %dma_start3A_259, %dma_start3A_260] : memref<3x80x128xf32, #tpu.memory_space<vmem>> -> memref<1x80x128xf32, #tpu.memory_space<vmem>>
    %dma_start3A_262 = tpu.memref_squeeze %dma_start3A_261 : memref<1x80x128xf32, #tpu.memory_space<vmem>> -> memref<80x128xf32, #tpu.memory_space<vmem>>
    %dma_start3A_263 = arith.constant 0 : i32
    %dma_start3A_264 = arith.constant 0 : i32
    %dma_start3A_265 = tpu.memref_slice %arg2[%add3A_249, %dma_start3A_263, %dma_start3A_264] : memref<4000x80x128xf32, #tpu.memory_space<hbm>> -> memref<1x80x128xf32, #tpu.memory_space<hbm>>
    %dma_start3A_266 = tpu.memref_squeeze %dma_start3A_265 : memref<1x80x128xf32, #tpu.memory_space<hbm>> -> memref<80x128xf32, #tpu.memory_space<hbm>>
    tpu.enqueue_dma source(%dma_start3A_266 : memref<80x128xf32, #tpu.memory_space<hbm>>) target(%dma_start3A_262 : memref<80x128xf32, #tpu.memory_space<vmem>>) target_semaphore(%arg15 : memref<!tpu.dma_semaphore, #tpu.memory_space<semaphore_mem>>)
    %scan3A_267 = arith.constant 0 : i32
    %scan3A_268 = arith.constant 0 : i32
    %scan3A_269 = arith.constant 8 : i32
    %scan3A_270 = arith.addi %scan3A_268, %scan3A_269 : i32
    %scan3A_271 = arith.constant 1 : i32
    scf.for %scan3A_468 = %scan3A_268 to %scan3A_270 step %scan3A_271  : i32 {
      %mul3A_469 = arith.constant 3 : i32
      %mul3A_470 = arith.muli %mul3A_469, %scan3A_468 : i32
      %add3A_471 = arith.constant 1 : i32
      %add3A_472 = arith.addi %mul3A_470, %add3A_471 : i32
      %add3A_473 = arith.constant 0 : i32
      %add3A_474 = arith.addi %add3A_472, %add3A_473 : i32
      %add3A_475 = arith.constant 50 : i32
      %add3A_476 = arith.addi %add3A_475, %add3A_474 : i32
      %add3A_477 = arith.addi %mul3A_2, %add3A_476 : i32
      %dma_wait3A_478 = arith.constant 0 : i32
      %dma_wait3A_479 = arith.constant 0 : i32
      %dma_wait3A_480 = arith.constant 0 : i32
      %dma_wait3A_481 = tpu.memref_slice %arg10[%dma_wait3A_478, %dma_wait3A_479, %dma_wait3A_480] : memref<3x80x128xf32, #tpu.memory_space<vmem>> -> memref<1x80x128xf32, #tpu.memory_space<vmem>>
      %dma_wait3A_482 = tpu.memref_squeeze %dma_wait3A_481 : memref<1x80x128xf32, #tpu.memory_space<vmem>> -> memref<80x128xf32, #tpu.memory_space<vmem>>
      %dma_wait3A_483 = arith.constant 0 : i32
      %dma_wait3A_484 = arith.constant 0 : i32
      %dma_wait3A_485 = tpu.memref_slice %arg2[%add3A_477, %dma_wait3A_483, %dma_wait3A_484] : memref<4000x80x128xf32, #tpu.memory_space<hbm>> -> memref<1x80x128xf32, #tpu.memory_space<hbm>>
      %dma_wait3A_486 = tpu.memref_squeeze %dma_wait3A_485 : memref<1x80x128xf32, #tpu.memory_space<hbm>> -> memref<80x128xf32, #tpu.memory_space<hbm>>
      %dma_wait3A_487 = arith.constant 0 : i32
      %dma_wait3A_488 = arith.constant 0 : i32
      %dma_wait3A_489 = tpu.memref_slice %arg10[%dma_wait3A_478, %dma_wait3A_487, %dma_wait3A_488] : memref<3x80x128xf32, #tpu.memory_space<vmem>> -> memref<1x80x128xf32, #tpu.memory_space<vmem>>
      %dma_wait3A_490 = tpu.memref_squeeze %dma_wait3A_489 : memref<1x80x128xf32, #tpu.memory_space<vmem>> -> memref<80x128xf32, #tpu.memory_space<vmem>>
      %dma_wait3A_491 = arith.constant 0 : i32
      %dma_wait3A_492 = arith.constant 0 : i32
      %dma_wait3A_493 = tpu.memref_slice %arg2[%add3A_477, %dma_wait3A_491, %dma_wait3A_492] : memref<4000x80x128xf32, #tpu.memory_space<hbm>> -> memref<1x80x128xf32, #tpu.memory_space<hbm>>
      %dma_wait3A_494 = tpu.memref_squeeze %dma_wait3A_493 : memref<1x80x128xf32, #tpu.memory_space<hbm>> -> memref<80x128xf32, #tpu.memory_space<hbm>>
      tpu.wait_dma2 semaphore(%arg14 : memref<!tpu.dma_semaphore, #tpu.memory_space<semaphore_mem>>) src(%dma_wait3A_494 : memref<80x128xf32, #tpu.memory_space<hbm>>) dst(%dma_wait3A_490 : memref<80x128xf32, #tpu.memory_space<vmem>>)
      %dma_start3A_495 = arith.constant 0 : i32
      %dma_start3A_496 = arith.constant 0 : i32
      %dma_start3A_497 = arith.constant 0 : i32
      %dma_start3A_498 = tpu.memref_slice %arg10[%dma_start3A_495, %dma_start3A_496, %dma_start3A_497] : memref<3x80x128xf32, #tpu.memory_space<vmem>> -> memref<1x80x128xf32, #tpu.memory_space<vmem>>
      %dma_start3A_499 = tpu.memref_squeeze %dma_start3A_498 : memref<1x80x128xf32, #tpu.memory_space<vmem>> -> memref<80x128xf32, #tpu.memory_space<vmem>>
      %dma_start3A_500 = arith.constant 0 : i32
      %dma_start3A_501 = tpu.memref_slice %arg9[%add3A_474, %dma_start3A_500] : memref<25x80xi32, #tpu.memory_space<vmem>> -> memref<1x80xi32, #tpu.memory_space<vmem>>
      %dma_start3A_502 = tpu.memref_squeeze %dma_start3A_501 : memref<1x80xi32, #tpu.memory_space<vmem>> -> memref<80xi32, #tpu.memory_space<vmem>>
      %dma_start3A_503 = arith.constant 0 : i32
      %dma_start3A_504 = arith.constant 0 : i32
      %dma_start3A_505 = tpu.memref_slice %arg12[%dma_start3A_503, %dma_start3A_504] : memref<10000x128xf32, #tpu.memory_space<vmem_shared>> -> memref<10000x128xf32, #tpu.memory_space<vmem_shared>>
      tpu.enqueue_indirect_dma source(%dma_start3A_499 : memref<80x128xf32, #tpu.memory_space<vmem>>) target(%dma_start3A_505 : memref<10000x128xf32, #tpu.memory_space<vmem_shared>>) offsets(%dma_start3A_502 : memref<80xi32, #tpu.memory_space<vmem>>) semaphore(%arg17 : memref<!tpu.dma_semaphore, #tpu.memory_space<semaphore_mem>>) {add = true}
      %dma_start3A_506 = arith.constant 0 : i32
      %dma_start3A_507 = tpu.memref_slice %arg9[%add3A_474, %dma_start3A_506] : memref<25x80xi32, #tpu.memory_space<vmem>> -> memref<1x80xi32, #tpu.memory_space<vmem>>
      %dma_start3A_508 = tpu.memref_squeeze %dma_start3A_507 : memref<1x80xi32, #tpu.memory_space<vmem>> -> memref<80xi32, #tpu.memory_space<vmem>>
      %dma_start3A_509 = arith.constant 0 : i32
      %dma_start3A_510 = tpu.memref_slice %arg13[%dma_start3A_509] : memref<10000xf32, #tpu.memory_space<vmem_shared>> -> memref<10000xf32, #tpu.memory_space<vmem_shared>>
      tpu.enqueue_indirect_dma source(%arg11 : memref<80xf32, #tpu.memory_space<vmem>>) target(%dma_start3A_510 : memref<10000xf32, #tpu.memory_space<vmem_shared>>) offsets(%dma_start3A_508 : memref<80xi32, #tpu.memory_space<vmem>>) semaphore(%arg20 : memref<!tpu.dma_semaphore, #tpu.memory_space<semaphore_mem>>) {add = true}
      %sub3A = arith.constant 1 : i32
      %sub3A_511 = arith.subi %add3A_474, %sub3A : i32
      %dma_wait3A_512 = arith.constant 2 : i32
      %dma_wait3A_513 = arith.constant 0 : i32
      %dma_wait3A_514 = arith.constant 0 : i32
      %dma_wait3A_515 = tpu.memref_slice %arg10[%dma_wait3A_512, %dma_wait3A_513, %dma_wait3A_514] : memref<3x80x128xf32, #tpu.memory_space<vmem>> -> memref<1x80x128xf32, #tpu.memory_space<vmem>>
      %dma_wait3A_516 = tpu.memref_squeeze %dma_wait3A_515 : memref<1x80x128xf32, #tpu.memory_space<vmem>> -> memref<80x128xf32, #tpu.memory_space<vmem>>
      %dma_wait3A_517 = arith.constant 0 : i32
      %dma_wait3A_518 = tpu.memref_slice %arg9[%sub3A_511, %dma_wait3A_517] : memref<25x80xi32, #tpu.memory_space<vmem>> -> memref<1x80xi32, #tpu.memory_space<vmem>>
      %dma_wait3A_519 = tpu.memref_squeeze %dma_wait3A_518 : memref<1x80xi32, #tpu.memory_space<vmem>> -> memref<80xi32, #tpu.memory_space<vmem>>
      %dma_wait3A_520 = arith.constant 0 : i32
      %dma_wait3A_521 = arith.constant 0 : i32
      %dma_wait3A_522 = tpu.memref_slice %arg12[%dma_wait3A_520, %dma_wait3A_521] : memref<10000x128xf32, #tpu.memory_space<vmem_shared>> -> memref<10000x128xf32, #tpu.memory_space<vmem_shared>>
      tpu.wait_indirect_dma semaphore(%arg19 : memref<!tpu.dma_semaphore, #tpu.memory_space<semaphore_mem>>) src(%dma_wait3A_516 : memref<80x128xf32, #tpu.memory_space<vmem>>) dst(%dma_wait3A_522 : memref<10000x128xf32, #tpu.memory_space<vmem_shared>>)
      %add3A_523 = arith.constant 2 : i32
      %add3A_524 = arith.addi %add3A_476, %add3A_523 : i32
      %lt3A = arith.constant 125 : i32
      %lt3A_525 = arith.cmpi slt, %add3A_524, %lt3A : i32
      %convert_element_type3A_526 = arith.extui %lt3A_525 : i1 to i32
      %cond3A_527 = arith.constant 0 : i32
      %cond3A_528 = arith.cmpi ne, %convert_element_type3A_526, %cond3A_527 : i32
      scf.if %cond3A_528 {
        %add3A_649 = arith.addi %mul3A_2, %add3A_476 : i32
        %add3A_650 = arith.constant 2 : i32
        %add3A_651 = arith.addi %add3A_649, %add3A_650 : i32
        %dma_start3A_652 = arith.constant 2 : i32
        %dma_start3A_653 = arith.constant 0 : i32
        %dma_start3A_654 = arith.constant 0 : i32
        %dma_start3A_655 = tpu.memref_slice %arg10[%dma_start3A_652, %dma_start3A_653, %dma_start3A_654] : memref<3x80x128xf32, #tpu.memory_space<vmem>> -> memref<1x80x128xf32, #tpu.memory_space<vmem>>
        %dma_start3A_656 = tpu.memref_squeeze %dma_start3A_655 : memref<1x80x128xf32, #tpu.memory_space<vmem>> -> memref<80x128xf32, #tpu.memory_space<vmem>>
        %dma_start3A_657 = arith.constant 0 : i32
        %dma_start3A_658 = arith.constant 0 : i32
        %dma_start3A_659 = tpu.memref_slice %arg2[%add3A_651, %dma_start3A_657, %dma_start3A_658] : memref<4000x80x128xf32, #tpu.memory_space<hbm>> -> memref<1x80x128xf32, #tpu.memory_space<hbm>>
        %dma_start3A_660 = tpu.memref_squeeze %dma_start3A_659 : memref<1x80x128xf32, #tpu.memory_space<hbm>> -> memref<80x128xf32, #tpu.memory_space<hbm>>
        %dma_start3A_661 = arith.constant 0 : i32
        %dma_start3A_662 = arith.constant 0 : i32
        %dma_start3A_663 = tpu.memref_slice %arg10[%dma_start3A_652, %dma_start3A_661, %dma_start3A_662] : memref<3x80x128xf32, #tpu.memory_space<vmem>> -> memref<1x80x128xf32, #tpu.memory_space<vmem>>
        %dma_start3A_664 = tpu.memref_squeeze %dma_start3A_663 : memref<1x80x128xf32, #tpu.memory_space<vmem>> -> memref<80x128xf32, #tpu.memory_space<vmem>>
        %dma_start3A_665 = arith.constant 0 : i32
        %dma_start3A_666 = arith.constant 0 : i32
        %dma_start3A_667 = tpu.memref_slice %arg2[%add3A_651, %dma_start3A_665, %dma_start3A_666] : memref<4000x80x128xf32, #tpu.memory_space<hbm>> -> memref<1x80x128xf32, #tpu.memory_space<hbm>>
        %dma_start3A_668 = tpu.memref_squeeze %dma_start3A_667 : memref<1x80x128xf32, #tpu.memory_space<hbm>> -> memref<80x128xf32, #tpu.memory_space<hbm>>
        tpu.enqueue_dma source(%dma_start3A_668 : memref<80x128xf32, #tpu.memory_space<hbm>>) target(%dma_start3A_664 : memref<80x128xf32, #tpu.memory_space<vmem>>) target_semaphore(%arg16 : memref<!tpu.dma_semaphore, #tpu.memory_space<semaphore_mem>>)
      } else {
      }
      %add3A_529 = arith.constant 1 : i32
      %add3A_530 = arith.addi %mul3A_470, %add3A_529 : i32
      %add3A_531 = arith.constant 1 : i32
      %add3A_532 = arith.addi %add3A_530, %add3A_531 : i32
      %add3A_533 = arith.constant 50 : i32
      %add3A_534 = arith.addi %add3A_533, %add3A_532 : i32
      %add3A_535 = arith.addi %mul3A_2, %add3A_534 : i32
      %dma_wait3A_536 = arith.constant 1 : i32
      %dma_wait3A_537 = arith.constant 0 : i32
      %dma_wait3A_538 = arith.constant 0 : i32
      %dma_wait3A_539 = tpu.memref_slice %arg10[%dma_wait3A_536, %dma_wait3A_537, %dma_wait3A_538] : memref<3x80x128xf32, #tpu.memory_space<vmem>> -> memref<1x80x128xf32, #tpu.memory_space<vmem>>
      %dma_wait3A_540 = tpu.memref_squeeze %dma_wait3A_539 : memref<1x80x128xf32, #tpu.memory_space<vmem>> -> memref<80x128xf32, #tpu.memory_space<vmem>>
      %dma_wait3A_541 = arith.constant 0 : i32
      %dma_wait3A_542 = arith.constant 0 : i32
      %dma_wait3A_543 = tpu.memref_slice %arg2[%add3A_535, %dma_wait3A_541, %dma_wait3A_542] : memref<4000x80x128xf32, #tpu.memory_space<hbm>> -> memref<1x80x128xf32, #tpu.memory_space<hbm>>
      %dma_wait3A_544 = tpu.memref_squeeze %dma_wait3A_543 : memref<1x80x128xf32, #tpu.memory_space<hbm>> -> memref<80x128xf32, #tpu.memory_space<hbm>>
      %dma_wait3A_545 = arith.constant 0 : i32
      %dma_wait3A_546 = arith.constant 0 : i32
      %dma_wait3A_547 = tpu.memref_slice %arg10[%dma_wait3A_536, %dma_wait3A_545, %dma_wait3A_546] : memref<3x80x128xf32, #tpu.memory_space<vmem>> -> memref<1x80x128xf32, #tpu.memory_space<vmem>>
      %dma_wait3A_548 = tpu.memref_squeeze %dma_wait3A_547 : memref<1x80x128xf32, #tpu.memory_space<vmem>> -> memref<80x128xf32, #tpu.memory_space<vmem>>
      %dma_wait3A_549 = arith.constant 0 : i32
      %dma_wait3A_550 = arith.constant 0 : i32
      %dma_wait3A_551 = tpu.memref_slice %arg2[%add3A_535, %dma_wait3A_549, %dma_wait3A_550] : memref<4000x80x128xf32, #tpu.memory_space<hbm>> -> memref<1x80x128xf32, #tpu.memory_space<hbm>>
      %dma_wait3A_552 = tpu.memref_squeeze %dma_wait3A_551 : memref<1x80x128xf32, #tpu.memory_space<hbm>> -> memref<80x128xf32, #tpu.memory_space<hbm>>
      tpu.wait_dma2 semaphore(%arg15 : memref<!tpu.dma_semaphore, #tpu.memory_space<semaphore_mem>>) src(%dma_wait3A_552 : memref<80x128xf32, #tpu.memory_space<hbm>>) dst(%dma_wait3A_548 : memref<80x128xf32, #tpu.memory_space<vmem>>)
      %dma_start3A_553 = arith.constant 1 : i32
      %dma_start3A_554 = arith.constant 0 : i32
      %dma_start3A_555 = arith.constant 0 : i32
      %dma_start3A_556 = tpu.memref_slice %arg10[%dma_start3A_553, %dma_start3A_554, %dma_start3A_555] : memref<3x80x128xf32, #tpu.memory_space<vmem>> -> memref<1x80x128xf32, #tpu.memory_space<vmem>>
      %dma_start3A_557 = tpu.memref_squeeze %dma_start3A_556 : memref<1x80x128xf32, #tpu.memory_space<vmem>> -> memref<80x128xf32, #tpu.memory_space<vmem>>
      %dma_start3A_558 = arith.constant 0 : i32
      %dma_start3A_559 = tpu.memref_slice %arg9[%add3A_532, %dma_start3A_558] : memref<25x80xi32, #tpu.memory_space<vmem>> -> memref<1x80xi32, #tpu.memory_space<vmem>>
      %dma_start3A_560 = tpu.memref_squeeze %dma_start3A_559 : memref<1x80xi32, #tpu.memory_space<vmem>> -> memref<80xi32, #tpu.memory_space<vmem>>
      %dma_start3A_561 = arith.constant 0 : i32
      %dma_start3A_562 = arith.constant 0 : i32
      %dma_start3A_563 = tpu.memref_slice %arg12[%dma_start3A_561, %dma_start3A_562] : memref<10000x128xf32, #tpu.memory_space<vmem_shared>> -> memref<10000x128xf32, #tpu.memory_space<vmem_shared>>
      tpu.enqueue_indirect_dma source(%dma_start3A_557 : memref<80x128xf32, #tpu.memory_space<vmem>>) target(%dma_start3A_563 : memref<10000x128xf32, #tpu.memory_space<vmem_shared>>) offsets(%dma_start3A_560 : memref<80xi32, #tpu.memory_space<vmem>>) semaphore(%arg18 : memref<!tpu.dma_semaphore, #tpu.memory_space<semaphore_mem>>) {add = true}
      %dma_start3A_564 = arith.constant 0 : i32
      %dma_start3A_565 = tpu.memref_slice %arg9[%add3A_532, %dma_start3A_564] : memref<25x80xi32, #tpu.memory_space<vmem>> -> memref<1x80xi32, #tpu.memory_space<vmem>>
      %dma_start3A_566 = tpu.memref_squeeze %dma_start3A_565 : memref<1x80xi32, #tpu.memory_space<vmem>> -> memref<80xi32, #tpu.memory_space<vmem>>
      %dma_start3A_567 = arith.constant 0 : i32
      %dma_start3A_568 = tpu.memref_slice %arg13[%dma_start3A_567] : memref<10000xf32, #tpu.memory_space<vmem_shared>> -> memref<10000xf32, #tpu.memory_space<vmem_shared>>
      tpu.enqueue_indirect_dma source(%arg11 : memref<80xf32, #tpu.memory_space<vmem>>) target(%dma_start3A_568 : memref<10000xf32, #tpu.memory_space<vmem_shared>>) offsets(%dma_start3A_566 : memref<80xi32, #tpu.memory_space<vmem>>) semaphore(%arg20 : memref<!tpu.dma_semaphore, #tpu.memory_space<semaphore_mem>>) {add = true}
      %sub3A_569 = arith.constant 1 : i32
      %sub3A_570 = arith.subi %add3A_532, %sub3A_569 : i32
      %dma_wait3A_571 = arith.constant 0 : i32
      %dma_wait3A_572 = arith.constant 0 : i32
      %dma_wait3A_573 = arith.constant 0 : i32
      %dma_wait3A_574 = tpu.memref_slice %arg10[%dma_wait3A_571, %dma_wait3A_572, %dma_wait3A_573] : memref<3x80x128xf32, #tpu.memory_space<vmem>> -> memref<1x80x128xf32, #tpu.memory_space<vmem>>
      %dma_wait3A_575 = tpu.memref_squeeze %dma_wait3A_574 : memref<1x80x128xf32, #tpu.memory_space<vmem>> -> memref<80x128xf32, #tpu.memory_space<vmem>>
      %dma_wait3A_576 = arith.constant 0 : i32
      %dma_wait3A_577 = tpu.memref_slice %arg9[%sub3A_570, %dma_wait3A_576] : memref<25x80xi32, #tpu.memory_space<vmem>> -> memref<1x80xi32, #tpu.memory_space<vmem>>
      %dma_wait3A_578 = tpu.memref_squeeze %dma_wait3A_577 : memref<1x80xi32, #tpu.memory_space<vmem>> -> memref<80xi32, #tpu.memory_space<vmem>>
      %dma_wait3A_579 = arith.constant 0 : i32
      %dma_wait3A_580 = arith.constant 0 : i32
      %dma_wait3A_581 = tpu.memref_slice %arg12[%dma_wait3A_579, %dma_wait3A_580] : memref<10000x128xf32, #tpu.memory_space<vmem_shared>> -> memref<10000x128xf32, #tpu.memory_space<vmem_shared>>
      tpu.wait_indirect_dma semaphore(%arg17 : memref<!tpu.dma_semaphore, #tpu.memory_space<semaphore_mem>>) src(%dma_wait3A_575 : memref<80x128xf32, #tpu.memory_space<vmem>>) dst(%dma_wait3A_581 : memref<10000x128xf32, #tpu.memory_space<vmem_shared>>)
      %add3A_582 = arith.constant 2 : i32
      %add3A_583 = arith.addi %add3A_534, %add3A_582 : i32
      %lt3A_584 = arith.constant 125 : i32
      %lt3A_585 = arith.cmpi slt, %add3A_583, %lt3A_584 : i32
      %convert_element_type3A_586 = arith.extui %lt3A_585 : i1 to i32
      %cond3A_587 = arith.constant 0 : i32
      %cond3A_588 = arith.cmpi ne, %convert_element_type3A_586, %cond3A_587 : i32
      scf.if %cond3A_588 {
        %add3A_649 = arith.addi %mul3A_2, %add3A_534 : i32
        %add3A_650 = arith.constant 2 : i32
        %add3A_651 = arith.addi %add3A_649, %add3A_650 : i32
        %dma_start3A_652 = arith.constant 0 : i32
        %dma_start3A_653 = arith.constant 0 : i32
        %dma_start3A_654 = arith.constant 0 : i32
        %dma_start3A_655 = tpu.memref_slice %arg10[%dma_start3A_652, %dma_start3A_653, %dma_start3A_654] : memref<3x80x128xf32, #tpu.memory_space<vmem>> -> memref<1x80x128xf32, #tpu.memory_space<vmem>>
        %dma_start3A_656 = tpu.memref_squeeze %dma_start3A_655 : memref<1x80x128xf32, #tpu.memory_space<vmem>> -> memref<80x128xf32, #tpu.memory_space<vmem>>
        %dma_start3A_657 = arith.constant 0 : i32
        %dma_start3A_658 = arith.constant 0 : i32
        %dma_start3A_659 = tpu.memref_slice %arg2[%add3A_651, %dma_start3A_657, %dma_start3A_658] : memref<4000x80x128xf32, #tpu.memory_space<hbm>> -> memref<1x80x128xf32, #tpu.memory_space<hbm>>
        %dma_start3A_660 = tpu.memref_squeeze %dma_start3A_659 : memref<1x80x128xf32, #tpu.memory_space<hbm>> -> memref<80x128xf32, #tpu.memory_space<hbm>>
        %dma_start3A_661 = arith.constant 0 : i32
        %dma_start3A_662 = arith.constant 0 : i32
        %dma_start3A_663 = tpu.memref_slice %arg10[%dma_start3A_652, %dma_start3A_661, %dma_start3A_662] : memref<3x80x128xf32, #tpu.memory_space<vmem>> -> memref<1x80x128xf32, #tpu.memory_space<vmem>>
        %dma_start3A_664 = tpu.memref_squeeze %dma_start3A_663 : memref<1x80x128xf32, #tpu.memory_space<vmem>> -> memref<80x128xf32, #tpu.memory_space<vmem>>
        %dma_start3A_665 = arith.constant 0 : i32
        %dma_start3A_666 = arith.constant 0 : i32
        %dma_start3A_667 = tpu.memref_slice %arg2[%add3A_651, %dma_start3A_665, %dma_start3A_666] : memref<4000x80x128xf32, #tpu.memory_space<hbm>> -> memref<1x80x128xf32, #tpu.memory_space<hbm>>
        %dma_start3A_668 = tpu.memref_squeeze %dma_start3A_667 : memref<1x80x128xf32, #tpu.memory_space<hbm>> -> memref<80x128xf32, #tpu.memory_space<hbm>>
        tpu.enqueue_dma source(%dma_start3A_668 : memref<80x128xf32, #tpu.memory_space<hbm>>) target(%dma_start3A_664 : memref<80x128xf32, #tpu.memory_space<vmem>>) target_semaphore(%arg14 : memref<!tpu.dma_semaphore, #tpu.memory_space<semaphore_mem>>)
      } else {
      }
      %add3A_589 = arith.constant 1 : i32
      %add3A_590 = arith.addi %mul3A_470, %add3A_589 : i32
      %add3A_591 = arith.constant 2 : i32
      %add3A_592 = arith.addi %add3A_590, %add3A_591 : i32
      %add3A_593 = arith.constant 50 : i32
      %add3A_594 = arith.addi %add3A_593, %add3A_592 : i32
      %add3A_595 = arith.addi %mul3A_2, %add3A_594 : i32
      %dma_wait3A_596 = arith.constant 2 : i32
      %dma_wait3A_597 = arith.constant 0 : i32
      %dma_wait3A_598 = arith.constant 0 : i32
      %dma_wait3A_599 = tpu.memref_slice %arg10[%dma_wait3A_596, %dma_wait3A_597, %dma_wait3A_598] : memref<3x80x128xf32, #tpu.memory_space<vmem>> -> memref<1x80x128xf32, #tpu.memory_space<vmem>>
      %dma_wait3A_600 = tpu.memref_squeeze %dma_wait3A_599 : memref<1x80x128xf32, #tpu.memory_space<vmem>> -> memref<80x128xf32, #tpu.memory_space<vmem>>
      %dma_wait3A_601 = arith.constant 0 : i32
      %dma_wait3A_602 = arith.constant 0 : i32
      %dma_wait3A_603 = tpu.memref_slice %arg2[%add3A_595, %dma_wait3A_601, %dma_wait3A_602] : memref<4000x80x128xf32, #tpu.memory_space<hbm>> -> memref<1x80x128xf32, #tpu.memory_space<hbm>>
      %dma_wait3A_604 = tpu.memref_squeeze %dma_wait3A_603 : memref<1x80x128xf32, #tpu.memory_space<hbm>> -> memref<80x128xf32, #tpu.memory_space<hbm>>
      %dma_wait3A_605 = arith.constant 0 : i32
      %dma_wait3A_606 = arith.constant 0 : i32
      %dma_wait3A_607 = tpu.memref_slice %arg10[%dma_wait3A_596, %dma_wait3A_605, %dma_wait3A_606] : memref<3x80x128xf32, #tpu.memory_space<vmem>> -> memref<1x80x128xf32, #tpu.memory_space<vmem>>
      %dma_wait3A_608 = tpu.memref_squeeze %dma_wait3A_607 : memref<1x80x128xf32, #tpu.memory_space<vmem>> -> memref<80x128xf32, #tpu.memory_space<vmem>>
      %dma_wait3A_609 = arith.constant 0 : i32
      %dma_wait3A_610 = arith.constant 0 : i32
      %dma_wait3A_611 = tpu.memref_slice %arg2[%add3A_595, %dma_wait3A_609, %dma_wait3A_610] : memref<4000x80x128xf32, #tpu.memory_space<hbm>> -> memref<1x80x128xf32, #tpu.memory_space<hbm>>
      %dma_wait3A_612 = tpu.memref_squeeze %dma_wait3A_611 : memref<1x80x128xf32, #tpu.memory_space<hbm>> -> memref<80x128xf32, #tpu.memory_space<hbm>>
      tpu.wait_dma2 semaphore(%arg16 : memref<!tpu.dma_semaphore, #tpu.memory_space<semaphore_mem>>) src(%dma_wait3A_612 : memref<80x128xf32, #tpu.memory_space<hbm>>) dst(%dma_wait3A_608 : memref<80x128xf32, #tpu.memory_space<vmem>>)
      %dma_start3A_613 = arith.constant 2 : i32
      %dma_start3A_614 = arith.constant 0 : i32
      %dma_start3A_615 = arith.constant 0 : i32
      %dma_start3A_616 = tpu.memref_slice %arg10[%dma_start3A_613, %dma_start3A_614, %dma_start3A_615] : memref<3x80x128xf32, #tpu.memory_space<vmem>> -> memref<1x80x128xf32, #tpu.memory_space<vmem>>
      %dma_start3A_617 = tpu.memref_squeeze %dma_start3A_616 : memref<1x80x128xf32, #tpu.memory_space<vmem>> -> memref<80x128xf32, #tpu.memory_space<vmem>>
      %dma_start3A_618 = arith.constant 0 : i32
      %dma_start3A_619 = tpu.memref_slice %arg9[%add3A_592, %dma_start3A_618] : memref<25x80xi32, #tpu.memory_space<vmem>> -> memref<1x80xi32, #tpu.memory_space<vmem>>
      %dma_start3A_620 = tpu.memref_squeeze %dma_start3A_619 : memref<1x80xi32, #tpu.memory_space<vmem>> -> memref<80xi32, #tpu.memory_space<vmem>>
      %dma_start3A_621 = arith.constant 0 : i32
      %dma_start3A_622 = arith.constant 0 : i32
      %dma_start3A_623 = tpu.memref_slice %arg12[%dma_start3A_621, %dma_start3A_622] : memref<10000x128xf32, #tpu.memory_space<vmem_shared>> -> memref<10000x128xf32, #tpu.memory_space<vmem_shared>>
      tpu.enqueue_indirect_dma source(%dma_start3A_617 : memref<80x128xf32, #tpu.memory_space<vmem>>) target(%dma_start3A_623 : memref<10000x128xf32, #tpu.memory_space<vmem_shared>>) offsets(%dma_start3A_620 : memref<80xi32, #tpu.memory_space<vmem>>) semaphore(%arg19 : memref<!tpu.dma_semaphore, #tpu.memory_space<semaphore_mem>>) {add = true}
      %dma_start3A_624 = arith.constant 0 : i32
      %dma_start3A_625 = tpu.memref_slice %arg9[%add3A_592, %dma_start3A_624] : memref<25x80xi32, #tpu.memory_space<vmem>> -> memref<1x80xi32, #tpu.memory_space<vmem>>
      %dma_start3A_626 = tpu.memref_squeeze %dma_start3A_625 : memref<1x80xi32, #tpu.memory_space<vmem>> -> memref<80xi32, #tpu.memory_space<vmem>>
      %dma_start3A_627 = arith.constant 0 : i32
      %dma_start3A_628 = tpu.memref_slice %arg13[%dma_start3A_627] : memref<10000xf32, #tpu.memory_space<vmem_shared>> -> memref<10000xf32, #tpu.memory_space<vmem_shared>>
      tpu.enqueue_indirect_dma source(%arg11 : memref<80xf32, #tpu.memory_space<vmem>>) target(%dma_start3A_628 : memref<10000xf32, #tpu.memory_space<vmem_shared>>) offsets(%dma_start3A_626 : memref<80xi32, #tpu.memory_space<vmem>>) semaphore(%arg20 : memref<!tpu.dma_semaphore, #tpu.memory_space<semaphore_mem>>) {add = true}
      %sub3A_629 = arith.constant 1 : i32
      %sub3A_630 = arith.subi %add3A_592, %sub3A_629 : i32
      %dma_wait3A_631 = arith.constant 1 : i32
      %dma_wait3A_632 = arith.constant 0 : i32
      %dma_wait3A_633 = arith.constant 0 : i32
      %dma_wait3A_634 = tpu.memref_slice %arg10[%dma_wait3A_631, %dma_wait3A_632, %dma_wait3A_633] : memref<3x80x128xf32, #tpu.memory_space<vmem>> -> memref<1x80x128xf32, #tpu.memory_space<vmem>>
      %dma_wait3A_635 = tpu.memref_squeeze %dma_wait3A_634 : memref<1x80x128xf32, #tpu.memory_space<vmem>> -> memref<80x128xf32, #tpu.memory_space<vmem>>
      %dma_wait3A_636 = arith.constant 0 : i32
      %dma_wait3A_637 = tpu.memref_slice %arg9[%sub3A_630, %dma_wait3A_636] : memref<25x80xi32, #tpu.memory_space<vmem>> -> memref<1x80xi32, #tpu.memory_space<vmem>>
      %dma_wait3A_638 = tpu.memref_squeeze %dma_wait3A_637 : memref<1x80xi32, #tpu.memory_space<vmem>> -> memref<80xi32, #tpu.memory_space<vmem>>
      %dma_wait3A_639 = arith.constant 0 : i32
      %dma_wait3A_640 = arith.constant 0 : i32
      %dma_wait3A_641 = tpu.memref_slice %arg12[%dma_wait3A_639, %dma_wait3A_640] : memref<10000x128xf32, #tpu.memory_space<vmem_shared>> -> memref<10000x128xf32, #tpu.memory_space<vmem_shared>>
      tpu.wait_indirect_dma semaphore(%arg18 : memref<!tpu.dma_semaphore, #tpu.memory_space<semaphore_mem>>) src(%dma_wait3A_635 : memref<80x128xf32, #tpu.memory_space<vmem>>) dst(%dma_wait3A_641 : memref<10000x128xf32, #tpu.memory_space<vmem_shared>>)
      %add3A_642 = arith.constant 2 : i32
      %add3A_643 = arith.addi %add3A_594, %add3A_642 : i32
      %lt3A_644 = arith.constant 125 : i32
      %lt3A_645 = arith.cmpi slt, %add3A_643, %lt3A_644 : i32
      %convert_element_type3A_646 = arith.extui %lt3A_645 : i1 to i32
      %cond3A_647 = arith.constant 0 : i32
      %cond3A_648 = arith.cmpi ne, %convert_element_type3A_646, %cond3A_647 : i32
      scf.if %cond3A_648 {
        %add3A_649 = arith.addi %mul3A_2, %add3A_594 : i32
        %add3A_650 = arith.constant 2 : i32
        %add3A_651 = arith.addi %add3A_649, %add3A_650 : i32
        %dma_start3A_652 = arith.constant 1 : i32
        %dma_start3A_653 = arith.constant 0 : i32
        %dma_start3A_654 = arith.constant 0 : i32
        %dma_start3A_655 = tpu.memref_slice %arg10[%dma_start3A_652, %dma_start3A_653, %dma_start3A_654] : memref<3x80x128xf32, #tpu.memory_space<vmem>> -> memref<1x80x128xf32, #tpu.memory_space<vmem>>
        %dma_start3A_656 = tpu.memref_squeeze %dma_start3A_655 : memref<1x80x128xf32, #tpu.memory_space<vmem>> -> memref<80x128xf32, #tpu.memory_space<vmem>>
        %dma_start3A_657 = arith.constant 0 : i32
        %dma_start3A_658 = arith.constant 0 : i32
        %dma_start3A_659 = tpu.memref_slice %arg2[%add3A_651, %dma_start3A_657, %dma_start3A_658] : memref<4000x80x128xf32, #tpu.memory_space<hbm>> -> memref<1x80x128xf32, #tpu.memory_space<hbm>>
        %dma_start3A_660 = tpu.memref_squeeze %dma_start3A_659 : memref<1x80x128xf32, #tpu.memory_space<hbm>> -> memref<80x128xf32, #tpu.memory_space<hbm>>
        %dma_start3A_661 = arith.constant 0 : i32
        %dma_start3A_662 = arith.constant 0 : i32
        %dma_start3A_663 = tpu.memref_slice %arg10[%dma_start3A_652, %dma_start3A_661, %dma_start3A_662] : memref<3x80x128xf32, #tpu.memory_space<vmem>> -> memref<1x80x128xf32, #tpu.memory_space<vmem>>
        %dma_start3A_664 = tpu.memref_squeeze %dma_start3A_663 : memref<1x80x128xf32, #tpu.memory_space<vmem>> -> memref<80x128xf32, #tpu.memory_space<vmem>>
        %dma_start3A_665 = arith.constant 0 : i32
        %dma_start3A_666 = arith.constant 0 : i32
        %dma_start3A_667 = tpu.memref_slice %arg2[%add3A_651, %dma_start3A_665, %dma_start3A_666] : memref<4000x80x128xf32, #tpu.memory_space<hbm>> -> memref<1x80x128xf32, #tpu.memory_space<hbm>>
        %dma_start3A_668 = tpu.memref_squeeze %dma_start3A_667 : memref<1x80x128xf32, #tpu.memory_space<hbm>> -> memref<80x128xf32, #tpu.memory_space<hbm>>
        tpu.enqueue_dma source(%dma_start3A_668 : memref<80x128xf32, #tpu.memory_space<hbm>>) target(%dma_start3A_664 : memref<80x128xf32, #tpu.memory_space<vmem>>) target_semaphore(%arg15 : memref<!tpu.dma_semaphore, #tpu.memory_space<semaphore_mem>>)
      } else {
      }
    }
    %scan3A_272 = arith.constant 8 : i32
    %dma_wait3A_273 = arith.constant 2 : i32
    %dma_wait3A_274 = arith.constant 24 : i32
    %dma_wait3A_275 = arith.constant 0 : i32
    %dma_wait3A_276 = arith.constant 0 : i32
    %dma_wait3A_277 = tpu.memref_slice %arg10[%dma_wait3A_273, %dma_wait3A_275, %dma_wait3A_276] : memref<3x80x128xf32, #tpu.memory_space<vmem>> -> memref<1x80x128xf32, #tpu.memory_space<vmem>>
    %dma_wait3A_278 = tpu.memref_squeeze %dma_wait3A_277 : memref<1x80x128xf32, #tpu.memory_space<vmem>> -> memref<80x128xf32, #tpu.memory_space<vmem>>
    %dma_wait3A_279 = arith.constant 0 : i32
    %dma_wait3A_280 = tpu.memref_slice %arg9[%dma_wait3A_274, %dma_wait3A_279] : memref<25x80xi32, #tpu.memory_space<vmem>> -> memref<1x80xi32, #tpu.memory_space<vmem>>
    %dma_wait3A_281 = tpu.memref_squeeze %dma_wait3A_280 : memref<1x80xi32, #tpu.memory_space<vmem>> -> memref<80xi32, #tpu.memory_space<vmem>>
    %dma_wait3A_282 = arith.constant 0 : i32
    %dma_wait3A_283 = arith.constant 0 : i32
    %dma_wait3A_284 = tpu.memref_slice %arg12[%dma_wait3A_282, %dma_wait3A_283] : memref<10000x128xf32, #tpu.memory_space<vmem_shared>> -> memref<10000x128xf32, #tpu.memory_space<vmem_shared>>
    tpu.wait_indirect_dma semaphore(%arg19 : memref<!tpu.dma_semaphore, #tpu.memory_space<semaphore_mem>>) src(%dma_wait3A_278 : memref<80x128xf32, #tpu.memory_space<vmem>>) dst(%dma_wait3A_284 : memref<10000x128xf32, #tpu.memory_space<vmem_shared>>)
    %scan3A_285 = arith.constant 0 : i32
    %scan3A_286 = arith.constant 0 : i32
    %scan3A_287 = arith.constant 25 : i32
    %scan3A_288 = arith.addi %scan3A_286, %scan3A_287 : i32
    %scan3A_289 = arith.constant 1 : i32
    scf.for %scan3A_468 = %scan3A_286 to %scan3A_288 step %scan3A_289  : i32 {
      %dma_wait3A_469 = arith.constant 0 : i32
      %dma_wait3A_470 = arith.constant 0 : i32
      %dma_wait3A_471 = tpu.memref_slice %arg9[%dma_wait3A_469, %dma_wait3A_470] : memref<25x80xi32, #tpu.memory_space<vmem>> -> memref<1x80xi32, #tpu.memory_space<vmem>>
      %dma_wait3A_472 = tpu.memref_squeeze %dma_wait3A_471 : memref<1x80xi32, #tpu.memory_space<vmem>> -> memref<80xi32, #tpu.memory_space<vmem>>
      %dma_wait3A_473 = arith.constant 0 : i32
      %dma_wait3A_474 = tpu.memref_slice %arg13[%dma_wait3A_473] : memref<10000xf32, #tpu.memory_space<vmem_shared>> -> memref<10000xf32, #tpu.memory_space<vmem_shared>>
      tpu.wait_indirect_dma semaphore(%arg20 : memref<!tpu.dma_semaphore, #tpu.memory_space<semaphore_mem>>) src(%arg11 : memref<80xf32, #tpu.memory_space<vmem>>) dst(%dma_wait3A_474 : memref<10000xf32, #tpu.memory_space<vmem_shared>>)
    }
    %scan3A_290 = arith.constant 25 : i32
    %run_scoped3A_291 = arith.constant 3 : i32
    "tpu.region"() ({
      %run_scoped3A_468 = tpu.sem_alloc : memref<!tpu.dma_semaphore, #tpu.memory_space<semaphore_mem>>
      %dma_start3A_469 = arith.constant 0 : i32
      %dma_start3A_470 = arith.constant 0 : i32
      %dma_start3A_471 = tpu.memref_slice %arg3[%add3A, %run_scoped3A_291, %dma_start3A_469, %dma_start3A_470] : memref<32x5x25x80xi32, #tpu.memory_space<hbm>> -> memref<1x1x25x80xi32, #tpu.memory_space<hbm>>
      %dma_start3A_472 = tpu.memref_squeeze %dma_start3A_471 : memref<1x1x25x80xi32, #tpu.memory_space<hbm>> -> memref<25x80xi32, #tpu.memory_space<hbm>>
      %dma_start3A_473 = arith.constant 0 : i32
      %dma_start3A_474 = arith.constant 0 : i32
      %dma_start3A_475 = tpu.memref_slice %arg3[%add3A, %run_scoped3A_291, %dma_start3A_473, %dma_start3A_474] : memref<32x5x25x80xi32, #tpu.memory_space<hbm>> -> memref<1x1x25x80xi32, #tpu.memory_space<hbm>>
      %dma_start3A_476 = tpu.memref_squeeze %dma_start3A_475 : memref<1x1x25x80xi32, #tpu.memory_space<hbm>> -> memref<25x80xi32, #tpu.memory_space<hbm>>
      tpu.enqueue_dma source(%dma_start3A_476 : memref<25x80xi32, #tpu.memory_space<hbm>>) target(%arg9 : memref<25x80xi32, #tpu.memory_space<vmem>>) target_semaphore(%run_scoped3A_468 : memref<!tpu.dma_semaphore, #tpu.memory_space<semaphore_mem>>)
      %dma_wait3A_477 = arith.constant 0 : i32
      %dma_wait3A_478 = arith.constant 0 : i32
      %dma_wait3A_479 = tpu.memref_slice %arg3[%add3A, %run_scoped3A_291, %dma_wait3A_477, %dma_wait3A_478] : memref<32x5x25x80xi32, #tpu.memory_space<hbm>> -> memref<1x1x25x80xi32, #tpu.memory_space<hbm>>
      %dma_wait3A_480 = tpu.memref_squeeze %dma_wait3A_479 : memref<1x1x25x80xi32, #tpu.memory_space<hbm>> -> memref<25x80xi32, #tpu.memory_space<hbm>>
      %dma_wait3A_481 = arith.constant 0 : i32
      %dma_wait3A_482 = arith.constant 0 : i32
      %dma_wait3A_483 = tpu.memref_slice %arg3[%add3A, %run_scoped3A_291, %dma_wait3A_481, %dma_wait3A_482] : memref<32x5x25x80xi32, #tpu.memory_space<hbm>> -> memref<1x1x25x80xi32, #tpu.memory_space<hbm>>
      %dma_wait3A_484 = tpu.memref_squeeze %dma_wait3A_483 : memref<1x1x25x80xi32, #tpu.memory_space<hbm>> -> memref<25x80xi32, #tpu.memory_space<hbm>>
      tpu.wait_dma2 semaphore(%run_scoped3A_468 : memref<!tpu.dma_semaphore, #tpu.memory_space<semaphore_mem>>) src(%dma_wait3A_484 : memref<25x80xi32, #tpu.memory_space<hbm>>) dst(%arg9 : memref<25x80xi32, #tpu.memory_space<vmem>>)
      tpu.yield
    }) : () -> ()
    %add3A_292 = arith.constant 75 : i32
    %add3A_293 = arith.addi %mul3A_2, %add3A_292 : i32
    %dma_wait3A_294 = arith.constant 0 : i32
    %dma_wait3A_295 = arith.constant 0 : i32
    %dma_wait3A_296 = arith.constant 0 : i32
    %dma_wait3A_297 = tpu.memref_slice %arg10[%dma_wait3A_294, %dma_wait3A_295, %dma_wait3A_296] : memref<3x80x128xf32, #tpu.memory_space<vmem>> -> memref<1x80x128xf32, #tpu.memory_space<vmem>>
    %dma_wait3A_298 = tpu.memref_squeeze %dma_wait3A_297 : memref<1x80x128xf32, #tpu.memory_space<vmem>> -> memref<80x128xf32, #tpu.memory_space<vmem>>
    %dma_wait3A_299 = arith.constant 0 : i32
    %dma_wait3A_300 = arith.constant 0 : i32
    %dma_wait3A_301 = tpu.memref_slice %arg2[%add3A_293, %dma_wait3A_299, %dma_wait3A_300] : memref<4000x80x128xf32, #tpu.memory_space<hbm>> -> memref<1x80x128xf32, #tpu.memory_space<hbm>>
    %dma_wait3A_302 = tpu.memref_squeeze %dma_wait3A_301 : memref<1x80x128xf32, #tpu.memory_space<hbm>> -> memref<80x128xf32, #tpu.memory_space<hbm>>
    %dma_wait3A_303 = arith.constant 0 : i32
    %dma_wait3A_304 = arith.constant 0 : i32
    %dma_wait3A_305 = tpu.memref_slice %arg10[%dma_wait3A_294, %dma_wait3A_303, %dma_wait3A_304] : memref<3x80x128xf32, #tpu.memory_space<vmem>> -> memref<1x80x128xf32, #tpu.memory_space<vmem>>
    %dma_wait3A_306 = tpu.memref_squeeze %dma_wait3A_305 : memref<1x80x128xf32, #tpu.memory_space<vmem>> -> memref<80x128xf32, #tpu.memory_space<vmem>>
    %dma_wait3A_307 = arith.constant 0 : i32
    %dma_wait3A_308 = arith.constant 0 : i32
    %dma_wait3A_309 = tpu.memref_slice %arg2[%add3A_293, %dma_wait3A_307, %dma_wait3A_308] : memref<4000x80x128xf32, #tpu.memory_space<hbm>> -> memref<1x80x128xf32, #tpu.memory_space<hbm>>
    %dma_wait3A_310 = tpu.memref_squeeze %dma_wait3A_309 : memref<1x80x128xf32, #tpu.memory_space<hbm>> -> memref<80x128xf32, #tpu.memory_space<hbm>>
    tpu.wait_dma2 semaphore(%arg14 : memref<!tpu.dma_semaphore, #tpu.memory_space<semaphore_mem>>) src(%dma_wait3A_310 : memref<80x128xf32, #tpu.memory_space<hbm>>) dst(%dma_wait3A_306 : memref<80x128xf32, #tpu.memory_space<vmem>>)
    %dma_start3A_311 = arith.constant 0 : i32
    %dma_start3A_312 = arith.constant 0 : i32
    %dma_start3A_313 = arith.constant 0 : i32
    %dma_start3A_314 = arith.constant 0 : i32
    %dma_start3A_315 = tpu.memref_slice %arg10[%dma_start3A_311, %dma_start3A_313, %dma_start3A_314] : memref<3x80x128xf32, #tpu.memory_space<vmem>> -> memref<1x80x128xf32, #tpu.memory_space<vmem>>
    %dma_start3A_316 = tpu.memref_squeeze %dma_start3A_315 : memref<1x80x128xf32, #tpu.memory_space<vmem>> -> memref<80x128xf32, #tpu.memory_space<vmem>>
    %dma_start3A_317 = arith.constant 0 : i32
    %dma_start3A_318 = tpu.memref_slice %arg9[%dma_start3A_312, %dma_start3A_317] : memref<25x80xi32, #tpu.memory_space<vmem>> -> memref<1x80xi32, #tpu.memory_space<vmem>>
    %dma_start3A_319 = tpu.memref_squeeze %dma_start3A_318 : memref<1x80xi32, #tpu.memory_space<vmem>> -> memref<80xi32, #tpu.memory_space<vmem>>
    %dma_start3A_320 = arith.constant 0 : i32
    %dma_start3A_321 = arith.constant 0 : i32
    %dma_start3A_322 = tpu.memref_slice %arg12[%dma_start3A_320, %dma_start3A_321] : memref<10000x128xf32, #tpu.memory_space<vmem_shared>> -> memref<10000x128xf32, #tpu.memory_space<vmem_shared>>
    tpu.enqueue_indirect_dma source(%dma_start3A_316 : memref<80x128xf32, #tpu.memory_space<vmem>>) target(%dma_start3A_322 : memref<10000x128xf32, #tpu.memory_space<vmem_shared>>) offsets(%dma_start3A_319 : memref<80xi32, #tpu.memory_space<vmem>>) semaphore(%arg17 : memref<!tpu.dma_semaphore, #tpu.memory_space<semaphore_mem>>) {add = true}
    %dma_start3A_323 = arith.constant 0 : i32
    %dma_start3A_324 = arith.constant 0 : i32
    %dma_start3A_325 = tpu.memref_slice %arg9[%dma_start3A_323, %dma_start3A_324] : memref<25x80xi32, #tpu.memory_space<vmem>> -> memref<1x80xi32, #tpu.memory_space<vmem>>
    %dma_start3A_326 = tpu.memref_squeeze %dma_start3A_325 : memref<1x80xi32, #tpu.memory_space<vmem>> -> memref<80xi32, #tpu.memory_space<vmem>>
    %dma_start3A_327 = arith.constant 0 : i32
    %dma_start3A_328 = tpu.memref_slice %arg13[%dma_start3A_327] : memref<10000xf32, #tpu.memory_space<vmem_shared>> -> memref<10000xf32, #tpu.memory_space<vmem_shared>>
    tpu.enqueue_indirect_dma source(%arg11 : memref<80xf32, #tpu.memory_space<vmem>>) target(%dma_start3A_328 : memref<10000xf32, #tpu.memory_space<vmem_shared>>) offsets(%dma_start3A_326 : memref<80xi32, #tpu.memory_space<vmem>>) semaphore(%arg20 : memref<!tpu.dma_semaphore, #tpu.memory_space<semaphore_mem>>) {add = true}
    %add3A_329 = arith.constant 75 : i32
    %add3A_330 = arith.addi %mul3A_2, %add3A_329 : i32
    %add3A_331 = arith.constant 2 : i32
    %add3A_332 = arith.addi %add3A_330, %add3A_331 : i32
    %dma_start3A_333 = arith.constant 2 : i32
    %dma_start3A_334 = arith.constant 0 : i32
    %dma_start3A_335 = arith.constant 0 : i32
    %dma_start3A_336 = tpu.memref_slice %arg10[%dma_start3A_333, %dma_start3A_334, %dma_start3A_335] : memref<3x80x128xf32, #tpu.memory_space<vmem>> -> memref<1x80x128xf32, #tpu.memory_space<vmem>>
    %dma_start3A_337 = tpu.memref_squeeze %dma_start3A_336 : memref<1x80x128xf32, #tpu.memory_space<vmem>> -> memref<80x128xf32, #tpu.memory_space<vmem>>
    %dma_start3A_338 = arith.constant 0 : i32
    %dma_start3A_339 = arith.constant 0 : i32
    %dma_start3A_340 = tpu.memref_slice %arg2[%add3A_332, %dma_start3A_338, %dma_start3A_339] : memref<4000x80x128xf32, #tpu.memory_space<hbm>> -> memref<1x80x128xf32, #tpu.memory_space<hbm>>
    %dma_start3A_341 = tpu.memref_squeeze %dma_start3A_340 : memref<1x80x128xf32, #tpu.memory_space<hbm>> -> memref<80x128xf32, #tpu.memory_space<hbm>>
    %dma_start3A_342 = arith.constant 0 : i32
    %dma_start3A_343 = arith.constant 0 : i32
    %dma_start3A_344 = tpu.memref_slice %arg10[%dma_start3A_333, %dma_start3A_342, %dma_start3A_343] : memref<3x80x128xf32, #tpu.memory_space<vmem>> -> memref<1x80x128xf32, #tpu.memory_space<vmem>>
    %dma_start3A_345 = tpu.memref_squeeze %dma_start3A_344 : memref<1x80x128xf32, #tpu.memory_space<vmem>> -> memref<80x128xf32, #tpu.memory_space<vmem>>
    %dma_start3A_346 = arith.constant 0 : i32
    %dma_start3A_347 = arith.constant 0 : i32
    %dma_start3A_348 = tpu.memref_slice %arg2[%add3A_332, %dma_start3A_346, %dma_start3A_347] : memref<4000x80x128xf32, #tpu.memory_space<hbm>> -> memref<1x80x128xf32, #tpu.memory_space<hbm>>
    %dma_start3A_349 = tpu.memref_squeeze %dma_start3A_348 : memref<1x80x128xf32, #tpu.memory_space<hbm>> -> memref<80x128xf32, #tpu.memory_space<hbm>>
    tpu.enqueue_dma source(%dma_start3A_349 : memref<80x128xf32, #tpu.memory_space<hbm>>) target(%dma_start3A_345 : memref<80x128xf32, #tpu.memory_space<vmem>>) target_semaphore(%arg16 : memref<!tpu.dma_semaphore, #tpu.memory_space<semaphore_mem>>)
    %scan3A_350 = arith.constant 0 : i32
    %scan3A_351 = arith.constant 0 : i32
    %scan3A_352 = arith.constant 8 : i32
    %scan3A_353 = arith.addi %scan3A_351, %scan3A_352 : i32
    %scan3A_354 = arith.constant 1 : i32
    scf.for %scan3A_468 = %scan3A_351 to %scan3A_353 step %scan3A_354  : i32 {
      %mul3A_469 = arith.constant 3 : i32
      %mul3A_470 = arith.muli %mul3A_469, %scan3A_468 : i32
      %add3A_471 = arith.constant 1 : i32
      %add3A_472 = arith.addi %mul3A_470, %add3A_471 : i32
      %add3A_473 = arith.constant 0 : i32
      %add3A_474 = arith.addi %add3A_472, %add3A_473 : i32
      %add3A_475 = arith.constant 75 : i32
      %add3A_476 = arith.addi %add3A_475, %add3A_474 : i32
      %add3A_477 = arith.addi %mul3A_2, %add3A_476 : i32
      %dma_wait3A_478 = arith.constant 1 : i32
      %dma_wait3A_479 = arith.constant 0 : i32
      %dma_wait3A_480 = arith.constant 0 : i32
      %dma_wait3A_481 = tpu.memref_slice %arg10[%dma_wait3A_478, %dma_wait3A_479, %dma_wait3A_480] : memref<3x80x128xf32, #tpu.memory_space<vmem>> -> memref<1x80x128xf32, #tpu.memory_space<vmem>>
      %dma_wait3A_482 = tpu.memref_squeeze %dma_wait3A_481 : memref<1x80x128xf32, #tpu.memory_space<vmem>> -> memref<80x128xf32, #tpu.memory_space<vmem>>
      %dma_wait3A_483 = arith.constant 0 : i32
      %dma_wait3A_484 = arith.constant 0 : i32
      %dma_wait3A_485 = tpu.memref_slice %arg2[%add3A_477, %dma_wait3A_483, %dma_wait3A_484] : memref<4000x80x128xf32, #tpu.memory_space<hbm>> -> memref<1x80x128xf32, #tpu.memory_space<hbm>>
      %dma_wait3A_486 = tpu.memref_squeeze %dma_wait3A_485 : memref<1x80x128xf32, #tpu.memory_space<hbm>> -> memref<80x128xf32, #tpu.memory_space<hbm>>
      %dma_wait3A_487 = arith.constant 0 : i32
      %dma_wait3A_488 = arith.constant 0 : i32
      %dma_wait3A_489 = tpu.memref_slice %arg10[%dma_wait3A_478, %dma_wait3A_487, %dma_wait3A_488] : memref<3x80x128xf32, #tpu.memory_space<vmem>> -> memref<1x80x128xf32, #tpu.memory_space<vmem>>
      %dma_wait3A_490 = tpu.memref_squeeze %dma_wait3A_489 : memref<1x80x128xf32, #tpu.memory_space<vmem>> -> memref<80x128xf32, #tpu.memory_space<vmem>>
      %dma_wait3A_491 = arith.constant 0 : i32
      %dma_wait3A_492 = arith.constant 0 : i32
      %dma_wait3A_493 = tpu.memref_slice %arg2[%add3A_477, %dma_wait3A_491, %dma_wait3A_492] : memref<4000x80x128xf32, #tpu.memory_space<hbm>> -> memref<1x80x128xf32, #tpu.memory_space<hbm>>
      %dma_wait3A_494 = tpu.memref_squeeze %dma_wait3A_493 : memref<1x80x128xf32, #tpu.memory_space<hbm>> -> memref<80x128xf32, #tpu.memory_space<hbm>>
      tpu.wait_dma2 semaphore(%arg15 : memref<!tpu.dma_semaphore, #tpu.memory_space<semaphore_mem>>) src(%dma_wait3A_494 : memref<80x128xf32, #tpu.memory_space<hbm>>) dst(%dma_wait3A_490 : memref<80x128xf32, #tpu.memory_space<vmem>>)
      %dma_start3A_495 = arith.constant 1 : i32
      %dma_start3A_496 = arith.constant 0 : i32
      %dma_start3A_497 = arith.constant 0 : i32
      %dma_start3A_498 = tpu.memref_slice %arg10[%dma_start3A_495, %dma_start3A_496, %dma_start3A_497] : memref<3x80x128xf32, #tpu.memory_space<vmem>> -> memref<1x80x128xf32, #tpu.memory_space<vmem>>
      %dma_start3A_499 = tpu.memref_squeeze %dma_start3A_498 : memref<1x80x128xf32, #tpu.memory_space<vmem>> -> memref<80x128xf32, #tpu.memory_space<vmem>>
      %dma_start3A_500 = arith.constant 0 : i32
      %dma_start3A_501 = tpu.memref_slice %arg9[%add3A_474, %dma_start3A_500] : memref<25x80xi32, #tpu.memory_space<vmem>> -> memref<1x80xi32, #tpu.memory_space<vmem>>
      %dma_start3A_502 = tpu.memref_squeeze %dma_start3A_501 : memref<1x80xi32, #tpu.memory_space<vmem>> -> memref<80xi32, #tpu.memory_space<vmem>>
      %dma_start3A_503 = arith.constant 0 : i32
      %dma_start3A_504 = arith.constant 0 : i32
      %dma_start3A_505 = tpu.memref_slice %arg12[%dma_start3A_503, %dma_start3A_504] : memref<10000x128xf32, #tpu.memory_space<vmem_shared>> -> memref<10000x128xf32, #tpu.memory_space<vmem_shared>>
      tpu.enqueue_indirect_dma source(%dma_start3A_499 : memref<80x128xf32, #tpu.memory_space<vmem>>) target(%dma_start3A_505 : memref<10000x128xf32, #tpu.memory_space<vmem_shared>>) offsets(%dma_start3A_502 : memref<80xi32, #tpu.memory_space<vmem>>) semaphore(%arg18 : memref<!tpu.dma_semaphore, #tpu.memory_space<semaphore_mem>>) {add = true}
      %dma_start3A_506 = arith.constant 0 : i32
      %dma_start3A_507 = tpu.memref_slice %arg9[%add3A_474, %dma_start3A_506] : memref<25x80xi32, #tpu.memory_space<vmem>> -> memref<1x80xi32, #tpu.memory_space<vmem>>
      %dma_start3A_508 = tpu.memref_squeeze %dma_start3A_507 : memref<1x80xi32, #tpu.memory_space<vmem>> -> memref<80xi32, #tpu.memory_space<vmem>>
      %dma_start3A_509 = arith.constant 0 : i32
      %dma_start3A_510 = tpu.memref_slice %arg13[%dma_start3A_509] : memref<10000xf32, #tpu.memory_space<vmem_shared>> -> memref<10000xf32, #tpu.memory_space<vmem_shared>>
      tpu.enqueue_indirect_dma source(%arg11 : memref<80xf32, #tpu.memory_space<vmem>>) target(%dma_start3A_510 : memref<10000xf32, #tpu.memory_space<vmem_shared>>) offsets(%dma_start3A_508 : memref<80xi32, #tpu.memory_space<vmem>>) semaphore(%arg20 : memref<!tpu.dma_semaphore, #tpu.memory_space<semaphore_mem>>) {add = true}
      %sub3A = arith.constant 1 : i32
      %sub3A_511 = arith.subi %add3A_474, %sub3A : i32
      %dma_wait3A_512 = arith.constant 0 : i32
      %dma_wait3A_513 = arith.constant 0 : i32
      %dma_wait3A_514 = arith.constant 0 : i32
      %dma_wait3A_515 = tpu.memref_slice %arg10[%dma_wait3A_512, %dma_wait3A_513, %dma_wait3A_514] : memref<3x80x128xf32, #tpu.memory_space<vmem>> -> memref<1x80x128xf32, #tpu.memory_space<vmem>>
      %dma_wait3A_516 = tpu.memref_squeeze %dma_wait3A_515 : memref<1x80x128xf32, #tpu.memory_space<vmem>> -> memref<80x128xf32, #tpu.memory_space<vmem>>
      %dma_wait3A_517 = arith.constant 0 : i32
      %dma_wait3A_518 = tpu.memref_slice %arg9[%sub3A_511, %dma_wait3A_517] : memref<25x80xi32, #tpu.memory_space<vmem>> -> memref<1x80xi32, #tpu.memory_space<vmem>>
      %dma_wait3A_519 = tpu.memref_squeeze %dma_wait3A_518 : memref<1x80xi32, #tpu.memory_space<vmem>> -> memref<80xi32, #tpu.memory_space<vmem>>
      %dma_wait3A_520 = arith.constant 0 : i32
      %dma_wait3A_521 = arith.constant 0 : i32
      %dma_wait3A_522 = tpu.memref_slice %arg12[%dma_wait3A_520, %dma_wait3A_521] : memref<10000x128xf32, #tpu.memory_space<vmem_shared>> -> memref<10000x128xf32, #tpu.memory_space<vmem_shared>>
      tpu.wait_indirect_dma semaphore(%arg17 : memref<!tpu.dma_semaphore, #tpu.memory_space<semaphore_mem>>) src(%dma_wait3A_516 : memref<80x128xf32, #tpu.memory_space<vmem>>) dst(%dma_wait3A_522 : memref<10000x128xf32, #tpu.memory_space<vmem_shared>>)
      %add3A_523 = arith.constant 2 : i32
      %add3A_524 = arith.addi %add3A_476, %add3A_523 : i32
      %lt3A = arith.constant 125 : i32
      %lt3A_525 = arith.cmpi slt, %add3A_524, %lt3A : i32
      %convert_element_type3A_526 = arith.extui %lt3A_525 : i1 to i32
      %cond3A_527 = arith.constant 0 : i32
      %cond3A_528 = arith.cmpi ne, %convert_element_type3A_526, %cond3A_527 : i32
      scf.if %cond3A_528 {
        %add3A_649 = arith.addi %mul3A_2, %add3A_476 : i32
        %add3A_650 = arith.constant 2 : i32
        %add3A_651 = arith.addi %add3A_649, %add3A_650 : i32
        %dma_start3A_652 = arith.constant 0 : i32
        %dma_start3A_653 = arith.constant 0 : i32
        %dma_start3A_654 = arith.constant 0 : i32
        %dma_start3A_655 = tpu.memref_slice %arg10[%dma_start3A_652, %dma_start3A_653, %dma_start3A_654] : memref<3x80x128xf32, #tpu.memory_space<vmem>> -> memref<1x80x128xf32, #tpu.memory_space<vmem>>
        %dma_start3A_656 = tpu.memref_squeeze %dma_start3A_655 : memref<1x80x128xf32, #tpu.memory_space<vmem>> -> memref<80x128xf32, #tpu.memory_space<vmem>>
        %dma_start3A_657 = arith.constant 0 : i32
        %dma_start3A_658 = arith.constant 0 : i32
        %dma_start3A_659 = tpu.memref_slice %arg2[%add3A_651, %dma_start3A_657, %dma_start3A_658] : memref<4000x80x128xf32, #tpu.memory_space<hbm>> -> memref<1x80x128xf32, #tpu.memory_space<hbm>>
        %dma_start3A_660 = tpu.memref_squeeze %dma_start3A_659 : memref<1x80x128xf32, #tpu.memory_space<hbm>> -> memref<80x128xf32, #tpu.memory_space<hbm>>
        %dma_start3A_661 = arith.constant 0 : i32
        %dma_start3A_662 = arith.constant 0 : i32
        %dma_start3A_663 = tpu.memref_slice %arg10[%dma_start3A_652, %dma_start3A_661, %dma_start3A_662] : memref<3x80x128xf32, #tpu.memory_space<vmem>> -> memref<1x80x128xf32, #tpu.memory_space<vmem>>
        %dma_start3A_664 = tpu.memref_squeeze %dma_start3A_663 : memref<1x80x128xf32, #tpu.memory_space<vmem>> -> memref<80x128xf32, #tpu.memory_space<vmem>>
        %dma_start3A_665 = arith.constant 0 : i32
        %dma_start3A_666 = arith.constant 0 : i32
        %dma_start3A_667 = tpu.memref_slice %arg2[%add3A_651, %dma_start3A_665, %dma_start3A_666] : memref<4000x80x128xf32, #tpu.memory_space<hbm>> -> memref<1x80x128xf32, #tpu.memory_space<hbm>>
        %dma_start3A_668 = tpu.memref_squeeze %dma_start3A_667 : memref<1x80x128xf32, #tpu.memory_space<hbm>> -> memref<80x128xf32, #tpu.memory_space<hbm>>
        tpu.enqueue_dma source(%dma_start3A_668 : memref<80x128xf32, #tpu.memory_space<hbm>>) target(%dma_start3A_664 : memref<80x128xf32, #tpu.memory_space<vmem>>) target_semaphore(%arg14 : memref<!tpu.dma_semaphore, #tpu.memory_space<semaphore_mem>>)
      } else {
      }
      %add3A_529 = arith.constant 1 : i32
      %add3A_530 = arith.addi %mul3A_470, %add3A_529 : i32
      %add3A_531 = arith.constant 1 : i32
      %add3A_532 = arith.addi %add3A_530, %add3A_531 : i32
      %add3A_533 = arith.constant 75 : i32
      %add3A_534 = arith.addi %add3A_533, %add3A_532 : i32
      %add3A_535 = arith.addi %mul3A_2, %add3A_534 : i32
      %dma_wait3A_536 = arith.constant 2 : i32
      %dma_wait3A_537 = arith.constant 0 : i32
      %dma_wait3A_538 = arith.constant 0 : i32
      %dma_wait3A_539 = tpu.memref_slice %arg10[%dma_wait3A_536, %dma_wait3A_537, %dma_wait3A_538] : memref<3x80x128xf32, #tpu.memory_space<vmem>> -> memref<1x80x128xf32, #tpu.memory_space<vmem>>
      %dma_wait3A_540 = tpu.memref_squeeze %dma_wait3A_539 : memref<1x80x128xf32, #tpu.memory_space<vmem>> -> memref<80x128xf32, #tpu.memory_space<vmem>>
      %dma_wait3A_541 = arith.constant 0 : i32
      %dma_wait3A_542 = arith.constant 0 : i32
      %dma_wait3A_543 = tpu.memref_slice %arg2[%add3A_535, %dma_wait3A_541, %dma_wait3A_542] : memref<4000x80x128xf32, #tpu.memory_space<hbm>> -> memref<1x80x128xf32, #tpu.memory_space<hbm>>
      %dma_wait3A_544 = tpu.memref_squeeze %dma_wait3A_543 : memref<1x80x128xf32, #tpu.memory_space<hbm>> -> memref<80x128xf32, #tpu.memory_space<hbm>>
      %dma_wait3A_545 = arith.constant 0 : i32
      %dma_wait3A_546 = arith.constant 0 : i32
      %dma_wait3A_547 = tpu.memref_slice %arg10[%dma_wait3A_536, %dma_wait3A_545, %dma_wait3A_546] : memref<3x80x128xf32, #tpu.memory_space<vmem>> -> memref<1x80x128xf32, #tpu.memory_space<vmem>>
      %dma_wait3A_548 = tpu.memref_squeeze %dma_wait3A_547 : memref<1x80x128xf32, #tpu.memory_space<vmem>> -> memref<80x128xf32, #tpu.memory_space<vmem>>
      %dma_wait3A_549 = arith.constant 0 : i32
      %dma_wait3A_550 = arith.constant 0 : i32
      %dma_wait3A_551 = tpu.memref_slice %arg2[%add3A_535, %dma_wait3A_549, %dma_wait3A_550] : memref<4000x80x128xf32, #tpu.memory_space<hbm>> -> memref<1x80x128xf32, #tpu.memory_space<hbm>>
      %dma_wait3A_552 = tpu.memref_squeeze %dma_wait3A_551 : memref<1x80x128xf32, #tpu.memory_space<hbm>> -> memref<80x128xf32, #tpu.memory_space<hbm>>
      tpu.wait_dma2 semaphore(%arg16 : memref<!tpu.dma_semaphore, #tpu.memory_space<semaphore_mem>>) src(%dma_wait3A_552 : memref<80x128xf32, #tpu.memory_space<hbm>>) dst(%dma_wait3A_548 : memref<80x128xf32, #tpu.memory_space<vmem>>)
      %dma_start3A_553 = arith.constant 2 : i32
      %dma_start3A_554 = arith.constant 0 : i32
      %dma_start3A_555 = arith.constant 0 : i32
      %dma_start3A_556 = tpu.memref_slice %arg10[%dma_start3A_553, %dma_start3A_554, %dma_start3A_555] : memref<3x80x128xf32, #tpu.memory_space<vmem>> -> memref<1x80x128xf32, #tpu.memory_space<vmem>>
      %dma_start3A_557 = tpu.memref_squeeze %dma_start3A_556 : memref<1x80x128xf32, #tpu.memory_space<vmem>> -> memref<80x128xf32, #tpu.memory_space<vmem>>
      %dma_start3A_558 = arith.constant 0 : i32
      %dma_start3A_559 = tpu.memref_slice %arg9[%add3A_532, %dma_start3A_558] : memref<25x80xi32, #tpu.memory_space<vmem>> -> memref<1x80xi32, #tpu.memory_space<vmem>>
      %dma_start3A_560 = tpu.memref_squeeze %dma_start3A_559 : memref<1x80xi32, #tpu.memory_space<vmem>> -> memref<80xi32, #tpu.memory_space<vmem>>
      %dma_start3A_561 = arith.constant 0 : i32
      %dma_start3A_562 = arith.constant 0 : i32
      %dma_start3A_563 = tpu.memref_slice %arg12[%dma_start3A_561, %dma_start3A_562] : memref<10000x128xf32, #tpu.memory_space<vmem_shared>> -> memref<10000x128xf32, #tpu.memory_space<vmem_shared>>
      tpu.enqueue_indirect_dma source(%dma_start3A_557 : memref<80x128xf32, #tpu.memory_space<vmem>>) target(%dma_start3A_563 : memref<10000x128xf32, #tpu.memory_space<vmem_shared>>) offsets(%dma_start3A_560 : memref<80xi32, #tpu.memory_space<vmem>>) semaphore(%arg19 : memref<!tpu.dma_semaphore, #tpu.memory_space<semaphore_mem>>) {add = true}
      %dma_start3A_564 = arith.constant 0 : i32
      %dma_start3A_565 = tpu.memref_slice %arg9[%add3A_532, %dma_start3A_564] : memref<25x80xi32, #tpu.memory_space<vmem>> -> memref<1x80xi32, #tpu.memory_space<vmem>>
      %dma_start3A_566 = tpu.memref_squeeze %dma_start3A_565 : memref<1x80xi32, #tpu.memory_space<vmem>> -> memref<80xi32, #tpu.memory_space<vmem>>
      %dma_start3A_567 = arith.constant 0 : i32
      %dma_start3A_568 = tpu.memref_slice %arg13[%dma_start3A_567] : memref<10000xf32, #tpu.memory_space<vmem_shared>> -> memref<10000xf32, #tpu.memory_space<vmem_shared>>
      tpu.enqueue_indirect_dma source(%arg11 : memref<80xf32, #tpu.memory_space<vmem>>) target(%dma_start3A_568 : memref<10000xf32, #tpu.memory_space<vmem_shared>>) offsets(%dma_start3A_566 : memref<80xi32, #tpu.memory_space<vmem>>) semaphore(%arg20 : memref<!tpu.dma_semaphore, #tpu.memory_space<semaphore_mem>>) {add = true}
      %sub3A_569 = arith.constant 1 : i32
      %sub3A_570 = arith.subi %add3A_532, %sub3A_569 : i32
      %dma_wait3A_571 = arith.constant 1 : i32
      %dma_wait3A_572 = arith.constant 0 : i32
      %dma_wait3A_573 = arith.constant 0 : i32
      %dma_wait3A_574 = tpu.memref_slice %arg10[%dma_wait3A_571, %dma_wait3A_572, %dma_wait3A_573] : memref<3x80x128xf32, #tpu.memory_space<vmem>> -> memref<1x80x128xf32, #tpu.memory_space<vmem>>
      %dma_wait3A_575 = tpu.memref_squeeze %dma_wait3A_574 : memref<1x80x128xf32, #tpu.memory_space<vmem>> -> memref<80x128xf32, #tpu.memory_space<vmem>>
      %dma_wait3A_576 = arith.constant 0 : i32
      %dma_wait3A_577 = tpu.memref_slice %arg9[%sub3A_570, %dma_wait3A_576] : memref<25x80xi32, #tpu.memory_space<vmem>> -> memref<1x80xi32, #tpu.memory_space<vmem>>
      %dma_wait3A_578 = tpu.memref_squeeze %dma_wait3A_577 : memref<1x80xi32, #tpu.memory_space<vmem>> -> memref<80xi32, #tpu.memory_space<vmem>>
      %dma_wait3A_579 = arith.constant 0 : i32
      %dma_wait3A_580 = arith.constant 0 : i32
      %dma_wait3A_581 = tpu.memref_slice %arg12[%dma_wait3A_579, %dma_wait3A_580] : memref<10000x128xf32, #tpu.memory_space<vmem_shared>> -> memref<10000x128xf32, #tpu.memory_space<vmem_shared>>
      tpu.wait_indirect_dma semaphore(%arg18 : memref<!tpu.dma_semaphore, #tpu.memory_space<semaphore_mem>>) src(%dma_wait3A_575 : memref<80x128xf32, #tpu.memory_space<vmem>>) dst(%dma_wait3A_581 : memref<10000x128xf32, #tpu.memory_space<vmem_shared>>)
      %add3A_582 = arith.constant 2 : i32
      %add3A_583 = arith.addi %add3A_534, %add3A_582 : i32
      %lt3A_584 = arith.constant 125 : i32
      %lt3A_585 = arith.cmpi slt, %add3A_583, %lt3A_584 : i32
      %convert_element_type3A_586 = arith.extui %lt3A_585 : i1 to i32
      %cond3A_587 = arith.constant 0 : i32
      %cond3A_588 = arith.cmpi ne, %convert_element_type3A_586, %cond3A_587 : i32
      scf.if %cond3A_588 {
        %add3A_649 = arith.addi %mul3A_2, %add3A_534 : i32
        %add3A_650 = arith.constant 2 : i32
        %add3A_651 = arith.addi %add3A_649, %add3A_650 : i32
        %dma_start3A_652 = arith.constant 1 : i32
        %dma_start3A_653 = arith.constant 0 : i32
        %dma_start3A_654 = arith.constant 0 : i32
        %dma_start3A_655 = tpu.memref_slice %arg10[%dma_start3A_652, %dma_start3A_653, %dma_start3A_654] : memref<3x80x128xf32, #tpu.memory_space<vmem>> -> memref<1x80x128xf32, #tpu.memory_space<vmem>>
        %dma_start3A_656 = tpu.memref_squeeze %dma_start3A_655 : memref<1x80x128xf32, #tpu.memory_space<vmem>> -> memref<80x128xf32, #tpu.memory_space<vmem>>
        %dma_start3A_657 = arith.constant 0 : i32
        %dma_start3A_658 = arith.constant 0 : i32
        %dma_start3A_659 = tpu.memref_slice %arg2[%add3A_651, %dma_start3A_657, %dma_start3A_658] : memref<4000x80x128xf32, #tpu.memory_space<hbm>> -> memref<1x80x128xf32, #tpu.memory_space<hbm>>
        %dma_start3A_660 = tpu.memref_squeeze %dma_start3A_659 : memref<1x80x128xf32, #tpu.memory_space<hbm>> -> memref<80x128xf32, #tpu.memory_space<hbm>>
        %dma_start3A_661 = arith.constant 0 : i32
        %dma_start3A_662 = arith.constant 0 : i32
        %dma_start3A_663 = tpu.memref_slice %arg10[%dma_start3A_652, %dma_start3A_661, %dma_start3A_662] : memref<3x80x128xf32, #tpu.memory_space<vmem>> -> memref<1x80x128xf32, #tpu.memory_space<vmem>>
        %dma_start3A_664 = tpu.memref_squeeze %dma_start3A_663 : memref<1x80x128xf32, #tpu.memory_space<vmem>> -> memref<80x128xf32, #tpu.memory_space<vmem>>
        %dma_start3A_665 = arith.constant 0 : i32
        %dma_start3A_666 = arith.constant 0 : i32
        %dma_start3A_667 = tpu.memref_slice %arg2[%add3A_651, %dma_start3A_665, %dma_start3A_666] : memref<4000x80x128xf32, #tpu.memory_space<hbm>> -> memref<1x80x128xf32, #tpu.memory_space<hbm>>
        %dma_start3A_668 = tpu.memref_squeeze %dma_start3A_667 : memref<1x80x128xf32, #tpu.memory_space<hbm>> -> memref<80x128xf32, #tpu.memory_space<hbm>>
        tpu.enqueue_dma source(%dma_start3A_668 : memref<80x128xf32, #tpu.memory_space<hbm>>) target(%dma_start3A_664 : memref<80x128xf32, #tpu.memory_space<vmem>>) target_semaphore(%arg15 : memref<!tpu.dma_semaphore, #tpu.memory_space<semaphore_mem>>)
      } else {
      }
      %add3A_589 = arith.constant 1 : i32
      %add3A_590 = arith.addi %mul3A_470, %add3A_589 : i32
      %add3A_591 = arith.constant 2 : i32
      %add3A_592 = arith.addi %add3A_590, %add3A_591 : i32
      %add3A_593 = arith.constant 75 : i32
      %add3A_594 = arith.addi %add3A_593, %add3A_592 : i32
      %add3A_595 = arith.addi %mul3A_2, %add3A_594 : i32
      %dma_wait3A_596 = arith.constant 0 : i32
      %dma_wait3A_597 = arith.constant 0 : i32
      %dma_wait3A_598 = arith.constant 0 : i32
      %dma_wait3A_599 = tpu.memref_slice %arg10[%dma_wait3A_596, %dma_wait3A_597, %dma_wait3A_598] : memref<3x80x128xf32, #tpu.memory_space<vmem>> -> memref<1x80x128xf32, #tpu.memory_space<vmem>>
      %dma_wait3A_600 = tpu.memref_squeeze %dma_wait3A_599 : memref<1x80x128xf32, #tpu.memory_space<vmem>> -> memref<80x128xf32, #tpu.memory_space<vmem>>
      %dma_wait3A_601 = arith.constant 0 : i32
      %dma_wait3A_602 = arith.constant 0 : i32
      %dma_wait3A_603 = tpu.memref_slice %arg2[%add3A_595, %dma_wait3A_601, %dma_wait3A_602] : memref<4000x80x128xf32, #tpu.memory_space<hbm>> -> memref<1x80x128xf32, #tpu.memory_space<hbm>>
      %dma_wait3A_604 = tpu.memref_squeeze %dma_wait3A_603 : memref<1x80x128xf32, #tpu.memory_space<hbm>> -> memref<80x128xf32, #tpu.memory_space<hbm>>
      %dma_wait3A_605 = arith.constant 0 : i32
      %dma_wait3A_606 = arith.constant 0 : i32
      %dma_wait3A_607 = tpu.memref_slice %arg10[%dma_wait3A_596, %dma_wait3A_605, %dma_wait3A_606] : memref<3x80x128xf32, #tpu.memory_space<vmem>> -> memref<1x80x128xf32, #tpu.memory_space<vmem>>
      %dma_wait3A_608 = tpu.memref_squeeze %dma_wait3A_607 : memref<1x80x128xf32, #tpu.memory_space<vmem>> -> memref<80x128xf32, #tpu.memory_space<vmem>>
      %dma_wait3A_609 = arith.constant 0 : i32
      %dma_wait3A_610 = arith.constant 0 : i32
      %dma_wait3A_611 = tpu.memref_slice %arg2[%add3A_595, %dma_wait3A_609, %dma_wait3A_610] : memref<4000x80x128xf32, #tpu.memory_space<hbm>> -> memref<1x80x128xf32, #tpu.memory_space<hbm>>
      %dma_wait3A_612 = tpu.memref_squeeze %dma_wait3A_611 : memref<1x80x128xf32, #tpu.memory_space<hbm>> -> memref<80x128xf32, #tpu.memory_space<hbm>>
      tpu.wait_dma2 semaphore(%arg14 : memref<!tpu.dma_semaphore, #tpu.memory_space<semaphore_mem>>) src(%dma_wait3A_612 : memref<80x128xf32, #tpu.memory_space<hbm>>) dst(%dma_wait3A_608 : memref<80x128xf32, #tpu.memory_space<vmem>>)
      %dma_start3A_613 = arith.constant 0 : i32
      %dma_start3A_614 = arith.constant 0 : i32
      %dma_start3A_615 = arith.constant 0 : i32
      %dma_start3A_616 = tpu.memref_slice %arg10[%dma_start3A_613, %dma_start3A_614, %dma_start3A_615] : memref<3x80x128xf32, #tpu.memory_space<vmem>> -> memref<1x80x128xf32, #tpu.memory_space<vmem>>
      %dma_start3A_617 = tpu.memref_squeeze %dma_start3A_616 : memref<1x80x128xf32, #tpu.memory_space<vmem>> -> memref<80x128xf32, #tpu.memory_space<vmem>>
      %dma_start3A_618 = arith.constant 0 : i32
      %dma_start3A_619 = tpu.memref_slice %arg9[%add3A_592, %dma_start3A_618] : memref<25x80xi32, #tpu.memory_space<vmem>> -> memref<1x80xi32, #tpu.memory_space<vmem>>
      %dma_start3A_620 = tpu.memref_squeeze %dma_start3A_619 : memref<1x80xi32, #tpu.memory_space<vmem>> -> memref<80xi32, #tpu.memory_space<vmem>>
      %dma_start3A_621 = arith.constant 0 : i32
      %dma_start3A_622 = arith.constant 0 : i32
      %dma_start3A_623 = tpu.memref_slice %arg12[%dma_start3A_621, %dma_start3A_622] : memref<10000x128xf32, #tpu.memory_space<vmem_shared>> -> memref<10000x128xf32, #tpu.memory_space<vmem_shared>>
      tpu.enqueue_indirect_dma source(%dma_start3A_617 : memref<80x128xf32, #tpu.memory_space<vmem>>) target(%dma_start3A_623 : memref<10000x128xf32, #tpu.memory_space<vmem_shared>>) offsets(%dma_start3A_620 : memref<80xi32, #tpu.memory_space<vmem>>) semaphore(%arg17 : memref<!tpu.dma_semaphore, #tpu.memory_space<semaphore_mem>>) {add = true}
      %dma_start3A_624 = arith.constant 0 : i32
      %dma_start3A_625 = tpu.memref_slice %arg9[%add3A_592, %dma_start3A_624] : memref<25x80xi32, #tpu.memory_space<vmem>> -> memref<1x80xi32, #tpu.memory_space<vmem>>
      %dma_start3A_626 = tpu.memref_squeeze %dma_start3A_625 : memref<1x80xi32, #tpu.memory_space<vmem>> -> memref<80xi32, #tpu.memory_space<vmem>>
      %dma_start3A_627 = arith.constant 0 : i32
      %dma_start3A_628 = tpu.memref_slice %arg13[%dma_start3A_627] : memref<10000xf32, #tpu.memory_space<vmem_shared>> -> memref<10000xf32, #tpu.memory_space<vmem_shared>>
      tpu.enqueue_indirect_dma source(%arg11 : memref<80xf32, #tpu.memory_space<vmem>>) target(%dma_start3A_628 : memref<10000xf32, #tpu.memory_space<vmem_shared>>) offsets(%dma_start3A_626 : memref<80xi32, #tpu.memory_space<vmem>>) semaphore(%arg20 : memref<!tpu.dma_semaphore, #tpu.memory_space<semaphore_mem>>) {add = true}
      %sub3A_629 = arith.constant 1 : i32
      %sub3A_630 = arith.subi %add3A_592, %sub3A_629 : i32
      %dma_wait3A_631 = arith.constant 2 : i32
      %dma_wait3A_632 = arith.constant 0 : i32
      %dma_wait3A_633 = arith.constant 0 : i32
      %dma_wait3A_634 = tpu.memref_slice %arg10[%dma_wait3A_631, %dma_wait3A_632, %dma_wait3A_633] : memref<3x80x128xf32, #tpu.memory_space<vmem>> -> memref<1x80x128xf32, #tpu.memory_space<vmem>>
      %dma_wait3A_635 = tpu.memref_squeeze %dma_wait3A_634 : memref<1x80x128xf32, #tpu.memory_space<vmem>> -> memref<80x128xf32, #tpu.memory_space<vmem>>
      %dma_wait3A_636 = arith.constant 0 : i32
      %dma_wait3A_637 = tpu.memref_slice %arg9[%sub3A_630, %dma_wait3A_636] : memref<25x80xi32, #tpu.memory_space<vmem>> -> memref<1x80xi32, #tpu.memory_space<vmem>>
      %dma_wait3A_638 = tpu.memref_squeeze %dma_wait3A_637 : memref<1x80xi32, #tpu.memory_space<vmem>> -> memref<80xi32, #tpu.memory_space<vmem>>
      %dma_wait3A_639 = arith.constant 0 : i32
      %dma_wait3A_640 = arith.constant 0 : i32
      %dma_wait3A_641 = tpu.memref_slice %arg12[%dma_wait3A_639, %dma_wait3A_640] : memref<10000x128xf32, #tpu.memory_space<vmem_shared>> -> memref<10000x128xf32, #tpu.memory_space<vmem_shared>>
      tpu.wait_indirect_dma semaphore(%arg19 : memref<!tpu.dma_semaphore, #tpu.memory_space<semaphore_mem>>) src(%dma_wait3A_635 : memref<80x128xf32, #tpu.memory_space<vmem>>) dst(%dma_wait3A_641 : memref<10000x128xf32, #tpu.memory_space<vmem_shared>>)
      %add3A_642 = arith.constant 2 : i32
      %add3A_643 = arith.addi %add3A_594, %add3A_642 : i32
      %lt3A_644 = arith.constant 125 : i32
      %lt3A_645 = arith.cmpi slt, %add3A_643, %lt3A_644 : i32
      %convert_element_type3A_646 = arith.extui %lt3A_645 : i1 to i32
      %cond3A_647 = arith.constant 0 : i32
      %cond3A_648 = arith.cmpi ne, %convert_element_type3A_646, %cond3A_647 : i32
      scf.if %cond3A_648 {
        %add3A_649 = arith.addi %mul3A_2, %add3A_594 : i32
        %add3A_650 = arith.constant 2 : i32
        %add3A_651 = arith.addi %add3A_649, %add3A_650 : i32
        %dma_start3A_652 = arith.constant 2 : i32
        %dma_start3A_653 = arith.constant 0 : i32
        %dma_start3A_654 = arith.constant 0 : i32
        %dma_start3A_655 = tpu.memref_slice %arg10[%dma_start3A_652, %dma_start3A_653, %dma_start3A_654] : memref<3x80x128xf32, #tpu.memory_space<vmem>> -> memref<1x80x128xf32, #tpu.memory_space<vmem>>
        %dma_start3A_656 = tpu.memref_squeeze %dma_start3A_655 : memref<1x80x128xf32, #tpu.memory_space<vmem>> -> memref<80x128xf32, #tpu.memory_space<vmem>>
        %dma_start3A_657 = arith.constant 0 : i32
        %dma_start3A_658 = arith.constant 0 : i32
        %dma_start3A_659 = tpu.memref_slice %arg2[%add3A_651, %dma_start3A_657, %dma_start3A_658] : memref<4000x80x128xf32, #tpu.memory_space<hbm>> -> memref<1x80x128xf32, #tpu.memory_space<hbm>>
        %dma_start3A_660 = tpu.memref_squeeze %dma_start3A_659 : memref<1x80x128xf32, #tpu.memory_space<hbm>> -> memref<80x128xf32, #tpu.memory_space<hbm>>
        %dma_start3A_661 = arith.constant 0 : i32
        %dma_start3A_662 = arith.constant 0 : i32
        %dma_start3A_663 = tpu.memref_slice %arg10[%dma_start3A_652, %dma_start3A_661, %dma_start3A_662] : memref<3x80x128xf32, #tpu.memory_space<vmem>> -> memref<1x80x128xf32, #tpu.memory_space<vmem>>
        %dma_start3A_664 = tpu.memref_squeeze %dma_start3A_663 : memref<1x80x128xf32, #tpu.memory_space<vmem>> -> memref<80x128xf32, #tpu.memory_space<vmem>>
        %dma_start3A_665 = arith.constant 0 : i32
        %dma_start3A_666 = arith.constant 0 : i32
        %dma_start3A_667 = tpu.memref_slice %arg2[%add3A_651, %dma_start3A_665, %dma_start3A_666] : memref<4000x80x128xf32, #tpu.memory_space<hbm>> -> memref<1x80x128xf32, #tpu.memory_space<hbm>>
        %dma_start3A_668 = tpu.memref_squeeze %dma_start3A_667 : memref<1x80x128xf32, #tpu.memory_space<hbm>> -> memref<80x128xf32, #tpu.memory_space<hbm>>
        tpu.enqueue_dma source(%dma_start3A_668 : memref<80x128xf32, #tpu.memory_space<hbm>>) target(%dma_start3A_664 : memref<80x128xf32, #tpu.memory_space<vmem>>) target_semaphore(%arg16 : memref<!tpu.dma_semaphore, #tpu.memory_space<semaphore_mem>>)
      } else {
      }
    }
    %scan3A_355 = arith.constant 8 : i32
    %dma_wait3A_356 = arith.constant 0 : i32
    %dma_wait3A_357 = arith.constant 24 : i32
    %dma_wait3A_358 = arith.constant 0 : i32
    %dma_wait3A_359 = arith.constant 0 : i32
    %dma_wait3A_360 = tpu.memref_slice %arg10[%dma_wait3A_356, %dma_wait3A_358, %dma_wait3A_359] : memref<3x80x128xf32, #tpu.memory_space<vmem>> -> memref<1x80x128xf32, #tpu.memory_space<vmem>>
    %dma_wait3A_361 = tpu.memref_squeeze %dma_wait3A_360 : memref<1x80x128xf32, #tpu.memory_space<vmem>> -> memref<80x128xf32, #tpu.memory_space<vmem>>
    %dma_wait3A_362 = arith.constant 0 : i32
    %dma_wait3A_363 = tpu.memref_slice %arg9[%dma_wait3A_357, %dma_wait3A_362] : memref<25x80xi32, #tpu.memory_space<vmem>> -> memref<1x80xi32, #tpu.memory_space<vmem>>
    %dma_wait3A_364 = tpu.memref_squeeze %dma_wait3A_363 : memref<1x80xi32, #tpu.memory_space<vmem>> -> memref<80xi32, #tpu.memory_space<vmem>>
    %dma_wait3A_365 = arith.constant 0 : i32
    %dma_wait3A_366 = arith.constant 0 : i32
    %dma_wait3A_367 = tpu.memref_slice %arg12[%dma_wait3A_365, %dma_wait3A_366] : memref<10000x128xf32, #tpu.memory_space<vmem_shared>> -> memref<10000x128xf32, #tpu.memory_space<vmem_shared>>
    tpu.wait_indirect_dma semaphore(%arg17 : memref<!tpu.dma_semaphore, #tpu.memory_space<semaphore_mem>>) src(%dma_wait3A_361 : memref<80x128xf32, #tpu.memory_space<vmem>>) dst(%dma_wait3A_367 : memref<10000x128xf32, #tpu.memory_space<vmem_shared>>)
    %scan3A_368 = arith.constant 0 : i32
    %scan3A_369 = arith.constant 0 : i32
    %scan3A_370 = arith.constant 25 : i32
    %scan3A_371 = arith.addi %scan3A_369, %scan3A_370 : i32
    %scan3A_372 = arith.constant 1 : i32
    scf.for %scan3A_468 = %scan3A_369 to %scan3A_371 step %scan3A_372  : i32 {
      %dma_wait3A_469 = arith.constant 0 : i32
      %dma_wait3A_470 = arith.constant 0 : i32
      %dma_wait3A_471 = tpu.memref_slice %arg9[%dma_wait3A_469, %dma_wait3A_470] : memref<25x80xi32, #tpu.memory_space<vmem>> -> memref<1x80xi32, #tpu.memory_space<vmem>>
      %dma_wait3A_472 = tpu.memref_squeeze %dma_wait3A_471 : memref<1x80xi32, #tpu.memory_space<vmem>> -> memref<80xi32, #tpu.memory_space<vmem>>
      %dma_wait3A_473 = arith.constant 0 : i32
      %dma_wait3A_474 = tpu.memref_slice %arg13[%dma_wait3A_473] : memref<10000xf32, #tpu.memory_space<vmem_shared>> -> memref<10000xf32, #tpu.memory_space<vmem_shared>>
      tpu.wait_indirect_dma semaphore(%arg20 : memref<!tpu.dma_semaphore, #tpu.memory_space<semaphore_mem>>) src(%arg11 : memref<80xf32, #tpu.memory_space<vmem>>) dst(%dma_wait3A_474 : memref<10000xf32, #tpu.memory_space<vmem_shared>>)
    }
    %scan3A_373 = arith.constant 25 : i32
    %run_scoped3A_374 = arith.constant 4 : i32
    "tpu.region"() ({
      %run_scoped3A_468 = tpu.sem_alloc : memref<!tpu.dma_semaphore, #tpu.memory_space<semaphore_mem>>
      %dma_start3A_469 = arith.constant 0 : i32
      %dma_start3A_470 = arith.constant 0 : i32
      %dma_start3A_471 = tpu.memref_slice %arg3[%add3A, %run_scoped3A_374, %dma_start3A_469, %dma_start3A_470] : memref<32x5x25x80xi32, #tpu.memory_space<hbm>> -> memref<1x1x25x80xi32, #tpu.memory_space<hbm>>
      %dma_start3A_472 = tpu.memref_squeeze %dma_start3A_471 : memref<1x1x25x80xi32, #tpu.memory_space<hbm>> -> memref<25x80xi32, #tpu.memory_space<hbm>>
      %dma_start3A_473 = arith.constant 0 : i32
      %dma_start3A_474 = arith.constant 0 : i32
      %dma_start3A_475 = tpu.memref_slice %arg3[%add3A, %run_scoped3A_374, %dma_start3A_473, %dma_start3A_474] : memref<32x5x25x80xi32, #tpu.memory_space<hbm>> -> memref<1x1x25x80xi32, #tpu.memory_space<hbm>>
      %dma_start3A_476 = tpu.memref_squeeze %dma_start3A_475 : memref<1x1x25x80xi32, #tpu.memory_space<hbm>> -> memref<25x80xi32, #tpu.memory_space<hbm>>
      tpu.enqueue_dma source(%dma_start3A_476 : memref<25x80xi32, #tpu.memory_space<hbm>>) target(%arg9 : memref<25x80xi32, #tpu.memory_space<vmem>>) target_semaphore(%run_scoped3A_468 : memref<!tpu.dma_semaphore, #tpu.memory_space<semaphore_mem>>)
      %dma_wait3A_477 = arith.constant 0 : i32
      %dma_wait3A_478 = arith.constant 0 : i32
      %dma_wait3A_479 = tpu.memref_slice %arg3[%add3A, %run_scoped3A_374, %dma_wait3A_477, %dma_wait3A_478] : memref<32x5x25x80xi32, #tpu.memory_space<hbm>> -> memref<1x1x25x80xi32, #tpu.memory_space<hbm>>
      %dma_wait3A_480 = tpu.memref_squeeze %dma_wait3A_479 : memref<1x1x25x80xi32, #tpu.memory_space<hbm>> -> memref<25x80xi32, #tpu.memory_space<hbm>>
      %dma_wait3A_481 = arith.constant 0 : i32
      %dma_wait3A_482 = arith.constant 0 : i32
      %dma_wait3A_483 = tpu.memref_slice %arg3[%add3A, %run_scoped3A_374, %dma_wait3A_481, %dma_wait3A_482] : memref<32x5x25x80xi32, #tpu.memory_space<hbm>> -> memref<1x1x25x80xi32, #tpu.memory_space<hbm>>
      %dma_wait3A_484 = tpu.memref_squeeze %dma_wait3A_483 : memref<1x1x25x80xi32, #tpu.memory_space<hbm>> -> memref<25x80xi32, #tpu.memory_space<hbm>>
      tpu.wait_dma2 semaphore(%run_scoped3A_468 : memref<!tpu.dma_semaphore, #tpu.memory_space<semaphore_mem>>) src(%dma_wait3A_484 : memref<25x80xi32, #tpu.memory_space<hbm>>) dst(%arg9 : memref<25x80xi32, #tpu.memory_space<vmem>>)
      tpu.yield
    }) : () -> ()
    %add3A_375 = arith.constant 100 : i32
    %add3A_376 = arith.addi %mul3A_2, %add3A_375 : i32
    %dma_wait3A_377 = arith.constant 1 : i32
    %dma_wait3A_378 = arith.constant 0 : i32
    %dma_wait3A_379 = arith.constant 0 : i32
    %dma_wait3A_380 = tpu.memref_slice %arg10[%dma_wait3A_377, %dma_wait3A_378, %dma_wait3A_379] : memref<3x80x128xf32, #tpu.memory_space<vmem>> -> memref<1x80x128xf32, #tpu.memory_space<vmem>>
    %dma_wait3A_381 = tpu.memref_squeeze %dma_wait3A_380 : memref<1x80x128xf32, #tpu.memory_space<vmem>> -> memref<80x128xf32, #tpu.memory_space<vmem>>
    %dma_wait3A_382 = arith.constant 0 : i32
    %dma_wait3A_383 = arith.constant 0 : i32
    %dma_wait3A_384 = tpu.memref_slice %arg2[%add3A_376, %dma_wait3A_382, %dma_wait3A_383] : memref<4000x80x128xf32, #tpu.memory_space<hbm>> -> memref<1x80x128xf32, #tpu.memory_space<hbm>>
    %dma_wait3A_385 = tpu.memref_squeeze %dma_wait3A_384 : memref<1x80x128xf32, #tpu.memory_space<hbm>> -> memref<80x128xf32, #tpu.memory_space<hbm>>
    %dma_wait3A_386 = arith.constant 0 : i32
    %dma_wait3A_387 = arith.constant 0 : i32
    %dma_wait3A_388 = tpu.memref_slice %arg10[%dma_wait3A_377, %dma_wait3A_386, %dma_wait3A_387] : memref<3x80x128xf32, #tpu.memory_space<vmem>> -> memref<1x80x128xf32, #tpu.memory_space<vmem>>
    %dma_wait3A_389 = tpu.memref_squeeze %dma_wait3A_388 : memref<1x80x128xf32, #tpu.memory_space<vmem>> -> memref<80x128xf32, #tpu.memory_space<vmem>>
    %dma_wait3A_390 = arith.constant 0 : i32
    %dma_wait3A_391 = arith.constant 0 : i32
    %dma_wait3A_392 = tpu.memref_slice %arg2[%add3A_376, %dma_wait3A_390, %dma_wait3A_391] : memref<4000x80x128xf32, #tpu.memory_space<hbm>> -> memref<1x80x128xf32, #tpu.memory_space<hbm>>
    %dma_wait3A_393 = tpu.memref_squeeze %dma_wait3A_392 : memref<1x80x128xf32, #tpu.memory_space<hbm>> -> memref<80x128xf32, #tpu.memory_space<hbm>>
    tpu.wait_dma2 semaphore(%arg15 : memref<!tpu.dma_semaphore, #tpu.memory_space<semaphore_mem>>) src(%dma_wait3A_393 : memref<80x128xf32, #tpu.memory_space<hbm>>) dst(%dma_wait3A_389 : memref<80x128xf32, #tpu.memory_space<vmem>>)
    %dma_start3A_394 = arith.constant 1 : i32
    %dma_start3A_395 = arith.constant 0 : i32
    %dma_start3A_396 = arith.constant 0 : i32
    %dma_start3A_397 = arith.constant 0 : i32
    %dma_start3A_398 = tpu.memref_slice %arg10[%dma_start3A_394, %dma_start3A_396, %dma_start3A_397] : memref<3x80x128xf32, #tpu.memory_space<vmem>> -> memref<1x80x128xf32, #tpu.memory_space<vmem>>
    %dma_start3A_399 = tpu.memref_squeeze %dma_start3A_398 : memref<1x80x128xf32, #tpu.memory_space<vmem>> -> memref<80x128xf32, #tpu.memory_space<vmem>>
    %dma_start3A_400 = arith.constant 0 : i32
    %dma_start3A_401 = tpu.memref_slice %arg9[%dma_start3A_395, %dma_start3A_400] : memref<25x80xi32, #tpu.memory_space<vmem>> -> memref<1x80xi32, #tpu.memory_space<vmem>>
    %dma_start3A_402 = tpu.memref_squeeze %dma_start3A_401 : memref<1x80xi32, #tpu.memory_space<vmem>> -> memref<80xi32, #tpu.memory_space<vmem>>
    %dma_start3A_403 = arith.constant 0 : i32
    %dma_start3A_404 = arith.constant 0 : i32
    %dma_start3A_405 = tpu.memref_slice %arg12[%dma_start3A_403, %dma_start3A_404] : memref<10000x128xf32, #tpu.memory_space<vmem_shared>> -> memref<10000x128xf32, #tpu.memory_space<vmem_shared>>
    tpu.enqueue_indirect_dma source(%dma_start3A_399 : memref<80x128xf32, #tpu.memory_space<vmem>>) target(%dma_start3A_405 : memref<10000x128xf32, #tpu.memory_space<vmem_shared>>) offsets(%dma_start3A_402 : memref<80xi32, #tpu.memory_space<vmem>>) semaphore(%arg18 : memref<!tpu.dma_semaphore, #tpu.memory_space<semaphore_mem>>) {add = true}
    %dma_start3A_406 = arith.constant 0 : i32
    %dma_start3A_407 = arith.constant 0 : i32
    %dma_start3A_408 = tpu.memref_slice %arg9[%dma_start3A_406, %dma_start3A_407] : memref<25x80xi32, #tpu.memory_space<vmem>> -> memref<1x80xi32, #tpu.memory_space<vmem>>
    %dma_start3A_409 = tpu.memref_squeeze %dma_start3A_408 : memref<1x80xi32, #tpu.memory_space<vmem>> -> memref<80xi32, #tpu.memory_space<vmem>>
    %dma_start3A_410 = arith.constant 0 : i32
    %dma_start3A_411 = tpu.memref_slice %arg13[%dma_start3A_410] : memref<10000xf32, #tpu.memory_space<vmem_shared>> -> memref<10000xf32, #tpu.memory_space<vmem_shared>>
    tpu.enqueue_indirect_dma source(%arg11 : memref<80xf32, #tpu.memory_space<vmem>>) target(%dma_start3A_411 : memref<10000xf32, #tpu.memory_space<vmem_shared>>) offsets(%dma_start3A_409 : memref<80xi32, #tpu.memory_space<vmem>>) semaphore(%arg20 : memref<!tpu.dma_semaphore, #tpu.memory_space<semaphore_mem>>) {add = true}
    %add3A_412 = arith.constant 100 : i32
    %add3A_413 = arith.addi %mul3A_2, %add3A_412 : i32
    %add3A_414 = arith.constant 2 : i32
    %add3A_415 = arith.addi %add3A_413, %add3A_414 : i32
    %dma_start3A_416 = arith.constant 0 : i32
    %dma_start3A_417 = arith.constant 0 : i32
    %dma_start3A_418 = arith.constant 0 : i32
    %dma_start3A_419 = tpu.memref_slice %arg10[%dma_start3A_416, %dma_start3A_417, %dma_start3A_418] : memref<3x80x128xf32, #tpu.memory_space<vmem>> -> memref<1x80x128xf32, #tpu.memory_space<vmem>>
    %dma_start3A_420 = tpu.memref_squeeze %dma_start3A_419 : memref<1x80x128xf32, #tpu.memory_space<vmem>> -> memref<80x128xf32, #tpu.memory_space<vmem>>
    %dma_start3A_421 = arith.constant 0 : i32
    %dma_start3A_422 = arith.constant 0 : i32
    %dma_start3A_423 = tpu.memref_slice %arg2[%add3A_415, %dma_start3A_421, %dma_start3A_422] : memref<4000x80x128xf32, #tpu.memory_space<hbm>> -> memref<1x80x128xf32, #tpu.memory_space<hbm>>
    %dma_start3A_424 = tpu.memref_squeeze %dma_start3A_423 : memref<1x80x128xf32, #tpu.memory_space<hbm>> -> memref<80x128xf32, #tpu.memory_space<hbm>>
    %dma_start3A_425 = arith.constant 0 : i32
    %dma_start3A_426 = arith.constant 0 : i32
    %dma_start3A_427 = tpu.memref_slice %arg10[%dma_start3A_416, %dma_start3A_425, %dma_start3A_426] : memref<3x80x128xf32, #tpu.memory_space<vmem>> -> memref<1x80x128xf32, #tpu.memory_space<vmem>>
    %dma_start3A_428 = tpu.memref_squeeze %dma_start3A_427 : memref<1x80x128xf32, #tpu.memory_space<vmem>> -> memref<80x128xf32, #tpu.memory_space<vmem>>
    %dma_start3A_429 = arith.constant 0 : i32
    %dma_start3A_430 = arith.constant 0 : i32
    %dma_start3A_431 = tpu.memref_slice %arg2[%add3A_415, %dma_start3A_429, %dma_start3A_430] : memref<4000x80x128xf32, #tpu.memory_space<hbm>> -> memref<1x80x128xf32, #tpu.memory_space<hbm>>
    %dma_start3A_432 = tpu.memref_squeeze %dma_start3A_431 : memref<1x80x128xf32, #tpu.memory_space<hbm>> -> memref<80x128xf32, #tpu.memory_space<hbm>>
    tpu.enqueue_dma source(%dma_start3A_432 : memref<80x128xf32, #tpu.memory_space<hbm>>) target(%dma_start3A_428 : memref<80x128xf32, #tpu.memory_space<vmem>>) target_semaphore(%arg14 : memref<!tpu.dma_semaphore, #tpu.memory_space<semaphore_mem>>)
    %scan3A_433 = arith.constant 0 : i32
    %scan3A_434 = arith.constant 0 : i32
    %scan3A_435 = arith.constant 8 : i32
    %scan3A_436 = arith.addi %scan3A_434, %scan3A_435 : i32
    %scan3A_437 = arith.constant 1 : i32
    scf.for %scan3A_468 = %scan3A_434 to %scan3A_436 step %scan3A_437  : i32 {
      %mul3A_469 = arith.constant 3 : i32
      %mul3A_470 = arith.muli %mul3A_469, %scan3A_468 : i32
      %add3A_471 = arith.constant 1 : i32
      %add3A_472 = arith.addi %mul3A_470, %add3A_471 : i32
      %add3A_473 = arith.constant 0 : i32
      %add3A_474 = arith.addi %add3A_472, %add3A_473 : i32
      %add3A_475 = arith.constant 100 : i32
      %add3A_476 = arith.addi %add3A_475, %add3A_474 : i32
      %add3A_477 = arith.addi %mul3A_2, %add3A_476 : i32
      %dma_wait3A_478 = arith.constant 2 : i32
      %dma_wait3A_479 = arith.constant 0 : i32
      %dma_wait3A_480 = arith.constant 0 : i32
      %dma_wait3A_481 = tpu.memref_slice %arg10[%dma_wait3A_478, %dma_wait3A_479, %dma_wait3A_480] : memref<3x80x128xf32, #tpu.memory_space<vmem>> -> memref<1x80x128xf32, #tpu.memory_space<vmem>>
      %dma_wait3A_482 = tpu.memref_squeeze %dma_wait3A_481 : memref<1x80x128xf32, #tpu.memory_space<vmem>> -> memref<80x128xf32, #tpu.memory_space<vmem>>
      %dma_wait3A_483 = arith.constant 0 : i32
      %dma_wait3A_484 = arith.constant 0 : i32
      %dma_wait3A_485 = tpu.memref_slice %arg2[%add3A_477, %dma_wait3A_483, %dma_wait3A_484] : memref<4000x80x128xf32, #tpu.memory_space<hbm>> -> memref<1x80x128xf32, #tpu.memory_space<hbm>>
      %dma_wait3A_486 = tpu.memref_squeeze %dma_wait3A_485 : memref<1x80x128xf32, #tpu.memory_space<hbm>> -> memref<80x128xf32, #tpu.memory_space<hbm>>
      %dma_wait3A_487 = arith.constant 0 : i32
      %dma_wait3A_488 = arith.constant 0 : i32
      %dma_wait3A_489 = tpu.memref_slice %arg10[%dma_wait3A_478, %dma_wait3A_487, %dma_wait3A_488] : memref<3x80x128xf32, #tpu.memory_space<vmem>> -> memref<1x80x128xf32, #tpu.memory_space<vmem>>
      %dma_wait3A_490 = tpu.memref_squeeze %dma_wait3A_489 : memref<1x80x128xf32, #tpu.memory_space<vmem>> -> memref<80x128xf32, #tpu.memory_space<vmem>>
      %dma_wait3A_491 = arith.constant 0 : i32
      %dma_wait3A_492 = arith.constant 0 : i32
      %dma_wait3A_493 = tpu.memref_slice %arg2[%add3A_477, %dma_wait3A_491, %dma_wait3A_492] : memref<4000x80x128xf32, #tpu.memory_space<hbm>> -> memref<1x80x128xf32, #tpu.memory_space<hbm>>
      %dma_wait3A_494 = tpu.memref_squeeze %dma_wait3A_493 : memref<1x80x128xf32, #tpu.memory_space<hbm>> -> memref<80x128xf32, #tpu.memory_space<hbm>>
      tpu.wait_dma2 semaphore(%arg16 : memref<!tpu.dma_semaphore, #tpu.memory_space<semaphore_mem>>) src(%dma_wait3A_494 : memref<80x128xf32, #tpu.memory_space<hbm>>) dst(%dma_wait3A_490 : memref<80x128xf32, #tpu.memory_space<vmem>>)
      %dma_start3A_495 = arith.constant 2 : i32
      %dma_start3A_496 = arith.constant 0 : i32
      %dma_start3A_497 = arith.constant 0 : i32
      %dma_start3A_498 = tpu.memref_slice %arg10[%dma_start3A_495, %dma_start3A_496, %dma_start3A_497] : memref<3x80x128xf32, #tpu.memory_space<vmem>> -> memref<1x80x128xf32, #tpu.memory_space<vmem>>
      %dma_start3A_499 = tpu.memref_squeeze %dma_start3A_498 : memref<1x80x128xf32, #tpu.memory_space<vmem>> -> memref<80x128xf32, #tpu.memory_space<vmem>>
      %dma_start3A_500 = arith.constant 0 : i32
      %dma_start3A_501 = tpu.memref_slice %arg9[%add3A_474, %dma_start3A_500] : memref<25x80xi32, #tpu.memory_space<vmem>> -> memref<1x80xi32, #tpu.memory_space<vmem>>
      %dma_start3A_502 = tpu.memref_squeeze %dma_start3A_501 : memref<1x80xi32, #tpu.memory_space<vmem>> -> memref<80xi32, #tpu.memory_space<vmem>>
      %dma_start3A_503 = arith.constant 0 : i32
      %dma_start3A_504 = arith.constant 0 : i32
      %dma_start3A_505 = tpu.memref_slice %arg12[%dma_start3A_503, %dma_start3A_504] : memref<10000x128xf32, #tpu.memory_space<vmem_shared>> -> memref<10000x128xf32, #tpu.memory_space<vmem_shared>>
      tpu.enqueue_indirect_dma source(%dma_start3A_499 : memref<80x128xf32, #tpu.memory_space<vmem>>) target(%dma_start3A_505 : memref<10000x128xf32, #tpu.memory_space<vmem_shared>>) offsets(%dma_start3A_502 : memref<80xi32, #tpu.memory_space<vmem>>) semaphore(%arg19 : memref<!tpu.dma_semaphore, #tpu.memory_space<semaphore_mem>>) {add = true}
      %dma_start3A_506 = arith.constant 0 : i32
      %dma_start3A_507 = tpu.memref_slice %arg9[%add3A_474, %dma_start3A_506] : memref<25x80xi32, #tpu.memory_space<vmem>> -> memref<1x80xi32, #tpu.memory_space<vmem>>
      %dma_start3A_508 = tpu.memref_squeeze %dma_start3A_507 : memref<1x80xi32, #tpu.memory_space<vmem>> -> memref<80xi32, #tpu.memory_space<vmem>>
      %dma_start3A_509 = arith.constant 0 : i32
      %dma_start3A_510 = tpu.memref_slice %arg13[%dma_start3A_509] : memref<10000xf32, #tpu.memory_space<vmem_shared>> -> memref<10000xf32, #tpu.memory_space<vmem_shared>>
      tpu.enqueue_indirect_dma source(%arg11 : memref<80xf32, #tpu.memory_space<vmem>>) target(%dma_start3A_510 : memref<10000xf32, #tpu.memory_space<vmem_shared>>) offsets(%dma_start3A_508 : memref<80xi32, #tpu.memory_space<vmem>>) semaphore(%arg20 : memref<!tpu.dma_semaphore, #tpu.memory_space<semaphore_mem>>) {add = true}
      %sub3A = arith.constant 1 : i32
      %sub3A_511 = arith.subi %add3A_474, %sub3A : i32
      %dma_wait3A_512 = arith.constant 1 : i32
      %dma_wait3A_513 = arith.constant 0 : i32
      %dma_wait3A_514 = arith.constant 0 : i32
      %dma_wait3A_515 = tpu.memref_slice %arg10[%dma_wait3A_512, %dma_wait3A_513, %dma_wait3A_514] : memref<3x80x128xf32, #tpu.memory_space<vmem>> -> memref<1x80x128xf32, #tpu.memory_space<vmem>>
      %dma_wait3A_516 = tpu.memref_squeeze %dma_wait3A_515 : memref<1x80x128xf32, #tpu.memory_space<vmem>> -> memref<80x128xf32, #tpu.memory_space<vmem>>
      %dma_wait3A_517 = arith.constant 0 : i32
      %dma_wait3A_518 = tpu.memref_slice %arg9[%sub3A_511, %dma_wait3A_517] : memref<25x80xi32, #tpu.memory_space<vmem>> -> memref<1x80xi32, #tpu.memory_space<vmem>>
      %dma_wait3A_519 = tpu.memref_squeeze %dma_wait3A_518 : memref<1x80xi32, #tpu.memory_space<vmem>> -> memref<80xi32, #tpu.memory_space<vmem>>
      %dma_wait3A_520 = arith.constant 0 : i32
      %dma_wait3A_521 = arith.constant 0 : i32
      %dma_wait3A_522 = tpu.memref_slice %arg12[%dma_wait3A_520, %dma_wait3A_521] : memref<10000x128xf32, #tpu.memory_space<vmem_shared>> -> memref<10000x128xf32, #tpu.memory_space<vmem_shared>>
      tpu.wait_indirect_dma semaphore(%arg18 : memref<!tpu.dma_semaphore, #tpu.memory_space<semaphore_mem>>) src(%dma_wait3A_516 : memref<80x128xf32, #tpu.memory_space<vmem>>) dst(%dma_wait3A_522 : memref<10000x128xf32, #tpu.memory_space<vmem_shared>>)
      %add3A_523 = arith.constant 2 : i32
      %add3A_524 = arith.addi %add3A_476, %add3A_523 : i32
      %lt3A = arith.constant 125 : i32
      %lt3A_525 = arith.cmpi slt, %add3A_524, %lt3A : i32
      %convert_element_type3A_526 = arith.extui %lt3A_525 : i1 to i32
      %cond3A_527 = arith.constant 0 : i32
      %cond3A_528 = arith.cmpi ne, %convert_element_type3A_526, %cond3A_527 : i32
      scf.if %cond3A_528 {
        %add3A_649 = arith.addi %mul3A_2, %add3A_476 : i32
        %add3A_650 = arith.constant 2 : i32
        %add3A_651 = arith.addi %add3A_649, %add3A_650 : i32
        %dma_start3A_652 = arith.constant 1 : i32
        %dma_start3A_653 = arith.constant 0 : i32
        %dma_start3A_654 = arith.constant 0 : i32
        %dma_start3A_655 = tpu.memref_slice %arg10[%dma_start3A_652, %dma_start3A_653, %dma_start3A_654] : memref<3x80x128xf32, #tpu.memory_space<vmem>> -> memref<1x80x128xf32, #tpu.memory_space<vmem>>
        %dma_start3A_656 = tpu.memref_squeeze %dma_start3A_655 : memref<1x80x128xf32, #tpu.memory_space<vmem>> -> memref<80x128xf32, #tpu.memory_space<vmem>>
        %dma_start3A_657 = arith.constant 0 : i32
        %dma_start3A_658 = arith.constant 0 : i32
        %dma_start3A_659 = tpu.memref_slice %arg2[%add3A_651, %dma_start3A_657, %dma_start3A_658] : memref<4000x80x128xf32, #tpu.memory_space<hbm>> -> memref<1x80x128xf32, #tpu.memory_space<hbm>>
        %dma_start3A_660 = tpu.memref_squeeze %dma_start3A_659 : memref<1x80x128xf32, #tpu.memory_space<hbm>> -> memref<80x128xf32, #tpu.memory_space<hbm>>
        %dma_start3A_661 = arith.constant 0 : i32
        %dma_start3A_662 = arith.constant 0 : i32
        %dma_start3A_663 = tpu.memref_slice %arg10[%dma_start3A_652, %dma_start3A_661, %dma_start3A_662] : memref<3x80x128xf32, #tpu.memory_space<vmem>> -> memref<1x80x128xf32, #tpu.memory_space<vmem>>
        %dma_start3A_664 = tpu.memref_squeeze %dma_start3A_663 : memref<1x80x128xf32, #tpu.memory_space<vmem>> -> memref<80x128xf32, #tpu.memory_space<vmem>>
        %dma_start3A_665 = arith.constant 0 : i32
        %dma_start3A_666 = arith.constant 0 : i32
        %dma_start3A_667 = tpu.memref_slice %arg2[%add3A_651, %dma_start3A_665, %dma_start3A_666] : memref<4000x80x128xf32, #tpu.memory_space<hbm>> -> memref<1x80x128xf32, #tpu.memory_space<hbm>>
        %dma_start3A_668 = tpu.memref_squeeze %dma_start3A_667 : memref<1x80x128xf32, #tpu.memory_space<hbm>> -> memref<80x128xf32, #tpu.memory_space<hbm>>
        tpu.enqueue_dma source(%dma_start3A_668 : memref<80x128xf32, #tpu.memory_space<hbm>>) target(%dma_start3A_664 : memref<80x128xf32, #tpu.memory_space<vmem>>) target_semaphore(%arg15 : memref<!tpu.dma_semaphore, #tpu.memory_space<semaphore_mem>>)
      } else {
      }
      %add3A_529 = arith.constant 1 : i32
      %add3A_530 = arith.addi %mul3A_470, %add3A_529 : i32
      %add3A_531 = arith.constant 1 : i32
      %add3A_532 = arith.addi %add3A_530, %add3A_531 : i32
      %add3A_533 = arith.constant 100 : i32
      %add3A_534 = arith.addi %add3A_533, %add3A_532 : i32
      %add3A_535 = arith.addi %mul3A_2, %add3A_534 : i32
      %dma_wait3A_536 = arith.constant 0 : i32
      %dma_wait3A_537 = arith.constant 0 : i32
      %dma_wait3A_538 = arith.constant 0 : i32
      %dma_wait3A_539 = tpu.memref_slice %arg10[%dma_wait3A_536, %dma_wait3A_537, %dma_wait3A_538] : memref<3x80x128xf32, #tpu.memory_space<vmem>> -> memref<1x80x128xf32, #tpu.memory_space<vmem>>
      %dma_wait3A_540 = tpu.memref_squeeze %dma_wait3A_539 : memref<1x80x128xf32, #tpu.memory_space<vmem>> -> memref<80x128xf32, #tpu.memory_space<vmem>>
      %dma_wait3A_541 = arith.constant 0 : i32
      %dma_wait3A_542 = arith.constant 0 : i32
      %dma_wait3A_543 = tpu.memref_slice %arg2[%add3A_535, %dma_wait3A_541, %dma_wait3A_542] : memref<4000x80x128xf32, #tpu.memory_space<hbm>> -> memref<1x80x128xf32, #tpu.memory_space<hbm>>
      %dma_wait3A_544 = tpu.memref_squeeze %dma_wait3A_543 : memref<1x80x128xf32, #tpu.memory_space<hbm>> -> memref<80x128xf32, #tpu.memory_space<hbm>>
      %dma_wait3A_545 = arith.constant 0 : i32
      %dma_wait3A_546 = arith.constant 0 : i32
      %dma_wait3A_547 = tpu.memref_slice %arg10[%dma_wait3A_536, %dma_wait3A_545, %dma_wait3A_546] : memref<3x80x128xf32, #tpu.memory_space<vmem>> -> memref<1x80x128xf32, #tpu.memory_space<vmem>>
      %dma_wait3A_548 = tpu.memref_squeeze %dma_wait3A_547 : memref<1x80x128xf32, #tpu.memory_space<vmem>> -> memref<80x128xf32, #tpu.memory_space<vmem>>
      %dma_wait3A_549 = arith.constant 0 : i32
      %dma_wait3A_550 = arith.constant 0 : i32
      %dma_wait3A_551 = tpu.memref_slice %arg2[%add3A_535, %dma_wait3A_549, %dma_wait3A_550] : memref<4000x80x128xf32, #tpu.memory_space<hbm>> -> memref<1x80x128xf32, #tpu.memory_space<hbm>>
      %dma_wait3A_552 = tpu.memref_squeeze %dma_wait3A_551 : memref<1x80x128xf32, #tpu.memory_space<hbm>> -> memref<80x128xf32, #tpu.memory_space<hbm>>
      tpu.wait_dma2 semaphore(%arg14 : memref<!tpu.dma_semaphore, #tpu.memory_space<semaphore_mem>>) src(%dma_wait3A_552 : memref<80x128xf32, #tpu.memory_space<hbm>>) dst(%dma_wait3A_548 : memref<80x128xf32, #tpu.memory_space<vmem>>)
      %dma_start3A_553 = arith.constant 0 : i32
      %dma_start3A_554 = arith.constant 0 : i32
      %dma_start3A_555 = arith.constant 0 : i32
      %dma_start3A_556 = tpu.memref_slice %arg10[%dma_start3A_553, %dma_start3A_554, %dma_start3A_555] : memref<3x80x128xf32, #tpu.memory_space<vmem>> -> memref<1x80x128xf32, #tpu.memory_space<vmem>>
      %dma_start3A_557 = tpu.memref_squeeze %dma_start3A_556 : memref<1x80x128xf32, #tpu.memory_space<vmem>> -> memref<80x128xf32, #tpu.memory_space<vmem>>
      %dma_start3A_558 = arith.constant 0 : i32
      %dma_start3A_559 = tpu.memref_slice %arg9[%add3A_532, %dma_start3A_558] : memref<25x80xi32, #tpu.memory_space<vmem>> -> memref<1x80xi32, #tpu.memory_space<vmem>>
      %dma_start3A_560 = tpu.memref_squeeze %dma_start3A_559 : memref<1x80xi32, #tpu.memory_space<vmem>> -> memref<80xi32, #tpu.memory_space<vmem>>
      %dma_start3A_561 = arith.constant 0 : i32
      %dma_start3A_562 = arith.constant 0 : i32
      %dma_start3A_563 = tpu.memref_slice %arg12[%dma_start3A_561, %dma_start3A_562] : memref<10000x128xf32, #tpu.memory_space<vmem_shared>> -> memref<10000x128xf32, #tpu.memory_space<vmem_shared>>
      tpu.enqueue_indirect_dma source(%dma_start3A_557 : memref<80x128xf32, #tpu.memory_space<vmem>>) target(%dma_start3A_563 : memref<10000x128xf32, #tpu.memory_space<vmem_shared>>) offsets(%dma_start3A_560 : memref<80xi32, #tpu.memory_space<vmem>>) semaphore(%arg17 : memref<!tpu.dma_semaphore, #tpu.memory_space<semaphore_mem>>) {add = true}
      %dma_start3A_564 = arith.constant 0 : i32
      %dma_start3A_565 = tpu.memref_slice %arg9[%add3A_532, %dma_start3A_564] : memref<25x80xi32, #tpu.memory_space<vmem>> -> memref<1x80xi32, #tpu.memory_space<vmem>>
      %dma_start3A_566 = tpu.memref_squeeze %dma_start3A_565 : memref<1x80xi32, #tpu.memory_space<vmem>> -> memref<80xi32, #tpu.memory_space<vmem>>
      %dma_start3A_567 = arith.constant 0 : i32
      %dma_start3A_568 = tpu.memref_slice %arg13[%dma_start3A_567] : memref<10000xf32, #tpu.memory_space<vmem_shared>> -> memref<10000xf32, #tpu.memory_space<vmem_shared>>
      tpu.enqueue_indirect_dma source(%arg11 : memref<80xf32, #tpu.memory_space<vmem>>) target(%dma_start3A_568 : memref<10000xf32, #tpu.memory_space<vmem_shared>>) offsets(%dma_start3A_566 : memref<80xi32, #tpu.memory_space<vmem>>) semaphore(%arg20 : memref<!tpu.dma_semaphore, #tpu.memory_space<semaphore_mem>>) {add = true}
      %sub3A_569 = arith.constant 1 : i32
      %sub3A_570 = arith.subi %add3A_532, %sub3A_569 : i32
      %dma_wait3A_571 = arith.constant 2 : i32
      %dma_wait3A_572 = arith.constant 0 : i32
      %dma_wait3A_573 = arith.constant 0 : i32
      %dma_wait3A_574 = tpu.memref_slice %arg10[%dma_wait3A_571, %dma_wait3A_572, %dma_wait3A_573] : memref<3x80x128xf32, #tpu.memory_space<vmem>> -> memref<1x80x128xf32, #tpu.memory_space<vmem>>
      %dma_wait3A_575 = tpu.memref_squeeze %dma_wait3A_574 : memref<1x80x128xf32, #tpu.memory_space<vmem>> -> memref<80x128xf32, #tpu.memory_space<vmem>>
      %dma_wait3A_576 = arith.constant 0 : i32
      %dma_wait3A_577 = tpu.memref_slice %arg9[%sub3A_570, %dma_wait3A_576] : memref<25x80xi32, #tpu.memory_space<vmem>> -> memref<1x80xi32, #tpu.memory_space<vmem>>
      %dma_wait3A_578 = tpu.memref_squeeze %dma_wait3A_577 : memref<1x80xi32, #tpu.memory_space<vmem>> -> memref<80xi32, #tpu.memory_space<vmem>>
      %dma_wait3A_579 = arith.constant 0 : i32
      %dma_wait3A_580 = arith.constant 0 : i32
      %dma_wait3A_581 = tpu.memref_slice %arg12[%dma_wait3A_579, %dma_wait3A_580] : memref<10000x128xf32, #tpu.memory_space<vmem_shared>> -> memref<10000x128xf32, #tpu.memory_space<vmem_shared>>
      tpu.wait_indirect_dma semaphore(%arg19 : memref<!tpu.dma_semaphore, #tpu.memory_space<semaphore_mem>>) src(%dma_wait3A_575 : memref<80x128xf32, #tpu.memory_space<vmem>>) dst(%dma_wait3A_581 : memref<10000x128xf32, #tpu.memory_space<vmem_shared>>)
      %add3A_582 = arith.constant 2 : i32
      %add3A_583 = arith.addi %add3A_534, %add3A_582 : i32
      %lt3A_584 = arith.constant 125 : i32
      %lt3A_585 = arith.cmpi slt, %add3A_583, %lt3A_584 : i32
      %convert_element_type3A_586 = arith.extui %lt3A_585 : i1 to i32
      %cond3A_587 = arith.constant 0 : i32
      %cond3A_588 = arith.cmpi ne, %convert_element_type3A_586, %cond3A_587 : i32
      scf.if %cond3A_588 {
        %add3A_649 = arith.addi %mul3A_2, %add3A_534 : i32
        %add3A_650 = arith.constant 2 : i32
        %add3A_651 = arith.addi %add3A_649, %add3A_650 : i32
        %dma_start3A_652 = arith.constant 2 : i32
        %dma_start3A_653 = arith.constant 0 : i32
        %dma_start3A_654 = arith.constant 0 : i32
        %dma_start3A_655 = tpu.memref_slice %arg10[%dma_start3A_652, %dma_start3A_653, %dma_start3A_654] : memref<3x80x128xf32, #tpu.memory_space<vmem>> -> memref<1x80x128xf32, #tpu.memory_space<vmem>>
        %dma_start3A_656 = tpu.memref_squeeze %dma_start3A_655 : memref<1x80x128xf32, #tpu.memory_space<vmem>> -> memref<80x128xf32, #tpu.memory_space<vmem>>
        %dma_start3A_657 = arith.constant 0 : i32
        %dma_start3A_658 = arith.constant 0 : i32
        %dma_start3A_659 = tpu.memref_slice %arg2[%add3A_651, %dma_start3A_657, %dma_start3A_658] : memref<4000x80x128xf32, #tpu.memory_space<hbm>> -> memref<1x80x128xf32, #tpu.memory_space<hbm>>
        %dma_start3A_660 = tpu.memref_squeeze %dma_start3A_659 : memref<1x80x128xf32, #tpu.memory_space<hbm>> -> memref<80x128xf32, #tpu.memory_space<hbm>>
        %dma_start3A_661 = arith.constant 0 : i32
        %dma_start3A_662 = arith.constant 0 : i32
        %dma_start3A_663 = tpu.memref_slice %arg10[%dma_start3A_652, %dma_start3A_661, %dma_start3A_662] : memref<3x80x128xf32, #tpu.memory_space<vmem>> -> memref<1x80x128xf32, #tpu.memory_space<vmem>>
        %dma_start3A_664 = tpu.memref_squeeze %dma_start3A_663 : memref<1x80x128xf32, #tpu.memory_space<vmem>> -> memref<80x128xf32, #tpu.memory_space<vmem>>
        %dma_start3A_665 = arith.constant 0 : i32
        %dma_start3A_666 = arith.constant 0 : i32
        %dma_start3A_667 = tpu.memref_slice %arg2[%add3A_651, %dma_start3A_665, %dma_start3A_666] : memref<4000x80x128xf32, #tpu.memory_space<hbm>> -> memref<1x80x128xf32, #tpu.memory_space<hbm>>
        %dma_start3A_668 = tpu.memref_squeeze %dma_start3A_667 : memref<1x80x128xf32, #tpu.memory_space<hbm>> -> memref<80x128xf32, #tpu.memory_space<hbm>>
        tpu.enqueue_dma source(%dma_start3A_668 : memref<80x128xf32, #tpu.memory_space<hbm>>) target(%dma_start3A_664 : memref<80x128xf32, #tpu.memory_space<vmem>>) target_semaphore(%arg16 : memref<!tpu.dma_semaphore, #tpu.memory_space<semaphore_mem>>)
      } else {
      }
      %add3A_589 = arith.constant 1 : i32
      %add3A_590 = arith.addi %mul3A_470, %add3A_589 : i32
      %add3A_591 = arith.constant 2 : i32
      %add3A_592 = arith.addi %add3A_590, %add3A_591 : i32
      %add3A_593 = arith.constant 100 : i32
      %add3A_594 = arith.addi %add3A_593, %add3A_592 : i32
      %add3A_595 = arith.addi %mul3A_2, %add3A_594 : i32
      %dma_wait3A_596 = arith.constant 1 : i32
      %dma_wait3A_597 = arith.constant 0 : i32
      %dma_wait3A_598 = arith.constant 0 : i32
      %dma_wait3A_599 = tpu.memref_slice %arg10[%dma_wait3A_596, %dma_wait3A_597, %dma_wait3A_598] : memref<3x80x128xf32, #tpu.memory_space<vmem>> -> memref<1x80x128xf32, #tpu.memory_space<vmem>>
      %dma_wait3A_600 = tpu.memref_squeeze %dma_wait3A_599 : memref<1x80x128xf32, #tpu.memory_space<vmem>> -> memref<80x128xf32, #tpu.memory_space<vmem>>
      %dma_wait3A_601 = arith.constant 0 : i32
      %dma_wait3A_602 = arith.constant 0 : i32
      %dma_wait3A_603 = tpu.memref_slice %arg2[%add3A_595, %dma_wait3A_601, %dma_wait3A_602] : memref<4000x80x128xf32, #tpu.memory_space<hbm>> -> memref<1x80x128xf32, #tpu.memory_space<hbm>>
      %dma_wait3A_604 = tpu.memref_squeeze %dma_wait3A_603 : memref<1x80x128xf32, #tpu.memory_space<hbm>> -> memref<80x128xf32, #tpu.memory_space<hbm>>
      %dma_wait3A_605 = arith.constant 0 : i32
      %dma_wait3A_606 = arith.constant 0 : i32
      %dma_wait3A_607 = tpu.memref_slice %arg10[%dma_wait3A_596, %dma_wait3A_605, %dma_wait3A_606] : memref<3x80x128xf32, #tpu.memory_space<vmem>> -> memref<1x80x128xf32, #tpu.memory_space<vmem>>
      %dma_wait3A_608 = tpu.memref_squeeze %dma_wait3A_607 : memref<1x80x128xf32, #tpu.memory_space<vmem>> -> memref<80x128xf32, #tpu.memory_space<vmem>>
      %dma_wait3A_609 = arith.constant 0 : i32
      %dma_wait3A_610 = arith.constant 0 : i32
      %dma_wait3A_611 = tpu.memref_slice %arg2[%add3A_595, %dma_wait3A_609, %dma_wait3A_610] : memref<4000x80x128xf32, #tpu.memory_space<hbm>> -> memref<1x80x128xf32, #tpu.memory_space<hbm>>
      %dma_wait3A_612 = tpu.memref_squeeze %dma_wait3A_611 : memref<1x80x128xf32, #tpu.memory_space<hbm>> -> memref<80x128xf32, #tpu.memory_space<hbm>>
      tpu.wait_dma2 semaphore(%arg15 : memref<!tpu.dma_semaphore, #tpu.memory_space<semaphore_mem>>) src(%dma_wait3A_612 : memref<80x128xf32, #tpu.memory_space<hbm>>) dst(%dma_wait3A_608 : memref<80x128xf32, #tpu.memory_space<vmem>>)
      %dma_start3A_613 = arith.constant 1 : i32
      %dma_start3A_614 = arith.constant 0 : i32
      %dma_start3A_615 = arith.constant 0 : i32
      %dma_start3A_616 = tpu.memref_slice %arg10[%dma_start3A_613, %dma_start3A_614, %dma_start3A_615] : memref<3x80x128xf32, #tpu.memory_space<vmem>> -> memref<1x80x128xf32, #tpu.memory_space<vmem>>
      %dma_start3A_617 = tpu.memref_squeeze %dma_start3A_616 : memref<1x80x128xf32, #tpu.memory_space<vmem>> -> memref<80x128xf32, #tpu.memory_space<vmem>>
      %dma_start3A_618 = arith.constant 0 : i32
      %dma_start3A_619 = tpu.memref_slice %arg9[%add3A_592, %dma_start3A_618] : memref<25x80xi32, #tpu.memory_space<vmem>> -> memref<1x80xi32, #tpu.memory_space<vmem>>
      %dma_start3A_620 = tpu.memref_squeeze %dma_start3A_619 : memref<1x80xi32, #tpu.memory_space<vmem>> -> memref<80xi32, #tpu.memory_space<vmem>>
      %dma_start3A_621 = arith.constant 0 : i32
      %dma_start3A_622 = arith.constant 0 : i32
      %dma_start3A_623 = tpu.memref_slice %arg12[%dma_start3A_621, %dma_start3A_622] : memref<10000x128xf32, #tpu.memory_space<vmem_shared>> -> memref<10000x128xf32, #tpu.memory_space<vmem_shared>>
      tpu.enqueue_indirect_dma source(%dma_start3A_617 : memref<80x128xf32, #tpu.memory_space<vmem>>) target(%dma_start3A_623 : memref<10000x128xf32, #tpu.memory_space<vmem_shared>>) offsets(%dma_start3A_620 : memref<80xi32, #tpu.memory_space<vmem>>) semaphore(%arg18 : memref<!tpu.dma_semaphore, #tpu.memory_space<semaphore_mem>>) {add = true}
      %dma_start3A_624 = arith.constant 0 : i32
      %dma_start3A_625 = tpu.memref_slice %arg9[%add3A_592, %dma_start3A_624] : memref<25x80xi32, #tpu.memory_space<vmem>> -> memref<1x80xi32, #tpu.memory_space<vmem>>
      %dma_start3A_626 = tpu.memref_squeeze %dma_start3A_625 : memref<1x80xi32, #tpu.memory_space<vmem>> -> memref<80xi32, #tpu.memory_space<vmem>>
      %dma_start3A_627 = arith.constant 0 : i32
      %dma_start3A_628 = tpu.memref_slice %arg13[%dma_start3A_627] : memref<10000xf32, #tpu.memory_space<vmem_shared>> -> memref<10000xf32, #tpu.memory_space<vmem_shared>>
      tpu.enqueue_indirect_dma source(%arg11 : memref<80xf32, #tpu.memory_space<vmem>>) target(%dma_start3A_628 : memref<10000xf32, #tpu.memory_space<vmem_shared>>) offsets(%dma_start3A_626 : memref<80xi32, #tpu.memory_space<vmem>>) semaphore(%arg20 : memref<!tpu.dma_semaphore, #tpu.memory_space<semaphore_mem>>) {add = true}
      %sub3A_629 = arith.constant 1 : i32
      %sub3A_630 = arith.subi %add3A_592, %sub3A_629 : i32
      %dma_wait3A_631 = arith.constant 0 : i32
      %dma_wait3A_632 = arith.constant 0 : i32
      %dma_wait3A_633 = arith.constant 0 : i32
      %dma_wait3A_634 = tpu.memref_slice %arg10[%dma_wait3A_631, %dma_wait3A_632, %dma_wait3A_633] : memref<3x80x128xf32, #tpu.memory_space<vmem>> -> memref<1x80x128xf32, #tpu.memory_space<vmem>>
      %dma_wait3A_635 = tpu.memref_squeeze %dma_wait3A_634 : memref<1x80x128xf32, #tpu.memory_space<vmem>> -> memref<80x128xf32, #tpu.memory_space<vmem>>
      %dma_wait3A_636 = arith.constant 0 : i32
      %dma_wait3A_637 = tpu.memref_slice %arg9[%sub3A_630, %dma_wait3A_636] : memref<25x80xi32, #tpu.memory_space<vmem>> -> memref<1x80xi32, #tpu.memory_space<vmem>>
      %dma_wait3A_638 = tpu.memref_squeeze %dma_wait3A_637 : memref<1x80xi32, #tpu.memory_space<vmem>> -> memref<80xi32, #tpu.memory_space<vmem>>
      %dma_wait3A_639 = arith.constant 0 : i32
      %dma_wait3A_640 = arith.constant 0 : i32
      %dma_wait3A_641 = tpu.memref_slice %arg12[%dma_wait3A_639, %dma_wait3A_640] : memref<10000x128xf32, #tpu.memory_space<vmem_shared>> -> memref<10000x128xf32, #tpu.memory_space<vmem_shared>>
      tpu.wait_indirect_dma semaphore(%arg17 : memref<!tpu.dma_semaphore, #tpu.memory_space<semaphore_mem>>) src(%dma_wait3A_635 : memref<80x128xf32, #tpu.memory_space<vmem>>) dst(%dma_wait3A_641 : memref<10000x128xf32, #tpu.memory_space<vmem_shared>>)
      %add3A_642 = arith.constant 2 : i32
      %add3A_643 = arith.addi %add3A_594, %add3A_642 : i32
      %lt3A_644 = arith.constant 125 : i32
      %lt3A_645 = arith.cmpi slt, %add3A_643, %lt3A_644 : i32
      %convert_element_type3A_646 = arith.extui %lt3A_645 : i1 to i32
      %cond3A_647 = arith.constant 0 : i32
      %cond3A_648 = arith.cmpi ne, %convert_element_type3A_646, %cond3A_647 : i32
      scf.if %cond3A_648 {
        %add3A_649 = arith.addi %mul3A_2, %add3A_594 : i32
        %add3A_650 = arith.constant 2 : i32
        %add3A_651 = arith.addi %add3A_649, %add3A_650 : i32
        %dma_start3A_652 = arith.constant 0 : i32
        %dma_start3A_653 = arith.constant 0 : i32
        %dma_start3A_654 = arith.constant 0 : i32
        %dma_start3A_655 = tpu.memref_slice %arg10[%dma_start3A_652, %dma_start3A_653, %dma_start3A_654] : memref<3x80x128xf32, #tpu.memory_space<vmem>> -> memref<1x80x128xf32, #tpu.memory_space<vmem>>
        %dma_start3A_656 = tpu.memref_squeeze %dma_start3A_655 : memref<1x80x128xf32, #tpu.memory_space<vmem>> -> memref<80x128xf32, #tpu.memory_space<vmem>>
        %dma_start3A_657 = arith.constant 0 : i32
        %dma_start3A_658 = arith.constant 0 : i32
        %dma_start3A_659 = tpu.memref_slice %arg2[%add3A_651, %dma_start3A_657, %dma_start3A_658] : memref<4000x80x128xf32, #tpu.memory_space<hbm>> -> memref<1x80x128xf32, #tpu.memory_space<hbm>>
        %dma_start3A_660 = tpu.memref_squeeze %dma_start3A_659 : memref<1x80x128xf32, #tpu.memory_space<hbm>> -> memref<80x128xf32, #tpu.memory_space<hbm>>
        %dma_start3A_661 = arith.constant 0 : i32
        %dma_start3A_662 = arith.constant 0 : i32
        %dma_start3A_663 = tpu.memref_slice %arg10[%dma_start3A_652, %dma_start3A_661, %dma_start3A_662] : memref<3x80x128xf32, #tpu.memory_space<vmem>> -> memref<1x80x128xf32, #tpu.memory_space<vmem>>
        %dma_start3A_664 = tpu.memref_squeeze %dma_start3A_663 : memref<1x80x128xf32, #tpu.memory_space<vmem>> -> memref<80x128xf32, #tpu.memory_space<vmem>>
        %dma_start3A_665 = arith.constant 0 : i32
        %dma_start3A_666 = arith.constant 0 : i32
        %dma_start3A_667 = tpu.memref_slice %arg2[%add3A_651, %dma_start3A_665, %dma_start3A_666] : memref<4000x80x128xf32, #tpu.memory_space<hbm>> -> memref<1x80x128xf32, #tpu.memory_space<hbm>>
        %dma_start3A_668 = tpu.memref_squeeze %dma_start3A_667 : memref<1x80x128xf32, #tpu.memory_space<hbm>> -> memref<80x128xf32, #tpu.memory_space<hbm>>
        tpu.enqueue_dma source(%dma_start3A_668 : memref<80x128xf32, #tpu.memory_space<hbm>>) target(%dma_start3A_664 : memref<80x128xf32, #tpu.memory_space<vmem>>) target_semaphore(%arg14 : memref<!tpu.dma_semaphore, #tpu.memory_space<semaphore_mem>>)
      } else {
      }
    }
    %scan3A_438 = arith.constant 8 : i32
    %dma_wait3A_439 = arith.constant 1 : i32
    %dma_wait3A_440 = arith.constant 24 : i32
    %dma_wait3A_441 = arith.constant 0 : i32
    %dma_wait3A_442 = arith.constant 0 : i32
    %dma_wait3A_443 = tpu.memref_slice %arg10[%dma_wait3A_439, %dma_wait3A_441, %dma_wait3A_442] : memref<3x80x128xf32, #tpu.memory_space<vmem>> -> memref<1x80x128xf32, #tpu.memory_space<vmem>>
    %dma_wait3A_444 = tpu.memref_squeeze %dma_wait3A_443 : memref<1x80x128xf32, #tpu.memory_space<vmem>> -> memref<80x128xf32, #tpu.memory_space<vmem>>
    %dma_wait3A_445 = arith.constant 0 : i32
    %dma_wait3A_446 = tpu.memref_slice %arg9[%dma_wait3A_440, %dma_wait3A_445] : memref<25x80xi32, #tpu.memory_space<vmem>> -> memref<1x80xi32, #tpu.memory_space<vmem>>
    %dma_wait3A_447 = tpu.memref_squeeze %dma_wait3A_446 : memref<1x80xi32, #tpu.memory_space<vmem>> -> memref<80xi32, #tpu.memory_space<vmem>>
    %dma_wait3A_448 = arith.constant 0 : i32
    %dma_wait3A_449 = arith.constant 0 : i32
    %dma_wait3A_450 = tpu.memref_slice %arg12[%dma_wait3A_448, %dma_wait3A_449] : memref<10000x128xf32, #tpu.memory_space<vmem_shared>> -> memref<10000x128xf32, #tpu.memory_space<vmem_shared>>
    tpu.wait_indirect_dma semaphore(%arg18 : memref<!tpu.dma_semaphore, #tpu.memory_space<semaphore_mem>>) src(%dma_wait3A_444 : memref<80x128xf32, #tpu.memory_space<vmem>>) dst(%dma_wait3A_450 : memref<10000x128xf32, #tpu.memory_space<vmem_shared>>)
    %scan3A_451 = arith.constant 0 : i32
    %scan3A_452 = arith.constant 0 : i32
    %scan3A_453 = arith.constant 25 : i32
    %scan3A_454 = arith.addi %scan3A_452, %scan3A_453 : i32
    %scan3A_455 = arith.constant 1 : i32
    scf.for %scan3A_468 = %scan3A_452 to %scan3A_454 step %scan3A_455  : i32 {
      %dma_wait3A_469 = arith.constant 0 : i32
      %dma_wait3A_470 = arith.constant 0 : i32
      %dma_wait3A_471 = tpu.memref_slice %arg9[%dma_wait3A_469, %dma_wait3A_470] : memref<25x80xi32, #tpu.memory_space<vmem>> -> memref<1x80xi32, #tpu.memory_space<vmem>>
      %dma_wait3A_472 = tpu.memref_squeeze %dma_wait3A_471 : memref<1x80xi32, #tpu.memory_space<vmem>> -> memref<80xi32, #tpu.memory_space<vmem>>
      %dma_wait3A_473 = arith.constant 0 : i32
      %dma_wait3A_474 = tpu.memref_slice %arg13[%dma_wait3A_473] : memref<10000xf32, #tpu.memory_space<vmem_shared>> -> memref<10000xf32, #tpu.memory_space<vmem_shared>>
      tpu.wait_indirect_dma semaphore(%arg20 : memref<!tpu.dma_semaphore, #tpu.memory_space<semaphore_mem>>) src(%arg11 : memref<80xf32, #tpu.memory_space<vmem>>) dst(%dma_wait3A_474 : memref<10000xf32, #tpu.memory_space<vmem_shared>>)
    }
    %scan3A_456 = arith.constant 25 : i32
    %barrier3A_457 = arith.constant 0 : index
    tpu.barrier barrier_id(%barrier3A_457)
    %eq3A_458 = arith.constant 0 : i32
    %eq3A_459 = arith.cmpi eq, %arg1, %eq3A_458 : i32
    %convert_element_type3A_460 = arith.extui %eq3A_459 : i1 to i32
    %cond3A_461 = arith.constant 0 : i32
    %cond3A_462 = arith.cmpi ne, %convert_element_type3A_460, %cond3A_461 : i32
    scf.if %cond3A_462 {
      "tpu.region"() ({
        %run_scoped3A_468 = tpu.sem_alloc : memref<!tpu.dma_semaphore, #tpu.memory_space<semaphore_mem>>
        %dma_start3A_469 = arith.constant 0 : i32
        %dma_start3A_470 = arith.constant 0 : i32
        %dma_start3A_471 = tpu.memref_slice %arg7[%arg0, %dma_start3A_469, %dma_start3A_470] : memref<2x10000x128xf32, #tpu.memory_space<hbm>> -> memref<1x10000x128xf32, #tpu.memory_space<hbm>>
        %dma_start3A_472 = tpu.memref_squeeze %dma_start3A_471 : memref<1x10000x128xf32, #tpu.memory_space<hbm>> -> memref<10000x128xf32, #tpu.memory_space<hbm>>
        tpu.enqueue_dma source(%arg12 : memref<10000x128xf32, #tpu.memory_space<vmem_shared>>) target(%dma_start3A_472 : memref<10000x128xf32, #tpu.memory_space<hbm>>) target_semaphore(%run_scoped3A_468 : memref<!tpu.dma_semaphore, #tpu.memory_space<semaphore_mem>>)
        %dma_wait3A_473 = arith.constant 0 : i32
        %dma_wait3A_474 = arith.constant 0 : i32
        %dma_wait3A_475 = tpu.memref_slice %arg7[%arg0, %dma_wait3A_473, %dma_wait3A_474] : memref<2x10000x128xf32, #tpu.memory_space<hbm>> -> memref<1x10000x128xf32, #tpu.memory_space<hbm>>
        %dma_wait3A_476 = tpu.memref_squeeze %dma_wait3A_475 : memref<1x10000x128xf32, #tpu.memory_space<hbm>> -> memref<10000x128xf32, #tpu.memory_space<hbm>>
        tpu.wait_dma2 semaphore(%run_scoped3A_468 : memref<!tpu.dma_semaphore, #tpu.memory_space<semaphore_mem>>) src(%arg12 : memref<10000x128xf32, #tpu.memory_space<vmem_shared>>) dst(%dma_wait3A_476 : memref<10000x128xf32, #tpu.memory_space<hbm>>)
        tpu.yield
      }) : () -> ()
    } else {
    }
    %eq3A_463 = arith.constant 1 : i32
    %eq3A_464 = arith.cmpi eq, %arg1, %eq3A_463 : i32
    %convert_element_type3A_465 = arith.extui %eq3A_464 : i1 to i32
    %cond3A_466 = arith.constant 0 : i32
    %cond3A_467 = arith.cmpi ne, %convert_element_type3A_465, %cond3A_466 : i32
    scf.if %cond3A_467 {
      "tpu.region"() ({
        %run_scoped3A_468 = tpu.sem_alloc : memref<!tpu.dma_semaphore, #tpu.memory_space<semaphore_mem>>
        %dma_start3A_469 = arith.constant 0 : i32
        %dma_start3A_470 = tpu.memref_slice %arg8[%arg0, %dma_start3A_469] : memref<2x10000xf32, #tpu.memory_space<hbm>> -> memref<1x10000xf32, #tpu.memory_space<hbm>>
        %dma_start3A_471 = tpu.memref_squeeze %dma_start3A_470 : memref<1x10000xf32, #tpu.memory_space<hbm>> -> memref<10000xf32, #tpu.memory_space<hbm>>
        tpu.enqueue_dma source(%arg13 : memref<10000xf32, #tpu.memory_space<vmem_shared>>) target(%dma_start3A_471 : memref<10000xf32, #tpu.memory_space<hbm>>) target_semaphore(%run_scoped3A_468 : memref<!tpu.dma_semaphore, #tpu.memory_space<semaphore_mem>>)
        %dma_wait3A_472 = arith.constant 0 : i32
        %dma_wait3A_473 = tpu.memref_slice %arg8[%arg0, %dma_wait3A_472] : memref<2x10000xf32, #tpu.memory_space<hbm>> -> memref<1x10000xf32, #tpu.memory_space<hbm>>
        %dma_wait3A_474 = tpu.memref_squeeze %dma_wait3A_473 : memref<1x10000xf32, #tpu.memory_space<hbm>> -> memref<10000xf32, #tpu.memory_space<hbm>>
        tpu.wait_dma2 semaphore(%run_scoped3A_468 : memref<!tpu.dma_semaphore, #tpu.memory_space<semaphore_mem>>) src(%arg13 : memref<10000xf32, #tpu.memory_space<vmem_shared>>) dst(%dma_wait3A_474 : memref<10000xf32, #tpu.memory_space<hbm>>)
        tpu.yield
      }) : () -> ()
    } else {
    }
    return
  }
}

module attributes {stable_mosaic.version = 14 : i64} {
  func.func @_combine_body(%arg0: i32, %arg1: memref<2x1000x128xf32, #tpu.memory_space<vmem>>, %arg2: memref<2x1000x1xf32, #tpu.memory_space<vmem>>, %arg3: memref<1000x128xf32, #tpu.memory_space<vmem>>) attributes {dimension_semantics = [#tpu.dimension_semantics<arbitrary>], iteration_bounds = array<i64: 10>, scalar_prefetch = 0 : i64, scratch_operands = 0 : i64, tpu.core_type = #tpu.core_type<tc>, window_params = [{transform_indices = @transform_0, window_bounds = array<i64: 2, 1000, 128>}, {transform_indices = @transform_1, window_bounds = array<i64: 2, 1000, 1>}, {transform_indices = @transform_2, window_bounds = array<i64: 1000, 128>}]} {
    %get3A = arith.constant 0 : index
    %get3A_0 = arith.constant 0 : index
    %get3A_1 = arith.constant 0 : index
    %get3A_2 = vector.load %arg1[%get3A, %get3A_0, %get3A_1] : memref<2x1000x128xf32, #tpu.memory_space<vmem>>, vector<1x1000x128xf32>
    %get3A_3 = vector.shape_cast %get3A_2 : vector<1x1000x128xf32> to vector<1000x128xf32>
    %get3A_4 = arith.constant 1 : index
    %get3A_5 = arith.constant 0 : index
    %get3A_6 = arith.constant 0 : index
    %get3A_7 = vector.load %arg1[%get3A_4, %get3A_5, %get3A_6] : memref<2x1000x128xf32, #tpu.memory_space<vmem>>, vector<1x1000x128xf32>
    %get3A_8 = vector.shape_cast %get3A_7 : vector<1x1000x128xf32> to vector<1000x128xf32>
    %add3A = arith.addf %get3A_3, %get3A_8 : vector<1000x128xf32>
    %get3A_9 = arith.constant 0 : index
    %get3A_10 = arith.constant 0 : index
    %get3A_11 = arith.constant 0 : index
    %get3A_12 = vector.load %arg2[%get3A_9, %get3A_10, %get3A_11] : memref<2x1000x1xf32, #tpu.memory_space<vmem>>, vector<1x1000x1xf32>
    %get3A_13 = vector.shape_cast %get3A_12 : vector<1x1000x1xf32> to vector<1000x1xf32>
    %get3A_14 = arith.constant 1 : index
    %get3A_15 = arith.constant 0 : index
    %get3A_16 = arith.constant 0 : index
    %get3A_17 = vector.load %arg2[%get3A_14, %get3A_15, %get3A_16] : memref<2x1000x1xf32, #tpu.memory_space<vmem>>, vector<1x1000x1xf32>
    %get3A_18 = vector.shape_cast %get3A_17 : vector<1x1000x1xf32> to vector<1000x1xf32>
    %add3A_19 = arith.addf %get3A_13, %get3A_18 : vector<1000x1xf32>
    %max3A = arith.constant 1.000000e+00 : f32
    %max3A_20 = vector.broadcast %max3A : f32 to vector<1000x1xf32>
    %max3A_21 = arith.maximumf %add3A_19, %max3A_20 : vector<1000x1xf32>
    %div3A = vector.broadcast %max3A_21 : vector<1000x1xf32> to vector<1000x128xf32>
    %div3A_22 = arith.divf %add3A, %div3A : vector<1000x128xf32>
    %swap3A = arith.constant 0 : index
    %swap3A_23 = arith.constant 0 : index
    %swap3A_24 = vector.load %arg3[%swap3A, %swap3A_23] : memref<1000x128xf32, #tpu.memory_space<vmem>>, vector<1000x128xf32>
    tpu.vector_store %arg3[%swap3A, %swap3A_23], %div3A_22 {strides = array<i32>} : memref<1000x128xf32, #tpu.memory_space<vmem>>, vector<1000x128xf32>,
    return
  }
  func.func @transform_0(%arg0: i32) -> (i32, i32, i32) {
    %c0_i32 = arith.constant 0 : i32
    %c0_i32_0 = arith.constant 0 : i32
    %c0_i32_1 = arith.constant 0 : i32
    return %c0_i32, %arg0, %c0_i32_0 : i32, i32, i32
  }
  func.func @transform_1(%arg0: i32) -> (i32, i32, i32) {
    %c0_i32 = arith.constant 0 : i32
    %c0_i32_0 = arith.constant 0 : i32
    %c0_i32_1 = arith.constant 0 : i32
    return %c0_i32, %arg0, %c0_i32_0 : i32, i32, i32
  }
  func.func @transform_2(%arg0: i32) -> (i32, i32) {
    %c0_i32 = arith.constant 0 : i32
    %c0_i32_0 = arith.constant 0 : i32
    return %arg0, %c0_i32 : i32, i32
  }
}

</mosaic_0001>

<sc_bundles>
// kernel: kernel.4.cloned.1.call-start
scs
__scs_entry_jumppad:
0x0: {  	(pc) =	sbr.rel $0x88, $3  }
0x1: {  	(tag) =	ssettag $0x0;
	lr =	simm.s32 $0x1  }
0x2: {  	[smem:$0x3F9F] =	sst lr;
	_ =	strace $0xD0000000  }
0x3: {  	_ = 	snop  }
0x4: {  	_ = 	snop  }
0x5: {  	_ = 	snop  }
0x6: {  	_ = 	snop  }
0x7: {  	_ = 	snop  }
__scs_overlays_trampoline_lowered:
0x8: {  	[smem:$0x3FAE] =	sst s0  }
0x9: {  	[smem:$0x3FAF] =	sst s1  }
0xa: {  	[smem:$0x3FB0] =	sst s2  }
0xb: {  	[smem:$0x3FB1] =	sst s3  }
0xc: {  	[smem:$0x3FB2] =	sst s4  }
0xd: {  	[smem:$0x3FB3] =	sst s5  }
0xe: {  	[smem:$0x3FB4] =	sst s6  }
0xf: {  	[smem:$0x3FB5] =	sst s7  }
0x10: {  	[smem:$0x3FB6] =	sst s8  }
0x11: {  	[smem:$0x3FB7] =	sst s9;
	s0 =	simm.s32 @!p0 $0x0  }
0x12: {  	s1 =	sld [smem:$0x3F9D];
	s0 =	simm.s32 @p0 $0x1  }
0x13: {  	[smem:$0x3FB8] =	sst s0;
	s0 =	simm.s32 @!p1 $0x0  }
0x14: {  	s2 =	sld [smem:$0x3F9C];
	s0 =	simm.s32 @p1 $0x1  }
0x15: {  	[smem:$0x3FB9] =	sst s0;
	s0 =	simm.s32 @!p2 $0x0  }
0x16: {  	s3 =	sld [smem:$0x3FDB];
	s0 =	simm.s32 @p2 $0x1  }
0x17: {  	s4 =	simm.s32 $0x1BF5;
	[smem:$0x3FBB] =	sst s0  }
0x18: {  	s0 =	sld [smem:$0x3F9E];
	_ =	swait.ge [sflag:s4], $0x0  }
0x19: {  	s7 =	sld [smem:$0x3F9F]  }
0x1a: {  	s8 =	sadd.s32 $0xFFFFE003, lr  }
0x1b: {  	s9 =	sadd.s32 $0xFFFFFEF7, lr;
	s5 =	simm.s32 $0xFFFFFFFF;
	p2 =	slt.u32 s8, $0xFFFFF086  }
0x1c: {  	p1 =	slt.u32 s9, $0xF7A;
	s5 =	simm.s32 @!p2 $0x0  }
0x1d: {  	s5 =	simm.s32 @p1 $0x1;
	p0 =	seq.s32 s7, s2  }
0x1e: {  	s7 =	smul.u32 @!p0 $0xF7A, s2;
	p2 =	seq.s32 @!p0 s5, $0x0  }
0x1f: {  	s9 =	smul.u32 $0xF7A, s1;
	s8 =	simm.s32 @!p0 $0x1BF5;
	p2 =	por !p2, p0  }
0x20: {  	[sflag:s8] =	ssyncset.s32 @!p0 $0xFFFFF086;
	s6 =	sadd.s32 @!p0 s3, s7;
	s7 =	simm.s32 @!p0 $0x108  }
0x21: {  	s3 =	sadd.s32 s3, s9;
	s6 =	sadd.s32 @!p0 $0x88, s6;
	s7 =	simm.s32 @p2 $0x1082  }
0x22: {  	[simem:s7], [sflag:s8] =	dma.local @!p0 [hbm:s6], $0xF7A  }
0x23: {  	s9 =	sor.u32 $0xD0000000, s2;
	s6 =	simm.s32 $0x108;
	_ =	swait.ge @!p0 [sflag:s8], $0x0  }
0x24: {  	s3 =	sadd.s32 $0x88, s3;
	s6 =	simm.s32 @!p1 $0x1082;
	[sflag:s4] =	ssyncset.s32 $0xFFFFF086  }
0x25: {  	[simem:s6], [sflag:s4] =	dma.local [hbm:s3], $0xF7A  }
0x26: {  	[smem:$0x3F9F] =	sst s1;
	(tag) =	ssettag s2;
	_ =	strace s9  }
0x27: {  	s1 =	sld [smem:$0x3FAF]  }
0x28: {  	s2 =	sld [smem:$0x3FB0]  }
0x29: {  	s4 =	sld [smem:$0x3FB2]  }
0x2a: {  	p0 =	seq.s32 s5, $0x0;
	s5 =	sld [smem:$0x3FB3]  }
0x2b: {  	s6 =	sld [smem:$0x3FB4]  }
0x2c: {  	s7 =	sld [smem:$0x3FB5]  }
0x2d: {  	s3 =	simm.s32 $0x108;
	s8 =	sld [smem:$0x3FB6]  }
0x2e: {  	s3 =	simm.s32 @!p0 $0x1082;
	s9 =	sld [smem:$0x3FB7]  }
0x2f: {  	lr =	sadd.s32 s0, s3;
	s0 =	sld [smem:$0x3FAE]  }
0x30: {  	s3 =	sld [smem:$0x3FB1]  }
0x31: {  	[smem:$0x3FBA] =	sst s10  }
0x32: {  	s10 =	sld [smem:$0x3FB8];
	_ =	sdelay $0x3  }
0x33: {  	p0 =	seq.s32 s10, $0x1;
	s10 =	sld [smem:$0x3FBA];
	_ =	sdelay $0x3  }
0x34: {  	[smem:$0x3FBA] =	sst s10  }
0x35: {  	s10 =	sld [smem:$0x3FB9];
	_ =	sdelay $0x3  }
0x36: {  	p1 =	seq.s32 s10, $0x1;
	s10 =	sld [smem:$0x3FBA];
	_ =	sdelay $0x3  }
0x37: {  	[smem:$0x3FBA] =	sst s10  }
0x38: {  	s10 =	sld [smem:$0x3FBB]  }
0x39: {  	_ = 	snop;
	(pc) =	sbr.ind lr, $3  }
0x3a: {  	_ = 	snop  }
0x3b: {  	_ = 	snop  }
0x3c: {  	p2 =	seq.s32 s10, $0x1;
	s10 =	sld [smem:$0x3FBA]  }
0x3d: {  	_ =	shalt  }
0x3e: {  	_ =	shalt  }
0x3f: {  	_ =	shalt  }
0x40: {  	_ =	shalt  }
0x41: {  	_ =	shalt  }
0x42: {  	_ =	shalt  }
0x43: {  	_ =	shalt  }
0x44: {  	_ =	shalt  }
0x45: {  	_ =	shalt  }
0x46: {  	_ =	shalt  }
0x47: {  	_ =	shalt  }
0x48: {  	_ =	shalt  }
0x49: {  	_ =	shalt  }
0x4a: {  	_ =	shalt  }
0x4b: {  	_ =	shalt  }
0x4c: {  	_ =	shalt  }
0x4d: {  	_ =	shalt  }
0x4e: {  	_ =	shalt  }
0x4f: {  	_ =	shalt  }
0x50: {  	_ =	shalt  }
0x51: {  	_ =	shalt  }
0x52: {  	_ =	shalt  }
0x53: {  	_ =	shalt  }
0x54: {  	_ =	shalt  }
0x55: {  	_ =	shalt  }
0x56: {  	_ =	shalt  }
0x57: {  	_ =	shalt  }
0x58: {  	_ =	shalt  }
0x59: {  	_ =	shalt  }
0x5a: {  	_ =	shalt  }
0x5b: {  	_ =	shalt  }
0x5c: {  	_ =	shalt  }
0x5d: {  	_ =	shalt  }
0x5e: {  	_ =	shalt  }
0x5f: {  	_ =	shalt  }
0x60: {  	_ =	shalt  }
0x61: {  	_ =	shalt  }
0x62: {  	_ =	shalt  }
0x63: {  	_ =	shalt  }
0x64: {  	_ =	shalt  }
0x65: {  	_ =	shalt  }
0x66: {  	_ =	shalt  }
0x67: {  	_ =	shalt  }
0x68: {  	_ =	shalt  }
0x69: {  	_ =	shalt  }
0x6a: {  	_ =	shalt  }
0x6b: {  	_ =	shalt  }
0x6c: {  	_ =	shalt  }
0x6d: {  	_ =	shalt  }
0x6e: {  	_ =	shalt  }
0x6f: {  	_ =	shalt  }
0x70: {  	_ =	shalt  }
0x71: {  	_ =	shalt  }
0x72: {  	_ =	shalt  }
0x73: {  	_ =	shalt  }
0x74: {  	_ =	shalt  }
0x75: {  	_ =	shalt  }
0x76: {  	_ =	shalt  }
0x77: {  	_ =	shalt  }
0x78: {  	_ =	shalt  }
0x79: {  	_ =	shalt  }
0x7a: {  	_ =	shalt  }
0x7b: {  	_ =	shalt  }
0x7c: {  	_ =	shalt  }
0x7d: {  	_ =	shalt  }
0x7e: {  	_ =	shalt  }
0x7f: {  	_ =	shalt  }
0x80: {  	_ =	shalt  }
0x81: {  	_ =	shalt  }
0x82: {  	_ =	shalt  }
0x83: {  	_ =	shalt  }
0x84: {  	_ =	shalt  }
0x85: {  	_ =	shalt  }
0x86: {  	_ =	shalt  }
0x87: {  	_ =	shalt  }
.Lfunc_end0:
.L_simem_size_0:
called_computation_lowered:
.L_overlay_start_0:
0x88: {  	s2 =	sld [smem:$0x3FD9]  }
0x89: {  	s3 =	sld [smem:$0x3FFE];
	_ =	sdelay $0x1  }
0x8a: {  	s1 =	srdreg.scid  }
0x8b: {  	s0 =	sand.u32 $0x1, s1  }
0x8c: {  	s17 =	sshll.u32 s0, $0xA;
	s2 =	sadd.s32 s3, s2  }
0x8d: {  	s2 =	sadd.s32 s2, s17  }
0x8e: {  	[smem:$0x3FC6] =	sst s2  }
0x8f: {  	_ = 	snop  }
0x90: {  	s2 =	sld [smem:$0x3FC9]  }
0x91: {  	s18 =	sld [smem:$0x3FD0];
	(tm) =	ssettm $0x1  }
0x92: {  	s4 =	sld [smem:$0x3FFB];
	_ =	sdelay $0x3  }
0x93: {  	_ =	strace s4  }
0x94: {  	s4 =	sld [smem:$0x3FFC];
	_ =	sdelay $0x3  }
0x95: {  	_ =	strace s4  }
0x96: {  	s4 =	sld [smem:$0x3FFD];
	_ =	sdelay $0x3  }
0x97: {  	_ =	strace s4  }
0x98: {  	_ =	strace $0x8FFFFFFF  }
0x99: {  	s19 =	sld [smem:$0x3FDB];
	_ =	sdelay $0x1  }
0x9a: {  	s5 =	simm.s32 $_scs_section_size  }
0x9b: {  	s6 =	simm.s32 $_size__tile_overlayer_lowered;
	s7 =	simm.s32 $_tile_overlayer_lowered  }
0x9c: {  	s22 =	simm.s32 $0x1BFF;
	s21 =	sshll.u32 s7, $0x1;
	s4 =	sadd.s32 s5, s19  }
0x9d: {  	s8 =	simm.s32 $0x0;
	s20 =	sshll.u32 s6, $0x1;
	s6 =	sadd.s32 s21, s4  }
0x9e: {  	[timem:s8], [sflag:s22] =	dma.local [hbm:s6], s20  }
0x9f: {  	_ =	swait.ge [sflag:s22], s20  }
0xa0: {  	s5 =	ssub.s32 $0x0, s20;
	[sflag:s22] =	ssyncset.done $0x0  }
0xa1: {  	[sflag:s22] =	ssyncadd.s32 s5;
	_ =	sdelay $0x1  }
0xa2: {  	s23 =	simm.s32 $0x1B8B  }
0xa3: {  	_ =	swait.ge [sflag:s23], $0x1  }
0xa4: {  	[sflag:s23] =	ssyncset.done $0x0  }
0xa5: {  	s25 =	simm.s32 $0x1B8E;
	s24 =	sld [smem:$0x3FFE];
	[sflag:s23] =	ssyncadd.s32 $0xFFFFFFFF  }
0xa6: {  	s26 =	simm.s32 $execute0_lowered;
	[smem:$0x3FD2] =	sst s25  }
0xa7: {  	s6 =	sshll.u32 s26, $0x1;
	_ =	strace $0x80000046;
	[dreg:$0x1] =	wrdreg $0xFFFFFFFF  }
0xa8: {  	s28 =	simm.s32 $_size_execute0_lowered;
	s4 =	sadd.s32 s4, s6;
	[dreg:$0x0] =	wrdreg $0x0  }
0xa9: {  	s6 =	sshll.u32 s28, $0x1;
	[dreg:$0x2] =	wrdreg s4  }
0xaa: {  	[dreg:$0x3] =	wrdreg s6  }
0xab: {  	[dreg:$0x4] =	wrdreg $0xC0  }
0xac: {  	_ =	task [dreg:s8], $0x5FFFF  }
0xad: {  	[dreg:$0x1] =	wrdreg $0xFFFFFFFF  }
0xae: {  	[dreg:$0x0] =	wrdreg $0x60  }
0xaf: {  	[dreg:$0x2] =	wrdreg s2  }
0xb0: {  	[dreg:$0x3] =	wrdreg s24  }
0xb1: {  	[dreg:$0x4] =	wrdreg s18  }
0xb2: {  	[dreg:$0x5] =	wrdreg $0x88800  }
0xb3: {  	[dreg:$0x6] =	wrdreg $0x1C1000  }
0xb4: {  	[dreg:$0x7] =	wrdreg $0x9  }
0xb5: {  	_ =	task.clear_ibuf [dreg:s8], $0x8FFFF;
	_ =	strace $0x90000046  }
0xb6: {  	s29 =	simm.s32 $0x9;
	_ =	strace $0x80000048  }
0xb7: {  	_ =	swait.ge [sflag:s29], $0x1  }
0xb8: {  	[sflag:s29] =	ssyncadd.s32 $0xFFFFFFFF  }
0xb9: {  	_ =	strace $0x90000048  }
0xba: {  	_ =	sfence  }
0xbb: {  	s30 =	sld [smem:$0x0];
	_ =	sdelay $0x2  }
0xbc: {  	s31 =	sshll.u32 s1, $0xD;
	s1 =	sshrl.u32 s1, $0x2  }
0xbd: {  	s3 =	sand.u32 $0x4000, s31;
	s1 =	sadd.s32 s1, s30  }
0xbe: {  	s0 =	sor.u32 s3, s0;
	s1 =	sshll.u32 s1, $0x11  }
0xbf: {  	s0 =	sor.u32 s1, s0  }
0xc0: {  	s0 =	sadd.s32 $0x8F2B, s0  }
0xc1: {  	[sflag:s0] =	ssyncadd.remote.s32 $0x1  }
0xc2: {  	_ =	sfence.sel $0xFFFF  }
0xc3: {  	[dreg:$0x0] =	wrdreg $0xFFFFFFFF;
	(pc) =	sbr.abs _section_cstart, $3  }
0xc4: {  	[dreg:$0x1] =	wrdreg $0xFFFFFFFF  }
0xc5: {  	_ =	task.clear_ibuf [dreg:s8], $0x2FFFF;
	_ =	strace $0x9FFFFFFF  }
0xc6: {  	(tm) =	ssettm $0x7FFFFFFF  }
0xc7: {  	_ =	shalt  }
tec
execute0_lowered:
.L_overlay_start_1:
0x0: {  	(tag) =	ssettag $0x1  }
0x1: {  	s0 =	rddreg [dreg:$0x0]  }
0x2: {  	s2 =	rddreg [dreg:$0x1]  }
0x3: {  	s1 =	srdreg.scid;
	s4 =	rddreg [dreg:$0x3]  }
0x4: {  	s13 =	stileid.u32;
	s5 =	rddreg [dreg:$0x4];
	s6 =	simm.s32 $0x0  }
0x5: {  	p2 =	por $0x0, $0x0;
	s29 =	simm.s32 $0x0;
	s1 =	sand.u32 $0x1, s1  }
0x6: {  	[smem:$0x7FF] =	sst s6;
	s10 =	sadd.s32 $0x14C00, s2;
	s15 =	sadd.s32 $0x14A00, s2  }
0x7: {  	s25 =	smul.u32 $0x138800, s13;
	p0 =	seq.s32 s13, $0x1;
	s3 =	sshll.u32 s1, $0x4  }
0x8: {  	_ =	strace $0x80000047;
	s9 =	smul.u32 $0x27100, s1;
	[dreg:$0x6] =	wrdreg s10  }
0x9: {  	s11 =	ssub.s32 $0x2, s1;
	s1 =	smul.u32 $0x1388000, s1;
	s7 =	sor.u32 s13, s3  }
0xa: {  	[dreg:$0x7] =	wrdreg s15;
	p1 =	sne.s32 @!p0 s13, $0x0;
	s8 =	smul.u32 $0x5000, s7  }
0xb: {  	s17 =	sshrl.u32 s11, $0x1;
	p3 =	por p1, p0;
	s16 =	smul.u32 $0x138800, s7  }
0xc: {  	p4 =	por !p1, p0;
	s9 =	sadd.s32 s9, s2;
	s7 =	smul.u32 $0x27100, s7  }
0xd: {  	p1 =	sne.s32 s13, $0x0;
	s31 =	sadd.s32 $0x15C00, s9;
	s10 =	sshrl.u32 s16, $0x3  }
0xe: {  	s7 =	sadd.s32 s0, s7;
	[dreg:$0x14] =	wrdreg s31;
	s18 =	sadd.s32 s0, s10  }
0xf: {  	s8 =	sshrl.u32 s8, $0x3;
	[dreg:$0x8] =	wrdreg s7;
	s10 =	sadd.s32 $0x500, s18  }
0x10: {  	s8 =	sadd.s32 s8, s2;
	s19 =	sadd.s32 $0xA00, s18;
	[dreg:$0x9] =	wrdreg s10  }
0x11: {  	s13 =	simm.s32 $0x1000;
	s20 =	sadd.s32 $0xA00, s8;
	[dreg:$0xa] =	wrdreg s19  }
0x12: {  	s1 =	sadd.s32 s25, s1;
	s21 =	sadd.s32 $0xC00, s8;
	[dreg:$0xb] =	wrdreg s20  }
0x13: {  	s9 =	sadd.s32 $0xA000, s1;
	s22 =	sadd.s32 $0x8700, s18;
	[dreg:$0xc] =	wrdreg s21  }
0x14: {  	s15 =	sadd.s32 $0x48800, s1;
	s23 =	sadd.s32 $0xE00, s8;
	[dreg:$0xd] =	wrdreg s22  }
0x15: {  	s25 =	sadd.s32 $0xC3000, s1;
	s24 =	sadd.s32 $0x10400, s18;
	[dreg:$0xe] =	wrdreg s23  }
0x16: {  	s16 =	sadd.s32 $0x46000, s1;
	s26 =	sadd.s32 $0x1000, s8;
	[dreg:$0xf] =	wrdreg s24  }
0x17: {  	s31 =	sadd.s32 $0x104000, s1;
	s28 =	sadd.s32 $0x18100, s18;
	[dreg:$0x10] =	wrdreg s26  }
0x18: {  	s2 =	sadd.s32 s3, s2;
	s8 =	sadd.s32 $0x1200, s8;
	[dreg:$0x11] =	wrdreg s28  }
0x19: {  	s3 =	ssub.s32 s11, s17;
	s30 =	sadd.s32 $0x1FE00, s18;
	[dreg:$0x12] =	wrdreg s8  }
0x1a: {  	s11 =	sadd.s32 $0x4B000, s1;
	s2 =	sadd.s32 $0x15200, s2;
	[dreg:$0x13] =	wrdreg s30  }
0x1b: {  	s17 =	sadd.s32 $0x89800, s1;
	s3 =	smax.u32 s3, $0x1;
	[dreg:$0x15] =	wrdreg s2  }
0x1c: {  	s7 =	sshrl.u32 s11, $0x3;
	[dreg:$0x16] =	wrdreg s3;
	s8 =	sadd.s32 $0x26C00, s18  }
0x1d: {  	s10 =	sadd.s32 $0xC800, s1;
	s2 =	sshrl.u32 s9, $0x3;
	s14 =	sadd.s32 s7, s0  }
0x1e: {  	s7 =	sshrl.u32 s17, $0x3;
	s20 =	sadd.s32 $0x87000, s1;
	s21 =	sadd.s32 $0x84800, s1  }
0x1f: {  	s22 =	sadd.s32 $0xC8000, s1;
	s24 =	sadd.s32 $0xC5800, s1;
	s26 =	sadd.s32 $0x106800, s1  }
0x20: {  	s28 =	sshrl.u32 s25, $0x3;
	s17 =	simm.s32 $0x8;
	s25 =	simm.s32 $0x7  }
0x21: {  	[dreg:$0x17] =	wrdreg s8;
	s3 =	sshrl.u32 s10, $0x3;
	s2 =	sadd.s32 s2, s0  }
0x22: {  	[dreg:$0x1a] =	wrdreg s14;
	s19 =	sadd.s32 s7, s0;
	s7 =	sshrl.u32 s22, $0x3  }
0x23: {  	s30 =	sshrl.u32 s26, $0x3;
	s8 =	sadd.s32 s28, s0;
	s10 =	sadd.s32 $0x7800, s1  }
0x24: {  	s1 =	sadd.s32 $0x101800, s1;
	s14 =	simm.s32 $0x3800;
	s22 =	simm.s32 $0x3  }
0x25: {  	[dreg:$0x18] =	wrdreg s2;
	s12 =	sadd.s32 s3, s0;
	s2 =	sshrl.u32 s15, $0x3  }
0x26: {  	s3 =	sshrl.u32 s16, $0x3;
	[dreg:$0x1d] =	wrdreg s19;
	s9 =	sadd.s32 s30, s0  }
0x27: {  	s1 =	sshrl.u32 s1, $0x3;
	s15 =	simm.s32 $0x6000;
	s16 =	simm.s32 $0x8800  }
0x28: {  	s19 =	simm.s32 $0x50;
	[dreg:$0x19] =	wrdreg s12;
	s2 =	sadd.s32 s2, s0  }
0x29: {  	s18 =	sadd.s32 s3, s0;
	s3 =	sshrl.u32 s21, $0x3;
	[dreg:$0x1b] =	wrdreg s2  }
0x2a: {  	s12 =	sadd.s32 s1, s0;
	s21 =	simm.s32 $0x4;
	[dreg:$0x1c] =	wrdreg s18  }
0x2b: {  	s2 =	sshrl.u32 s20, $0x3;
	s23 =	sadd.s32 s3, s0;
	s3 =	sshrl.u32 s24, $0x3  }
0x2c: {  	s18 =	simm.s32 $0x1;
	s20 =	simm.s32 $0x2;
	s24 =	simm.s32 $0x6  }
0x2d: {  	s2 =	sadd.s32 s2, s0;
	[dreg:$0x1f] =	wrdreg s23;
	s3 =	sadd.s32 s3, s0  }
0x2e: {  	s23 =	simm.s32 $0x5;
	[smem:$0x7FD] =	sst s3;
	s3 =	sshrl.u32 s31, $0x3  }
0x2f: {  	[dreg:$0x1e] =	wrdreg s2;
	s2 =	sadd.s32 s7, s0;
	s11 =	sadd.s32 s3, s0  }
.LBB2_1:
0x30: {  	s1 =	rddreg [dreg:$0x8]  }
0x31: {  	[tilespmem:s13], [sflag:$0x1] =	stream.linear.gather [hbm4b:s1+s6], $0x2800, $0x38;
	[tilespmem:$0x1C378] =	vst v63  }
0x32: {  	s26 =	rddreg [dreg:$0x9]  }
0x33: {  	[tilespmem:s14], [sflag:$0x2] =	stream.linear.gather [hbm4b:s26+s6], $0x2800, $0x38;
	[tilespmem:$0x1C378] =	vst v63  }
0x34: {  	s31 =	rddreg [dreg:$0xa]  }
0x35: {  	[tilespmem:s15], [sflag:$0x3] =	stream.linear.gather [hbm4b:s31+s6], $0x2800, $0x38;
	[tilespmem:$0x1C378] =	vst v63  }
0x36: {  	s3 =	rddreg [dreg:$0x7]  }
0x37: {  	[tilespmem:s16], [sflag:$0x8] =	stream.linear.gather [hbm4b:s3+s6], $0x80, $0x38;
	[tilespmem:$0x1C378] =	vst v63  }
0x38: {  	_ =	swait.ge [sflag:s17], $0x80  }
0x39: {  	[sflag:s17] =	ssyncset.done $0x0  }
0x3a: {  	s7 =	rddreg [dreg:$0xb];
	[sflag:s17] =	ssyncadd.s32 $0xFFFFFF80  }
0x3b: {  	[tilespmem:s6], [sflag:$0x8] =	stream.linear.gather [hbm4b:s7+s6], $0xC80, $0x38;
	[tilespmem:$0x1C378] =	vst v63  }
0x3c: {  	_ =	swait.ge [sflag:s17], $0xC80  }
0x3d: {  	s1 =	sshrl.u32 @p0 s5, $0x3;
	[sflag:s17] =	ssyncset.done $0x0  }
0x3e: {  	s3 =	simm.s32 @p0 $0x1C48;
	s7 =	rddreg [dreg:$0x6];
	[sflag:s17] =	ssyncadd.s32 $0xFFFFF380  }
0x3f: {  	[spmem:s1], [sflag:s3] =	dma.local @p0 [hbm:s7], $0x4F0  }
0x40: {  	s1 =	simm.s32 @p0 $0x8  }
0x41: {  	_ =	swait.ge @p0 [sflag:s1], $0x4F0  }
0x42: {  	[sflag:s1] =	ssyncset.done @p0 $0x0  }
0x43: {  	[sflag:s1] =	ssyncadd.s32 @p0 $0xFFFFFB10  }
0x44: {  	s3 =	simm.s32 @!p3 $0x1C08;
	s1 =	sshrl.u32 @!p3 s4, $0x3;
	s7 =	rddreg [dreg:$0x2]  }
0x45: {  	[spmem:s1], [sflag:s3] =	dma.local @!p3 [hbm:s7], $0x27100  }
0x46: {  	s1 =	simm.s32 @!p3 $0x8  }
0x47: {  	_ =	swait.ge @!p3 [sflag:s1], $0x27100  }
0x48: {  	[sflag:s1] =	ssyncset.done @!p3 $0x0  }
0x49: {  	[sflag:s1] =	ssyncadd.s32 @!p3 $0xFFFD8F00  }
0x4a: {  	[bflag:$0x0] =	sbarrier.arrive $0xFFFF  }
0x4b: {  	_ =	swait.ge [sflag:s18], $0x2800  }
0x4c: {  	[sflag:s18] =	ssyncset.done $0x0  }
0x4d: {  	[sflag:s18] =	ssyncadd.s32 $0xFFFFD800  }
0x4e: {  	[spmem:s4] =	stream.indirect.scatter.add.f32 [tilespmem:s13], [sflag:$0x4], $0x80, s6, s19, $0xb8;
	[tilespmem:$0x1C378] =	vst v63  }
0x4f: {  	_ = 	snop  }
0x50: {  	[spmem:s5] =	stream.indirect.scatter.add.f32 [tilespmem:s16], [sflag:$0x7], $0x1, s6, s19, $0xb8;
	[tilespmem:$0x1C378] =	vst v63  }
0x51: {  	_ =	swait.ge [sflag:s20], $0x2800  }
0x52: {  	[sflag:s20] =	ssyncset.done $0x0  }
0x53: {  	s26 =	simm.s32 $0x80;
	[sflag:s20] =	ssyncadd.s32 $0xFFFFD800  }
0x54: {  	[spmem:s4] =	stream.indirect.scatter.add.f32 [tilespmem:s14], [sflag:$0x5], $0x80, s26, s19, $0xb8;
	[tilespmem:$0x1C378] =	vst v63  }
0x55: {  	_ = 	snop  }
0x56: {  	[spmem:s5] =	stream.indirect.scatter.add.f32 [tilespmem:s16], [sflag:$0x7], $0x1, s26, s19, $0xb8;
	[tilespmem:$0x1C378] =	vst v63  }
0x57: {  	_ =	swait.ge [sflag:s21], $0x2800  }
0x58: {  	s31 =	sshrl.u32 s10, $0x3;
	[sflag:s21] =	ssyncset.done $0x0  }
0x59: {  	s1 =	sadd.s32 s0, s31;
	[sflag:s21] =	ssyncadd.s32 $0xFFFFD800  }
0x5a: {  	[tilespmem:s13], [sflag:$0x1] =	stream.linear.gather [hbm4b:s1+s6], $0x2800, $0x38;
	[tilespmem:$0x1C378] =	vst v63  }
0x5b: {  	_ =	swait.ge [sflag:s22], $0x2800  }
0x5c: {  	[sflag:s22] =	ssyncset.done $0x0  }
0x5d: {  	s3 =	simm.s32 $0x100;
	[sflag:s22] =	ssyncadd.s32 $0xFFFFD800  }
0x5e: {  	[spmem:s4] =	stream.indirect.scatter.add.f32 [tilespmem:s15], [sflag:$0x6], $0x80, s3, s19, $0xb8;
	[tilespmem:$0x1C378] =	vst v63  }
0x5f: {  	_ = 	snop  }
0x60: {  	[spmem:s5] =	stream.indirect.scatter.add.f32 [tilespmem:s16], [sflag:$0x7], $0x1, s3, s19, $0xb8;
	[tilespmem:$0x1C378] =	vst v63  }
0x61: {  	_ =	swait.ge [sflag:s23], $0x2800  }
0x62: {  	[sflag:s23] =	ssyncset.done $0x0  }
0x63: {  	s7 =	rddreg [dreg:$0x18];
	[sflag:s23] =	ssyncadd.s32 $0xFFFFD800  }
0x64: {  	[tilespmem:s14], [sflag:$0x2] =	stream.linear.gather [hbm4b:s7+s6], $0x2800, $0x38;
	[tilespmem:$0x1C378] =	vst v63  }
0x65: {  	_ =	swait.ge [sflag:s18], $0x2800  }
0x66: {  	[sflag:s18] =	ssyncset.done $0x0  }
0x67: {  	p6 =	por @!p3 $0x0, $0x0;
	s31 =	simm.s32 $0x180;
	[sflag:s18] =	ssyncadd.s32 $0xFFFFD800  }
0x68: {  	[spmem:s4] =	stream.indirect.scatter.add.f32 [tilespmem:s13], [sflag:$0x4], $0x80, s31, s19, $0xb8;
	[tilespmem:$0x1C378] =	vst v63  }
0x69: {  	p5 =	por @p0 $0x1, $0x1;
	p6 =	por @!p4 p2, p2  }
0x6a: {  	[spmem:s5] =	stream.indirect.scatter.add.f32 [tilespmem:s16], [sflag:$0x7], $0x1, s31, s19, $0xb8;
	[tilespmem:$0x1C378] =	vst v63  }
0x6b: {  	s30 =	simm.s32 $0x600;
	p5 =	por @!p0 p6, p6;
	_ =	swait.ge [sflag:s24], $0x2800  }
0x6c: {  	s26 =	sadd.s32 $0x7800, s10;
	[sflag:s24] =	ssyncset.done $0x0;
	s1 =	rddreg [dreg:$0x19]  }
0x6d: {  	s28 =	sadd.s32 $0xF00, s7;
	[sflag:s24] =	ssyncadd.s32 $0xFFFFD800;
	s3 =	sadd.s32 $0xF00, s1  }
.LBB2_2:
0x6e: {  	[tilespmem:s15], [sflag:$0x3] =	stream.linear.gather [hbm4b:s1+s6], $0x2800, $0x38;
	[tilespmem:$0x1C378] =	vst v63  }
0x6f: {  	s31 =	smov.u32 s30;
	s1 =	smov.u32 s3  }
0x70: {  	p6 =	sne.s32 s30, $0x2A00;
	s30 =	sadd.s32 $0x600, s30;
	_ =	swait.ge [sflag:s20], $0x2800  }
0x71: {  	s31 =	sshra.s32 s31, $0x2;
	[sflag:s20] =	ssyncset.done $0x0  }
0x72: {  	s7 =	sadd.s32 $0x80, s31;
	[sflag:s20] =	ssyncadd.s32 $0xFFFFD800  }
0x73: {  	[spmem:s4] =	stream.indirect.scatter.add.f32 [tilespmem:s14], [sflag:$0x5], $0x80, s7, s19, $0xb8;
	[tilespmem:$0x1C378] =	vst v63  }
0x74: {  	_ = 	snop  }
0x75: {  	[spmem:s5] =	stream.indirect.scatter.add.f32 [tilespmem:s16], [sflag:$0x7], $0x1, s7, s19, $0xb8;
	[tilespmem:$0x1C378] =	vst v63  }
0x76: {  	_ =	swait.ge [sflag:s21], $0x2800  }
0x77: {  	s7 =	sshrl.u32 s26, $0x3;
	[sflag:s21] =	ssyncset.done $0x0  }
0x78: {  	s7 =	sadd.s32 s0, s7;
	[sflag:s21] =	ssyncadd.s32 $0xFFFFD800  }
0x79: {  	[tilespmem:s13], [sflag:$0x1] =	stream.linear.gather [hbm4b:s7+s6], $0x2800, $0x38;
	[tilespmem:$0x1C378] =	vst v63  }
0x7a: {  	_ =	swait.ge [sflag:s22], $0x2800  }
0x7b: {  	[sflag:s22] =	ssyncset.done $0x0  }
0x7c: {  	s7 =	sadd.s32 $0x100, s31;
	[sflag:s22] =	ssyncadd.s32 $0xFFFFD800  }
0x7d: {  	[spmem:s4] =	stream.indirect.scatter.add.f32 [tilespmem:s15], [sflag:$0x6], $0x80, s7, s19, $0xb8;
	[tilespmem:$0x1C378] =	vst v63  }
0x7e: {  	_ = 	snop  }
0x7f: {  	[spmem:s5] =	stream.indirect.scatter.add.f32 [tilespmem:s16], [sflag:$0x7], $0x1, s7, s19, $0xb8;
	[tilespmem:$0x1C378] =	vst v63  }
0x80: {  	_ =	swait.ge [sflag:s23], $0x2800  }
0x81: {  	[sflag:s23] =	ssyncset.done $0x0  }
0x82: {  	[sflag:s23] =	ssyncadd.s32 $0xFFFFD800  }
0x83: {  	[tilespmem:s14], [sflag:$0x2] =	stream.linear.gather [hbm4b:s28+s6], $0x2800, $0x38;
	[tilespmem:$0x1C378] =	vst v63  }
0x84: {  	_ =	swait.ge [sflag:s18], $0x2800  }
0x85: {  	[sflag:s18] =	ssyncset.done $0x0  }
0x86: {  	s7 =	sadd.s32 $0x180, s31;
	[sflag:s18] =	ssyncadd.s32 $0xFFFFD800  }
0x87: {  	[spmem:s4] =	stream.indirect.scatter.add.f32 [tilespmem:s13], [sflag:$0x4], $0x80, s7, s19, $0xb8;
	[tilespmem:$0x1C378] =	vst v63  }
.Ltmp0:
0x88: {  	(pc) =	sbr.rel @p6 .LBB2_2-.Ltmp0, $4  }
0x89: {  	[spmem:s5] =	stream.indirect.scatter.add.f32 [tilespmem:s16], [sflag:$0x7], $0x1, s7, s19, $0xb8;
	[tilespmem:$0x1C378] =	vst v63  }
0x8a: {  	_ =	swait.ge [sflag:s24], $0x2800  }
0x8b: {  	s26 =	sadd.s32 $0x7800, s26;
	[sflag:s24] =	ssyncset.done $0x0  }
0x8c: {  	s3 =	sadd.s32 $0xF00, s3;
	s28 =	sadd.s32 $0xF00, s28;
	[sflag:s24] =	ssyncadd.s32 $0xFFFFD800  }
0x8d: {  	[tilespmem:s15], [sflag:$0x3] =	stream.linear.gather [hbm4b:s1+s6], $0x2800, $0x38;
	[tilespmem:$0x1C378] =	vst v63  }
0x8e: {  	_ =	swait.ge [sflag:s21], $0x2800  }
0x8f: {  	[sflag:s21] =	ssyncset.done $0x0  }
0x90: {  	[sflag:s21] =	ssyncadd.s32 $0xFFFFD800  }
0x91: {  	_ =	swait.ge [sflag:s25], $0x50  }
0x92: {  	[sflag:s25] =	ssyncset.done $0x0  }
0x93: {  	[sflag:s25] =	ssyncadd.s32 $0xFFFFFFB0  }
0x94: {  	_ =	swait.ge [sflag:s25], $0x50  }
0x95: {  	[sflag:s25] =	ssyncset.done $0x0  }
0x96: {  	[sflag:s25] =	ssyncadd.s32 $0xFFFFFFB0  }
0x97: {  	_ =	swait.ge [sflag:s25], $0x50  }
0x98: {  	[sflag:s25] =	ssyncset.done $0x0  }
0x99: {  	[sflag:s25] =	ssyncadd.s32 $0xFFFFFFB0  }
0x9a: {  	_ =	swait.ge [sflag:s25], $0x50  }
0x9b: {  	[sflag:s25] =	ssyncset.done $0x0  }
0x9c: {  	[sflag:s25] =	ssyncadd.s32 $0xFFFFFFB0  }
0x9d: {  	_ =	swait.ge [sflag:s25], $0x50  }
0x9e: {  	[sflag:s25] =	ssyncset.done $0x0  }
0x9f: {  	[sflag:s25] =	ssyncadd.s32 $0xFFFFFFB0  }
0xa0: {  	_ =	swait.ge [sflag:s25], $0x50  }
0xa1: {  	[sflag:s25] =	ssyncset.done $0x0  }
0xa2: {  	[sflag:s25] =	ssyncadd.s32 $0xFFFFFFB0  }
0xa3: {  	_ =	swait.ge [sflag:s25], $0x50  }
0xa4: {  	[sflag:s25] =	ssyncset.done $0x0  }
0xa5: {  	[sflag:s25] =	ssyncadd.s32 $0xFFFFFFB0  }
0xa6: {  	_ =	swait.ge [sflag:s25], $0x50  }
0xa7: {  	[sflag:s25] =	ssyncset.done $0x0  }
0xa8: {  	[sflag:s25] =	ssyncadd.s32 $0xFFFFFFB0  }
0xa9: {  	_ =	swait.ge [sflag:s25], $0x50  }
0xaa: {  	[sflag:s25] =	ssyncset.done $0x0  }
0xab: {  	[sflag:s25] =	ssyncadd.s32 $0xFFFFFFB0  }
0xac: {  	_ =	swait.ge [sflag:s25], $0x50  }
0xad: {  	[sflag:s25] =	ssyncset.done $0x0  }
0xae: {  	[sflag:s25] =	ssyncadd.s32 $0xFFFFFFB0  }
0xaf: {  	_ =	swait.ge [sflag:s25], $0x50  }
0xb0: {  	[sflag:s25] =	ssyncset.done $0x0  }
0xb1: {  	[sflag:s25] =	ssyncadd.s32 $0xFFFFFFB0  }
0xb2: {  	_ =	swait.ge [sflag:s25], $0x50  }
0xb3: {  	[sflag:s25] =	ssyncset.done $0x0  }
0xb4: {  	[sflag:s25] =	ssyncadd.s32 $0xFFFFFFB0  }
0xb5: {  	_ =	swait.ge [sflag:s25], $0x50  }
0xb6: {  	[sflag:s25] =	ssyncset.done $0x0  }
0xb7: {  	[sflag:s25] =	ssyncadd.s32 $0xFFFFFFB0  }
0xb8: {  	_ =	swait.ge [sflag:s25], $0x50  }
0xb9: {  	[sflag:s25] =	ssyncset.done $0x0  }
0xba: {  	[sflag:s25] =	ssyncadd.s32 $0xFFFFFFB0  }
0xbb: {  	_ =	swait.ge [sflag:s25], $0x50  }
0xbc: {  	[sflag:s25] =	ssyncset.done $0x0  }
0xbd: {  	[sflag:s25] =	ssyncadd.s32 $0xFFFFFFB0  }
0xbe: {  	_ =	swait.ge [sflag:s25], $0x50  }
0xbf: {  	[sflag:s25] =	ssyncset.done $0x0  }
0xc0: {  	[sflag:s25] =	ssyncadd.s32 $0xFFFFFFB0  }
0xc1: {  	_ =	swait.ge [sflag:s25], $0x50  }
0xc2: {  	[sflag:s25] =	ssyncset.done $0x0  }
0xc3: {  	[sflag:s25] =	ssyncadd.s32 $0xFFFFFFB0  }
0xc4: {  	_ =	swait.ge [sflag:s25], $0x50  }
0xc5: {  	[sflag:s25] =	ssyncset.done $0x0  }
0xc6: {  	[sflag:s25] =	ssyncadd.s32 $0xFFFFFFB0  }
0xc7: {  	_ =	swait.ge [sflag:s25], $0x50  }
0xc8: {  	[sflag:s25] =	ssyncset.done $0x0  }
0xc9: {  	[sflag:s25] =	ssyncadd.s32 $0xFFFFFFB0  }
0xca: {  	_ =	swait.ge [sflag:s25], $0x50  }
0xcb: {  	[sflag:s25] =	ssyncset.done $0x0  }
0xcc: {  	[sflag:s25] =	ssyncadd.s32 $0xFFFFFFB0  }
0xcd: {  	_ =	swait.ge [sflag:s25], $0x50  }
0xce: {  	[sflag:s25] =	ssyncset.done $0x0  }
0xcf: {  	[sflag:s25] =	ssyncadd.s32 $0xFFFFFFB0  }
0xd0: {  	_ =	swait.ge [sflag:s25], $0x50  }
0xd1: {  	[sflag:s25] =	ssyncset.done $0x0  }
0xd2: {  	[sflag:s25] =	ssyncadd.s32 $0xFFFFFFB0  }
0xd3: {  	_ =	swait.ge [sflag:s25], $0x50  }
0xd4: {  	[sflag:s25] =	ssyncset.done $0x0  }
0xd5: {  	[sflag:s25] =	ssyncadd.s32 $0xFFFFFFB0  }
0xd6: {  	_ =	swait.ge [sflag:s25], $0x50  }
0xd7: {  	[sflag:s25] =	ssyncset.done $0x0  }
0xd8: {  	[sflag:s25] =	ssyncadd.s32 $0xFFFFFFB0  }
0xd9: {  	_ =	swait.ge [sflag:s25], $0x50  }
0xda: {  	[sflag:s25] =	ssyncset.done $0x0  }
0xdb: {  	s26 =	simm.s32 $0x0;
	s3 =	rddreg [dreg:$0xc];
	[sflag:s25] =	ssyncadd.s32 $0xFFFFFFB0  }
0xdc: {  	[tilespmem:s26], [sflag:$0x8] =	stream.linear.gather [hbm4b:s3+s26], $0xC80, $0x38;
	[tilespmem:$0x1C378] =	vst v63  }
0xdd: {  	_ =	swait.ge [sflag:s17], $0xC80  }
0xde: {  	[sflag:s17] =	ssyncset.done $0x0  }
0xdf: {  	[sflag:s17] =	ssyncadd.s32 $0xFFFFF380  }
0xe0: {  	_ =	swait.ge [sflag:s20], $0x2800  }
0xe1: {  	[sflag:s20] =	ssyncset.done $0x0  }
0xe2: {  	[sflag:s20] =	ssyncadd.s32 $0xFFFFD800  }
0xe3: {  	[spmem:s4] =	stream.indirect.scatter.add.f32 [tilespmem:s14], [sflag:$0x5], $0x80, s26, s19, $0xb8;
	[tilespmem:$0x1C378] =	vst v63  }
0xe4: {  	_ = 	snop  }
0xe5: {  	[spmem:s5] =	stream.indirect.scatter.add.f32 [tilespmem:s16], [sflag:$0x7], $0x1, s26, s19, $0xb8;
	[tilespmem:$0x1C378] =	vst v63  }
0xe6: {  	s31 =	rddreg [dreg:$0xd]  }
0xe7: {  	[tilespmem:s13], [sflag:$0x1] =	stream.linear.gather [hbm4b:s31+s26], $0x2800, $0x38;
	[tilespmem:$0x1C378] =	vst v63  }
0xe8: {  	_ =	swait.ge [sflag:s22], $0x2800  }
0xe9: {  	[sflag:s22] =	ssyncset.done $0x0  }
0xea: {  	s7 =	simm.s32 $0x80;
	[sflag:s22] =	ssyncadd.s32 $0xFFFFD800  }
0xeb: {  	[spmem:s4] =	stream.indirect.scatter.add.f32 [tilespmem:s15], [sflag:$0x6], $0x80, s7, s19, $0xb8;
	[tilespmem:$0x1C378] =	vst v63  }
0xec: {  	_ = 	snop  }
0xed: {  	[spmem:s5] =	stream.indirect.scatter.add.f32 [tilespmem:s16], [sflag:$0x7], $0x1, s7, s19, $0xb8;
	[tilespmem:$0x1C378] =	vst v63  }
0xee: {  	_ =	swait.ge [sflag:s23], $0x2800  }
0xef: {  	[sflag:s23] =	ssyncset.done $0x0  }
0xf0: {  	s3 =	rddreg [dreg:$0x1c];
	[sflag:s23] =	ssyncadd.s32 $0xFFFFD800  }
0xf1: {  	[tilespmem:s14], [sflag:$0x2] =	stream.linear.gather [hbm4b:s3+s6], $0x2800, $0x38;
	[tilespmem:$0x1C378] =	vst v63  }
0xf2: {  	_ =	swait.ge [sflag:s18], $0x2800  }
0xf3: {  	[sflag:s18] =	ssyncset.done $0x0  }
0xf4: {  	s26 =	simm.s32 $0x100;
	[sflag:s18] =	ssyncadd.s32 $0xFFFFD800  }
0xf5: {  	[spmem:s4] =	stream.indirect.scatter.add.f32 [tilespmem:s13], [sflag:$0x4], $0x80, s26, s19, $0xb8;
	[tilespmem:$0x1C378] =	vst v63  }
0xf6: {  	_ = 	snop  }
0xf7: {  	[spmem:s5] =	stream.indirect.scatter.add.f32 [tilespmem:s16], [sflag:$0x7], $0x1, s26, s19, $0xb8;
	[tilespmem:$0x1C378] =	vst v63  }
0xf8: {  	_ =	swait.ge [sflag:s24], $0x2800  }
0xf9: {  	[sflag:s24] =	ssyncset.done $0x0  }
0xfa: {  	s7 =	rddreg [dreg:$0x1b];
	[sflag:s24] =	ssyncadd.s32 $0xFFFFD800  }
0xfb: {  	[tilespmem:s15], [sflag:$0x3] =	stream.linear.gather [hbm4b:s7+s6], $0x2800, $0x38;
	[tilespmem:$0x1C378] =	vst v63  }
0xfc: {  	_ =	swait.ge [sflag:s20], $0x2800  }
0xfd: {  	[sflag:s20] =	ssyncset.done $0x0  }
0xfe: {  	s31 =	simm.s32 $0x180;
	[sflag:s20] =	ssyncadd.s32 $0xFFFFD800  }
0xff: {  	[spmem:s4] =	stream.indirect.scatter.add.f32 [tilespmem:s14], [sflag:$0x5], $0x80, s31, s19, $0xb8;
	[tilespmem:$0x1C378] =	vst v63  }
0x100: {  	_ = 	snop  }
0x101: {  	[spmem:s5] =	stream.indirect.scatter.add.f32 [tilespmem:s16], [sflag:$0x7], $0x1, s31, s19, $0xb8;
	[tilespmem:$0x1C378] =	vst v63  }
0x102: {  	s28 =	sadd.s32 $0xF00, s3;
	_ =	swait.ge [sflag:s21], $0x2800  }
0x103: {  	s26 =	simm.s32 $0x600;
	[sflag:s21] =	ssyncset.done $0x0;
	s30 =	rddreg [dreg:$0x1a]  }
0x104: {  	s1 =	sadd.s32 $0xF00, s7;
	[sflag:s21] =	ssyncadd.s32 $0xFFFFD800;
	s3 =	sadd.s32 $0xF00, s30  }
.LBB2_4:
0x105: {  	[tilespmem:s13], [sflag:$0x1] =	stream.linear.gather [hbm4b:s30+s6], $0x2800, $0x38;
	[tilespmem:$0x1C378] =	vst v63  }
0x106: {  	s7 =	smov.u32 s26;
	s30 =	smov.u32 s3  }
0x107: {  	p6 =	sne.s32 s26, $0x2A00;
	s26 =	sadd.s32 $0x600, s26;
	_ =	swait.ge [sflag:s22], $0x2800  }
0x108: {  	s7 =	sshra.s32 s7, $0x2;
	[sflag:s22] =	ssyncset.done $0x0  }
0x109: {  	s31 =	sadd.s32 $0x80, s7;
	[sflag:s22] =	ssyncadd.s32 $0xFFFFD800  }
0x10a: {  	[spmem:s4] =	stream.indirect.scatter.add.f32 [tilespmem:s15], [sflag:$0x6], $0x80, s31, s19, $0xb8;
	[tilespmem:$0x1C378] =	vst v63  }
0x10b: {  	_ = 	snop  }
0x10c: {  	[spmem:s5] =	stream.indirect.scatter.add.f32 [tilespmem:s16], [sflag:$0x7], $0x1, s31, s19, $0xb8;
	[tilespmem:$0x1C378] =	vst v63  }
0x10d: {  	_ =	swait.ge [sflag:s23], $0x2800  }
0x10e: {  	[sflag:s23] =	ssyncset.done $0x0  }
0x10f: {  	[sflag:s23] =	ssyncadd.s32 $0xFFFFD800  }
0x110: {  	[tilespmem:s14], [sflag:$0x2] =	stream.linear.gather [hbm4b:s28+s6], $0x2800, $0x38;
	[tilespmem:$0x1C378] =	vst v63  }
0x111: {  	_ =	swait.ge [sflag:s18], $0x2800  }
0x112: {  	[sflag:s18] =	ssyncset.done $0x0  }
0x113: {  	s31 =	sadd.s32 $0x100, s7;
	[sflag:s18] =	ssyncadd.s32 $0xFFFFD800  }
0x114: {  	[spmem:s4] =	stream.indirect.scatter.add.f32 [tilespmem:s13], [sflag:$0x4], $0x80, s31, s19, $0xb8;
	[tilespmem:$0x1C378] =	vst v63  }
0x115: {  	_ = 	snop  }
0x116: {  	[spmem:s5] =	stream.indirect.scatter.add.f32 [tilespmem:s16], [sflag:$0x7], $0x1, s31, s19, $0xb8;
	[tilespmem:$0x1C378] =	vst v63  }
0x117: {  	_ =	swait.ge [sflag:s24], $0x2800  }
0x118: {  	[sflag:s24] =	ssyncset.done $0x0  }
0x119: {  	[sflag:s24] =	ssyncadd.s32 $0xFFFFD800  }
0x11a: {  	[tilespmem:s15], [sflag:$0x3] =	stream.linear.gather [hbm4b:s1+s6], $0x2800, $0x38;
	[tilespmem:$0x1C378] =	vst v63  }
0x11b: {  	_ =	swait.ge [sflag:s20], $0x2800  }
0x11c: {  	[sflag:s20] =	ssyncset.done $0x0  }
0x11d: {  	s7 =	sadd.s32 $0x180, s7;
	[sflag:s20] =	ssyncadd.s32 $0xFFFFD800  }
0x11e: {  	[spmem:s4] =	stream.indirect.scatter.add.f32 [tilespmem:s14], [sflag:$0x5], $0x80, s7, s19, $0xb8;
	[tilespmem:$0x1C378] =	vst v63  }
.Ltmp1:
0x11f: {  	(pc) =	sbr.rel @p6 .LBB2_4-.Ltmp1, $4  }
0x120: {  	[spmem:s5] =	stream.indirect.scatter.add.f32 [tilespmem:s16], [sflag:$0x7], $0x1, s7, s19, $0xb8;
	[tilespmem:$0x1C378] =	vst v63  }
0x121: {  	_ =	swait.ge [sflag:s21], $0x2800  }
0x122: {  	s28 =	sadd.s32 $0xF00, s28;
	[sflag:s21] =	ssyncset.done $0x0  }
0x123: {  	s3 =	sadd.s32 $0xF00, s3;
	s1 =	sadd.s32 $0xF00, s1;
	[sflag:s21] =	ssyncadd.s32 $0xFFFFD800  }
0x124: {  	[tilespmem:s13], [sflag:$0x1] =	stream.linear.gather [hbm4b:s30+s6], $0x2800, $0x38;
	[tilespmem:$0x1C378] =	vst v63  }
0x125: {  	_ =	swait.ge [sflag:s23], $0x2800  }
0x126: {  	[sflag:s23] =	ssyncset.done $0x0  }
0x127: {  	[sflag:s23] =	ssyncadd.s32 $0xFFFFD800  }
0x128: {  	_ =	swait.ge [sflag:s25], $0x50  }
0x129: {  	[sflag:s25] =	ssyncset.done $0x0  }
0x12a: {  	[sflag:s25] =	ssyncadd.s32 $0xFFFFFFB0  }
0x12b: {  	_ =	swait.ge [sflag:s25], $0x50  }
0x12c: {  	[sflag:s25] =	ssyncset.done $0x0  }
0x12d: {  	[sflag:s25] =	ssyncadd.s32 $0xFFFFFFB0  }
0x12e: {  	_ =	swait.ge [sflag:s25], $0x50  }
0x12f: {  	[sflag:s25] =	ssyncset.done $0x0  }
0x130: {  	[sflag:s25] =	ssyncadd.s32 $0xFFFFFFB0  }
0x131: {  	_ =	swait.ge [sflag:s25], $0x50  }
0x132: {  	[sflag:s25] =	ssyncset.done $0x0  }
0x133: {  	[sflag:s25] =	ssyncadd.s32 $0xFFFFFFB0  }
0x134: {  	_ =	swait.ge [sflag:s25], $0x50  }
0x135: {  	[sflag:s25] =	ssyncset.done $0x0  }
0x136: {  	[sflag:s25] =	ssyncadd.s32 $0xFFFFFFB0  }
0x137: {  	_ =	swait.ge [sflag:s25], $0x50  }
0x138: {  	[sflag:s25] =	ssyncset.done $0x0  }
0x139: {  	[sflag:s25] =	ssyncadd.s32 $0xFFFFFFB0  }
0x13a: {  	_ =	swait.ge [sflag:s25], $0x50  }
0x13b: {  	[sflag:s25] =	ssyncset.done $0x0  }
0x13c: {  	[sflag:s25] =	ssyncadd.s32 $0xFFFFFFB0  }
0x13d: {  	_ =	swait.ge [sflag:s25], $0x50  }
0x13e: {  	[sflag:s25] =	ssyncset.done $0x0  }
0x13f: {  	[sflag:s25] =	ssyncadd.s32 $0xFFFFFFB0  }
0x140: {  	_ =	swait.ge [sflag:s25], $0x50  }
0x141: {  	[sflag:s25] =	ssyncset.done $0x0  }
0x142: {  	[sflag:s25] =	ssyncadd.s32 $0xFFFFFFB0  }
0x143: {  	_ =	swait.ge [sflag:s25], $0x50  }
0x144: {  	[sflag:s25] =	ssyncset.done $0x0  }
0x145: {  	[sflag:s25] =	ssyncadd.s32 $0xFFFFFFB0  }
0x146: {  	_ =	swait.ge [sflag:s25], $0x50  }
0x147: {  	[sflag:s25] =	ssyncset.done $0x0  }
0x148: {  	[sflag:s25] =	ssyncadd.s32 $0xFFFFFFB0  }
0x149: {  	_ =	swait.ge [sflag:s25], $0x50  }
0x14a: {  	[sflag:s25] =	ssyncset.done $0x0  }
0x14b: {  	[sflag:s25] =	ssyncadd.s32 $0xFFFFFFB0  }
0x14c: {  	_ =	swait.ge [sflag:s25], $0x50  }
0x14d: {  	[sflag:s25] =	ssyncset.done $0x0  }
0x14e: {  	[sflag:s25] =	ssyncadd.s32 $0xFFFFFFB0  }
0x14f: {  	_ =	swait.ge [sflag:s25], $0x50  }
0x150: {  	[sflag:s25] =	ssyncset.done $0x0  }
0x151: {  	[sflag:s25] =	ssyncadd.s32 $0xFFFFFFB0  }
0x152: {  	_ =	swait.ge [sflag:s25], $0x50  }
0x153: {  	[sflag:s25] =	ssyncset.done $0x0  }
0x154: {  	[sflag:s25] =	ssyncadd.s32 $0xFFFFFFB0  }
0x155: {  	_ =	swait.ge [sflag:s25], $0x50  }
0x156: {  	[sflag:s25] =	ssyncset.done $0x0  }
0x157: {  	[sflag:s25] =	ssyncadd.s32 $0xFFFFFFB0  }
0x158: {  	_ =	swait.ge [sflag:s25], $0x50  }
0x159: {  	[sflag:s25] =	ssyncset.done $0x0  }
0x15a: {  	[sflag:s25] =	ssyncadd.s32 $0xFFFFFFB0  }
0x15b: {  	_ =	swait.ge [sflag:s25], $0x50  }
0x15c: {  	[sflag:s25] =	ssyncset.done $0x0  }
0x15d: {  	[sflag:s25] =	ssyncadd.s32 $0xFFFFFFB0  }
0x15e: {  	_ =	swait.ge [sflag:s25], $0x50  }
0x15f: {  	[sflag:s25] =	ssyncset.done $0x0  }
0x160: {  	[sflag:s25] =	ssyncadd.s32 $0xFFFFFFB0  }
0x161: {  	_ =	swait.ge [sflag:s25], $0x50  }
0x162: {  	[sflag:s25] =	ssyncset.done $0x0  }
0x163: {  	[sflag:s25] =	ssyncadd.s32 $0xFFFFFFB0  }
0x164: {  	_ =	swait.ge [sflag:s25], $0x50  }
0x165: {  	[sflag:s25] =	ssyncset.done $0x0  }
0x166: {  	[sflag:s25] =	ssyncadd.s32 $0xFFFFFFB0  }
0x167: {  	_ =	swait.ge [sflag:s25], $0x50  }
0x168: {  	[sflag:s25] =	ssyncset.done $0x0  }
0x169: {  	[sflag:s25] =	ssyncadd.s32 $0xFFFFFFB0  }
0x16a: {  	_ =	swait.ge [sflag:s25], $0x50  }
0x16b: {  	[sflag:s25] =	ssyncset.done $0x0  }
0x16c: {  	[sflag:s25] =	ssyncadd.s32 $0xFFFFFFB0  }
0x16d: {  	_ =	swait.ge [sflag:s25], $0x50  }
0x16e: {  	[sflag:s25] =	ssyncset.done $0x0  }
0x16f: {  	[sflag:s25] =	ssyncadd.s32 $0xFFFFFFB0  }
0x170: {  	_ =	swait.ge [sflag:s25], $0x50  }
0x171: {  	[sflag:s25] =	ssyncset.done $0x0  }
0x172: {  	s1 =	simm.s32 $0x0;
	s3 =	rddreg [dreg:$0xe];
	[sflag:s25] =	ssyncadd.s32 $0xFFFFFFB0  }
0x173: {  	[tilespmem:s1], [sflag:$0x8] =	stream.linear.gather [hbm4b:s3+s1], $0xC80, $0x38;
	[tilespmem:$0x1C378] =	vst v63  }
0x174: {  	_ =	swait.ge [sflag:s17], $0xC80  }
0x175: {  	[sflag:s17] =	ssyncset.done $0x0  }
0x176: {  	[sflag:s17] =	ssyncadd.s32 $0xFFFFF380  }
0x177: {  	_ =	swait.ge [sflag:s22], $0x2800  }
0x178: {  	[sflag:s22] =	ssyncset.done $0x0  }
0x179: {  	[sflag:s22] =	ssyncadd.s32 $0xFFFFD800  }
0x17a: {  	[spmem:s4] =	stream.indirect.scatter.add.f32 [tilespmem:s15], [sflag:$0x6], $0x80, s1, s19, $0xb8;
	[tilespmem:$0x1C378] =	vst v63  }
0x17b: {  	_ = 	snop  }
0x17c: {  	[spmem:s5] =	stream.indirect.scatter.add.f32 [tilespmem:s16], [sflag:$0x7], $0x1, s1, s19, $0xb8;
	[tilespmem:$0x1C378] =	vst v63  }
0x17d: {  	s31 =	rddreg [dreg:$0xf]  }
0x17e: {  	[tilespmem:s14], [sflag:$0x2] =	stream.linear.gather [hbm4b:s31+s1], $0x2800, $0x38;
	[tilespmem:$0x1C378] =	vst v63  }
0x17f: {  	_ =	swait.ge [sflag:s18], $0x2800  }
0x180: {  	[sflag:s18] =	ssyncset.done $0x0  }
0x181: {  	s7 =	simm.s32 $0x80;
	[sflag:s18] =	ssyncadd.s32 $0xFFFFD800  }
0x182: {  	[spmem:s4] =	stream.indirect.scatter.add.f32 [tilespmem:s13], [sflag:$0x4], $0x80, s7, s19, $0xb8;
	[tilespmem:$0x1C378] =	vst v63  }
0x183: {  	_ = 	snop  }
0x184: {  	[spmem:s5] =	stream.indirect.scatter.add.f32 [tilespmem:s16], [sflag:$0x7], $0x1, s7, s19, $0xb8;
	[tilespmem:$0x1C378] =	vst v63  }
0x185: {  	_ =	swait.ge [sflag:s24], $0x2800  }
0x186: {  	[sflag:s24] =	ssyncset.done $0x0  }
0x187: {  	s3 =	rddreg [dreg:$0x1f];
	[sflag:s24] =	ssyncadd.s32 $0xFFFFD800  }
0x188: {  	[tilespmem:s15], [sflag:$0x3] =	stream.linear.gather [hbm4b:s3+s6], $0x2800, $0x38;
	[tilespmem:$0x1C378] =	vst v63  }
0x189: {  	_ =	swait.ge [sflag:s20], $0x2800  }
0x18a: {  	[sflag:s20] =	ssyncset.done $0x0  }
0x18b: {  	s26 =	simm.s32 $0x100;
	[sflag:s20] =	ssyncadd.s32 $0xFFFFD800  }
0x18c: {  	[spmem:s4] =	stream.indirect.scatter.add.f32 [tilespmem:s14], [sflag:$0x5], $0x80, s26, s19, $0xb8;
	[tilespmem:$0x1C378] =	vst v63  }
0x18d: {  	_ = 	snop  }
0x18e: {  	[spmem:s5] =	stream.indirect.scatter.add.f32 [tilespmem:s16], [sflag:$0x7], $0x1, s26, s19, $0xb8;
	[tilespmem:$0x1C378] =	vst v63  }
0x18f: {  	_ =	swait.ge [sflag:s21], $0x2800  }
0x190: {  	[sflag:s21] =	ssyncset.done $0x0  }
0x191: {  	s7 =	rddreg [dreg:$0x1e];
	[sflag:s21] =	ssyncadd.s32 $0xFFFFD800  }
0x192: {  	[tilespmem:s13], [sflag:$0x1] =	stream.linear.gather [hbm4b:s7+s6], $0x2800, $0x38;
	[tilespmem:$0x1C378] =	vst v63  }
0x193: {  	_ =	swait.ge [sflag:s22], $0x2800  }
0x194: {  	[sflag:s22] =	ssyncset.done $0x0  }
0x195: {  	s31 =	simm.s32 $0x180;
	[sflag:s22] =	ssyncadd.s32 $0xFFFFD800  }
0x196: {  	[spmem:s4] =	stream.indirect.scatter.add.f32 [tilespmem:s15], [sflag:$0x6], $0x80, s31, s19, $0xb8;
	[tilespmem:$0x1C378] =	vst v63  }
0x197: {  	_ = 	snop  }
0x198: {  	[spmem:s5] =	stream.indirect.scatter.add.f32 [tilespmem:s16], [sflag:$0x7], $0x1, s31, s19, $0xb8;
	[tilespmem:$0x1C378] =	vst v63  }
0x199: {  	s28 =	sadd.s32 $0xF00, s3;
	_ =	swait.ge [sflag:s23], $0x2800  }
0x19a: {  	s26 =	simm.s32 $0x600;
	[sflag:s23] =	ssyncset.done $0x0;
	s30 =	rddreg [dreg:$0x1d]  }
0x19b: {  	s1 =	sadd.s32 $0xF00, s7;
	[sflag:s23] =	ssyncadd.s32 $0xFFFFD800;
	s3 =	sadd.s32 $0xF00, s30  }
.LBB2_6:
0x19c: {  	[tilespmem:s14], [sflag:$0x2] =	stream.linear.gather [hbm4b:s30+s6], $0x2800, $0x38;
	[tilespmem:$0x1C378] =	vst v63  }
0x19d: {  	s7 =	smov.u32 s26;
	s30 =	smov.u32 s3  }
0x19e: {  	p6 =	sne.s32 s26, $0x2A00;
	s26 =	sadd.s32 $0x600, s26;
	_ =	swait.ge [sflag:s18], $0x2800  }
0x19f: {  	s7 =	sshra.s32 s7, $0x2;
	[sflag:s18] =	ssyncset.done $0x0  }
0x1a0: {  	s31 =	sadd.s32 $0x80, s7;
	[sflag:s18] =	ssyncadd.s32 $0xFFFFD800  }
0x1a1: {  	[spmem:s4] =	stream.indirect.scatter.add.f32 [tilespmem:s13], [sflag:$0x4], $0x80, s31, s19, $0xb8;
	[tilespmem:$0x1C378] =	vst v63  }
0x1a2: {  	_ = 	snop  }
0x1a3: {  	[spmem:s5] =	stream.indirect.scatter.add.f32 [tilespmem:s16], [sflag:$0x7], $0x1, s31, s19, $0xb8;
	[tilespmem:$0x1C378] =	vst v63  }
0x1a4: {  	_ =	swait.ge [sflag:s24], $0x2800  }
0x1a5: {  	[sflag:s24] =	ssyncset.done $0x0  }
0x1a6: {  	[sflag:s24] =	ssyncadd.s32 $0xFFFFD800  }
0x1a7: {  	[tilespmem:s15], [sflag:$0x3] =	stream.linear.gather [hbm4b:s28+s6], $0x2800, $0x38;
	[tilespmem:$0x1C378] =	vst v63  }
0x1a8: {  	_ =	swait.ge [sflag:s20], $0x2800  }
0x1a9: {  	[sflag:s20] =	ssyncset.done $0x0  }
0x1aa: {  	s31 =	sadd.s32 $0x100, s7;
	[sflag:s20] =	ssyncadd.s32 $0xFFFFD800  }
0x1ab: {  	[spmem:s4] =	stream.indirect.scatter.add.f32 [tilespmem:s14], [sflag:$0x5], $0x80, s31, s19, $0xb8;
	[tilespmem:$0x1C378] =	vst v63  }
0x1ac: {  	_ = 	snop  }
0x1ad: {  	[spmem:s5] =	stream.indirect.scatter.add.f32 [tilespmem:s16], [sflag:$0x7], $0x1, s31, s19, $0xb8;
	[tilespmem:$0x1C378] =	vst v63  }
0x1ae: {  	_ =	swait.ge [sflag:s21], $0x2800  }
0x1af: {  	[sflag:s21] =	ssyncset.done $0x0  }
0x1b0: {  	[sflag:s21] =	ssyncadd.s32 $0xFFFFD800  }
0x1b1: {  	[tilespmem:s13], [sflag:$0x1] =	stream.linear.gather [hbm4b:s1+s6], $0x2800, $0x38;
	[tilespmem:$0x1C378] =	vst v63  }
0x1b2: {  	_ =	swait.ge [sflag:s22], $0x2800  }
0x1b3: {  	[sflag:s22] =	ssyncset.done $0x0  }
0x1b4: {  	s7 =	sadd.s32 $0x180, s7;
	[sflag:s22] =	ssyncadd.s32 $0xFFFFD800  }
0x1b5: {  	[spmem:s4] =	stream.indirect.scatter.add.f32 [tilespmem:s15], [sflag:$0x6], $0x80, s7, s19, $0xb8;
	[tilespmem:$0x1C378] =	vst v63  }
.Ltmp2:
0x1b6: {  	(pc) =	sbr.rel @p6 .LBB2_6-.Ltmp2, $4  }
0x1b7: {  	[spmem:s5] =	stream.indirect.scatter.add.f32 [tilespmem:s16], [sflag:$0x7], $0x1, s7, s19, $0xb8;
	[tilespmem:$0x1C378] =	vst v63  }
0x1b8: {  	_ =	swait.ge [sflag:s23], $0x2800  }
0x1b9: {  	s28 =	sadd.s32 $0xF00, s28;
	[sflag:s23] =	ssyncset.done $0x0  }
0x1ba: {  	s3 =	sadd.s32 $0xF00, s3;
	s1 =	sadd.s32 $0xF00, s1;
	[sflag:s23] =	ssyncadd.s32 $0xFFFFD800  }
0x1bb: {  	[tilespmem:s14], [sflag:$0x2] =	stream.linear.gather [hbm4b:s30+s6], $0x2800, $0x38;
	[tilespmem:$0x1C378] =	vst v63  }
0x1bc: {  	_ =	swait.ge [sflag:s24], $0x2800  }
0x1bd: {  	[sflag:s24] =	ssyncset.done $0x0  }
0x1be: {  	[sflag:s24] =	ssyncadd.s32 $0xFFFFD800  }
0x1bf: {  	_ =	swait.ge [sflag:s25], $0x50  }
0x1c0: {  	[sflag:s25] =	ssyncset.done $0x0  }
0x1c1: {  	[sflag:s25] =	ssyncadd.s32 $0xFFFFFFB0  }
0x1c2: {  	_ =	swait.ge [sflag:s25], $0x50  }
0x1c3: {  	[sflag:s25] =	ssyncset.done $0x0  }
0x1c4: {  	[sflag:s25] =	ssyncadd.s32 $0xFFFFFFB0  }
0x1c5: {  	_ =	swait.ge [sflag:s25], $0x50  }
0x1c6: {  	[sflag:s25] =	ssyncset.done $0x0  }
0x1c7: {  	[sflag:s25] =	ssyncadd.s32 $0xFFFFFFB0  }
0x1c8: {  	_ =	swait.ge [sflag:s25], $0x50  }
0x1c9: {  	[sflag:s25] =	ssyncset.done $0x0  }
0x1ca: {  	[sflag:s25] =	ssyncadd.s32 $0xFFFFFFB0  }
0x1cb: {  	_ =	swait.ge [sflag:s25], $0x50  }
0x1cc: {  	[sflag:s25] =	ssyncset.done $0x0  }
0x1cd: {  	[sflag:s25] =	ssyncadd.s32 $0xFFFFFFB0  }
0x1ce: {  	_ =	swait.ge [sflag:s25], $0x50  }
0x1cf: {  	[sflag:s25] =	ssyncset.done $0x0  }
0x1d0: {  	[sflag:s25] =	ssyncadd.s32 $0xFFFFFFB0  }
0x1d1: {  	_ =	swait.ge [sflag:s25], $0x50  }
0x1d2: {  	[sflag:s25] =	ssyncset.done $0x0  }
0x1d3: {  	[sflag:s25] =	ssyncadd.s32 $0xFFFFFFB0  }
0x1d4: {  	_ =	swait.ge [sflag:s25], $0x50  }
0x1d5: {  	[sflag:s25] =	ssyncset.done $0x0  }
0x1d6: {  	[sflag:s25] =	ssyncadd.s32 $0xFFFFFFB0  }
0x1d7: {  	_ =	swait.ge [sflag:s25], $0x50  }
0x1d8: {  	[sflag:s25] =	ssyncset.done $0x0  }
0x1d9: {  	[sflag:s25] =	ssyncadd.s32 $0xFFFFFFB0  }
0x1da: {  	_ =	swait.ge [sflag:s25], $0x50  }
0x1db: {  	[sflag:s25] =	ssyncset.done $0x0  }
0x1dc: {  	[sflag:s25] =	ssyncadd.s32 $0xFFFFFFB0  }
0x1dd: {  	_ =	swait.ge [sflag:s25], $0x50  }
0x1de: {  	[sflag:s25] =	ssyncset.done $0x0  }
0x1df: {  	[sflag:s25] =	ssyncadd.s32 $0xFFFFFFB0  }
0x1e0: {  	_ =	swait.ge [sflag:s25], $0x50  }
0x1e1: {  	[sflag:s25] =	ssyncset.done $0x0  }
0x1e2: {  	[sflag:s25] =	ssyncadd.s32 $0xFFFFFFB0  }
0x1e3: {  	_ =	swait.ge [sflag:s25], $0x50  }
0x1e4: {  	[sflag:s25] =	ssyncset.done $0x0  }
0x1e5: {  	[sflag:s25] =	ssyncadd.s32 $0xFFFFFFB0  }
0x1e6: {  	_ =	swait.ge [sflag:s25], $0x50  }
0x1e7: {  	[sflag:s25] =	ssyncset.done $0x0  }
0x1e8: {  	[sflag:s25] =	ssyncadd.s32 $0xFFFFFFB0  }
0x1e9: {  	_ =	swait.ge [sflag:s25], $0x50  }
0x1ea: {  	[sflag:s25] =	ssyncset.done $0x0  }
0x1eb: {  	[sflag:s25] =	ssyncadd.s32 $0xFFFFFFB0  }
0x1ec: {  	_ =	swait.ge [sflag:s25], $0x50  }
0x1ed: {  	[sflag:s25] =	ssyncset.done $0x0  }
0x1ee: {  	[sflag:s25] =	ssyncadd.s32 $0xFFFFFFB0  }
0x1ef: {  	_ =	swait.ge [sflag:s25], $0x50  }
0x1f0: {  	[sflag:s25] =	ssyncset.done $0x0  }
0x1f1: {  	[sflag:s25] =	ssyncadd.s32 $0xFFFFFFB0  }
0x1f2: {  	_ =	swait.ge [sflag:s25], $0x50  }
0x1f3: {  	[sflag:s25] =	ssyncset.done $0x0  }
0x1f4: {  	[sflag:s25] =	ssyncadd.s32 $0xFFFFFFB0  }
0x1f5: {  	_ =	swait.ge [sflag:s25], $0x50  }
0x1f6: {  	[sflag:s25] =	ssyncset.done $0x0  }
0x1f7: {  	[sflag:s25] =	ssyncadd.s32 $0xFFFFFFB0  }
0x1f8: {  	_ =	swait.ge [sflag:s25], $0x50  }
0x1f9: {  	[sflag:s25] =	ssyncset.done $0x0  }
0x1fa: {  	[sflag:s25] =	ssyncadd.s32 $0xFFFFFFB0  }
0x1fb: {  	_ =	swait.ge [sflag:s25], $0x50  }
0x1fc: {  	[sflag:s25] =	ssyncset.done $0x0  }
0x1fd: {  	[sflag:s25] =	ssyncadd.s32 $0xFFFFFFB0  }
0x1fe: {  	_ =	swait.ge [sflag:s25], $0x50  }
0x1ff: {  	[sflag:s25] =	ssyncset.done $0x0  }
0x200: {  	[sflag:s25] =	ssyncadd.s32 $0xFFFFFFB0  }
0x201: {  	_ =	swait.ge [sflag:s25], $0x50  }
0x202: {  	[sflag:s25] =	ssyncset.done $0x0  }
0x203: {  	[sflag:s25] =	ssyncadd.s32 $0xFFFFFFB0  }
0x204: {  	_ =	swait.ge [sflag:s25], $0x50  }
0x205: {  	[sflag:s25] =	ssyncset.done $0x0  }
0x206: {  	[sflag:s25] =	ssyncadd.s32 $0xFFFFFFB0  }
0x207: {  	_ =	swait.ge [sflag:s25], $0x50  }
0x208: {  	[sflag:s25] =	ssyncset.done $0x0  }
0x209: {  	s1 =	simm.s32 $0x0;
	s3 =	rddreg [dreg:$0x10];
	[sflag:s25] =	ssyncadd.s32 $0xFFFFFFB0  }
0x20a: {  	[tilespmem:s1], [sflag:$0x8] =	stream.linear.gather [hbm4b:s3+s1], $0xC80, $0x38;
	[tilespmem:$0x1C378] =	vst v63  }
0x20b: {  	_ =	swait.ge [sflag:s17], $0xC80  }
0x20c: {  	[sflag:s17] =	ssyncset.done $0x0  }
0x20d: {  	[sflag:s17] =	ssyncadd.s32 $0xFFFFF380  }
0x20e: {  	_ =	swait.ge [sflag:s18], $0x2800  }
0x20f: {  	[sflag:s18] =	ssyncset.done $0x0  }
0x210: {  	[sflag:s18] =	ssyncadd.s32 $0xFFFFD800  }
0x211: {  	[spmem:s4] =	stream.indirect.scatter.add.f32 [tilespmem:s13], [sflag:$0x4], $0x80, s1, s19, $0xb8;
	[tilespmem:$0x1C378] =	vst v63  }
0x212: {  	_ = 	snop  }
0x213: {  	[spmem:s5] =	stream.indirect.scatter.add.f32 [tilespmem:s16], [sflag:$0x7], $0x1, s1, s19, $0xb8;
	[tilespmem:$0x1C378] =	vst v63  }
0x214: {  	s31 =	rddreg [dreg:$0x11]  }
0x215: {  	[tilespmem:s15], [sflag:$0x3] =	stream.linear.gather [hbm4b:s31+s1], $0x2800, $0x38;
	[tilespmem:$0x1C378] =	vst v63  }
0x216: {  	_ =	swait.ge [sflag:s20], $0x2800  }
0x217: {  	[sflag:s20] =	ssyncset.done $0x0  }
0x218: {  	s7 =	simm.s32 $0x80;
	[sflag:s20] =	ssyncadd.s32 $0xFFFFD800  }
0x219: {  	[spmem:s4] =	stream.indirect.scatter.add.f32 [tilespmem:s14], [sflag:$0x5], $0x80, s7, s19, $0xb8;
	[tilespmem:$0x1C378] =	vst v63  }
0x21a: {  	_ = 	snop  }
0x21b: {  	[spmem:s5] =	stream.indirect.scatter.add.f32 [tilespmem:s16], [sflag:$0x7], $0x1, s7, s19, $0xb8;
	[tilespmem:$0x1C378] =	vst v63  }
0x21c: {  	_ =	swait.ge [sflag:s21], $0x2800  }
0x21d: {  	[sflag:s21] =	ssyncset.done $0x0  }
0x21e: {  	[sflag:s21] =	ssyncadd.s32 $0xFFFFD800  }
0x21f: {  	[tilespmem:s13], [sflag:$0x1] =	stream.linear.gather [hbm4b:s8+s6], $0x2800, $0x38;
	[tilespmem:$0x1C378] =	vst v63  }
0x220: {  	_ =	swait.ge [sflag:s22], $0x2800  }
0x221: {  	[sflag:s22] =	ssyncset.done $0x0  }
0x222: {  	s26 =	simm.s32 $0x100;
	[sflag:s22] =	ssyncadd.s32 $0xFFFFD800  }
0x223: {  	[spmem:s4] =	stream.indirect.scatter.add.f32 [tilespmem:s15], [sflag:$0x6], $0x80, s26, s19, $0xb8;
	[tilespmem:$0x1C378] =	vst v63  }
0x224: {  	_ = 	snop  }
0x225: {  	[spmem:s5] =	stream.indirect.scatter.add.f32 [tilespmem:s16], [sflag:$0x7], $0x1, s26, s19, $0xb8;
	[tilespmem:$0x1C378] =	vst v63  }
0x226: {  	_ =	swait.ge [sflag:s23], $0x2800  }
0x227: {  	s7 =	sld [smem:$0x7FD]  }
0x228: {  	[sflag:s23] =	ssyncset.done $0x0  }
0x229: {  	[sflag:s23] =	ssyncadd.s32 $0xFFFFD800  }
0x22a: {  	[tilespmem:s14], [sflag:$0x2] =	stream.linear.gather [hbm4b:s7+s6], $0x2800, $0x38;
	[tilespmem:$0x1C378] =	vst v63  }
0x22b: {  	_ =	swait.ge [sflag:s18], $0x2800  }
0x22c: {  	[sflag:s18] =	ssyncset.done $0x0  }
0x22d: {  	s31 =	simm.s32 $0x180;
	[sflag:s18] =	ssyncadd.s32 $0xFFFFD800  }
0x22e: {  	[spmem:s4] =	stream.indirect.scatter.add.f32 [tilespmem:s13], [sflag:$0x4], $0x80, s31, s19, $0xb8;
	[tilespmem:$0x1C378] =	vst v63  }
0x22f: {  	_ = 	snop  }
0x230: {  	[spmem:s5] =	stream.indirect.scatter.add.f32 [tilespmem:s16], [sflag:$0x7], $0x1, s31, s19, $0xb8;
	[tilespmem:$0x1C378] =	vst v63  }
0x231: {  	s28 =	sadd.s32 $0xF00, s8;
	_ =	swait.ge [sflag:s24], $0x2800  }
0x232: {  	s30 =	smov.u32 s2;
	s3 =	sadd.s32 $0xF00, s2;
	[sflag:s24] =	ssyncset.done $0x0  }
0x233: {  	s26 =	simm.s32 $0x600;
	s1 =	sadd.s32 $0xF00, s7;
	[sflag:s24] =	ssyncadd.s32 $0xFFFFD800  }
.LBB2_8:
0x234: {  	[tilespmem:s15], [sflag:$0x3] =	stream.linear.gather [hbm4b:s30+s6], $0x2800, $0x38;
	[tilespmem:$0x1C378] =	vst v63  }
0x235: {  	s7 =	smov.u32 s26;
	s30 =	smov.u32 s3  }
0x236: {  	p6 =	sne.s32 s26, $0x2A00;
	s26 =	sadd.s32 $0x600, s26;
	_ =	swait.ge [sflag:s20], $0x2800  }
0x237: {  	s7 =	sshra.s32 s7, $0x2;
	[sflag:s20] =	ssyncset.done $0x0  }
0x238: {  	s31 =	sadd.s32 $0x80, s7;
	[sflag:s20] =	ssyncadd.s32 $0xFFFFD800  }
0x239: {  	[spmem:s4] =	stream.indirect.scatter.add.f32 [tilespmem:s14], [sflag:$0x5], $0x80, s31, s19, $0xb8;
	[tilespmem:$0x1C378] =	vst v63  }
0x23a: {  	_ = 	snop  }
0x23b: {  	[spmem:s5] =	stream.indirect.scatter.add.f32 [tilespmem:s16], [sflag:$0x7], $0x1, s31, s19, $0xb8;
	[tilespmem:$0x1C378] =	vst v63  }
0x23c: {  	_ =	swait.ge [sflag:s21], $0x2800  }
0x23d: {  	[sflag:s21] =	ssyncset.done $0x0  }
0x23e: {  	[sflag:s21] =	ssyncadd.s32 $0xFFFFD800  }
0x23f: {  	[tilespmem:s13], [sflag:$0x1] =	stream.linear.gather [hbm4b:s28+s6], $0x2800, $0x38;
	[tilespmem:$0x1C378] =	vst v63  }
0x240: {  	_ =	swait.ge [sflag:s22], $0x2800  }
0x241: {  	[sflag:s22] =	ssyncset.done $0x0  }
0x242: {  	s31 =	sadd.s32 $0x100, s7;
	[sflag:s22] =	ssyncadd.s32 $0xFFFFD800  }
0x243: {  	[spmem:s4] =	stream.indirect.scatter.add.f32 [tilespmem:s15], [sflag:$0x6], $0x80, s31, s19, $0xb8;
	[tilespmem:$0x1C378] =	vst v63  }
0x244: {  	_ = 	snop  }
0x245: {  	[spmem:s5] =	stream.indirect.scatter.add.f32 [tilespmem:s16], [sflag:$0x7], $0x1, s31, s19, $0xb8;
	[tilespmem:$0x1C378] =	vst v63  }
0x246: {  	_ =	swait.ge [sflag:s23], $0x2800  }
0x247: {  	[sflag:s23] =	ssyncset.done $0x0  }
0x248: {  	[sflag:s23] =	ssyncadd.s32 $0xFFFFD800  }
0x249: {  	[tilespmem:s14], [sflag:$0x2] =	stream.linear.gather [hbm4b:s1+s6], $0x2800, $0x38;
	[tilespmem:$0x1C378] =	vst v63  }
0x24a: {  	_ =	swait.ge [sflag:s18], $0x2800  }
0x24b: {  	[sflag:s18] =	ssyncset.done $0x0  }
0x24c: {  	s7 =	sadd.s32 $0x180, s7;
	[sflag:s18] =	ssyncadd.s32 $0xFFFFD800  }
0x24d: {  	[spmem:s4] =	stream.indirect.scatter.add.f32 [tilespmem:s13], [sflag:$0x4], $0x80, s7, s19, $0xb8;
	[tilespmem:$0x1C378] =	vst v63  }
.Ltmp3:
0x24e: {  	(pc) =	sbr.rel @p6 .LBB2_8-.Ltmp3, $4  }
0x24f: {  	[spmem:s5] =	stream.indirect.scatter.add.f32 [tilespmem:s16], [sflag:$0x7], $0x1, s7, s19, $0xb8;
	[tilespmem:$0x1C378] =	vst v63  }
0x250: {  	_ =	swait.ge [sflag:s24], $0x2800  }
0x251: {  	s28 =	sadd.s32 $0xF00, s28;
	[sflag:s24] =	ssyncset.done $0x0  }
0x252: {  	s3 =	sadd.s32 $0xF00, s3;
	s1 =	sadd.s32 $0xF00, s1;
	[sflag:s24] =	ssyncadd.s32 $0xFFFFD800  }
0x253: {  	[tilespmem:s15], [sflag:$0x3] =	stream.linear.gather [hbm4b:s30+s6], $0x2800, $0x38;
	[tilespmem:$0x1C378] =	vst v63  }
0x254: {  	_ =	swait.ge [sflag:s21], $0x2800  }
0x255: {  	[sflag:s21] =	ssyncset.done $0x0  }
0x256: {  	[sflag:s21] =	ssyncadd.s32 $0xFFFFD800  }
0x257: {  	_ =	swait.ge [sflag:s25], $0x50  }
0x258: {  	[sflag:s25] =	ssyncset.done $0x0  }
0x259: {  	[sflag:s25] =	ssyncadd.s32 $0xFFFFFFB0  }
0x25a: {  	_ =	swait.ge [sflag:s25], $0x50  }
0x25b: {  	[sflag:s25] =	ssyncset.done $0x0  }
0x25c: {  	[sflag:s25] =	ssyncadd.s32 $0xFFFFFFB0  }
0x25d: {  	_ =	swait.ge [sflag:s25], $0x50  }
0x25e: {  	[sflag:s25] =	ssyncset.done $0x0  }
0x25f: {  	[sflag:s25] =	ssyncadd.s32 $0xFFFFFFB0  }
0x260: {  	_ =	swait.ge [sflag:s25], $0x50  }
0x261: {  	[sflag:s25] =	ssyncset.done $0x0  }
0x262: {  	[sflag:s25] =	ssyncadd.s32 $0xFFFFFFB0  }
0x263: {  	_ =	swait.ge [sflag:s25], $0x50  }
0x264: {  	[sflag:s25] =	ssyncset.done $0x0  }
0x265: {  	[sflag:s25] =	ssyncadd.s32 $0xFFFFFFB0  }
0x266: {  	_ =	swait.ge [sflag:s25], $0x50  }
0x267: {  	[sflag:s25] =	ssyncset.done $0x0  }
0x268: {  	[sflag:s25] =	ssyncadd.s32 $0xFFFFFFB0  }
0x269: {  	_ =	swait.ge [sflag:s25], $0x50  }
0x26a: {  	[sflag:s25] =	ssyncset.done $0x0  }
0x26b: {  	[sflag:s25] =	ssyncadd.s32 $0xFFFFFFB0  }
0x26c: {  	_ =	swait.ge [sflag:s25], $0x50  }
0x26d: {  	[sflag:s25] =	ssyncset.done $0x0  }
0x26e: {  	[sflag:s25] =	ssyncadd.s32 $0xFFFFFFB0  }
0x26f: {  	_ =	swait.ge [sflag:s25], $0x50  }
0x270: {  	[sflag:s25] =	ssyncset.done $0x0  }
0x271: {  	[sflag:s25] =	ssyncadd.s32 $0xFFFFFFB0  }
0x272: {  	_ =	swait.ge [sflag:s25], $0x50  }
0x273: {  	[sflag:s25] =	ssyncset.done $0x0  }
0x274: {  	[sflag:s25] =	ssyncadd.s32 $0xFFFFFFB0  }
0x275: {  	_ =	swait.ge [sflag:s25], $0x50  }
0x276: {  	[sflag:s25] =	ssyncset.done $0x0  }
0x277: {  	[sflag:s25] =	ssyncadd.s32 $0xFFFFFFB0  }
0x278: {  	_ =	swait.ge [sflag:s25], $0x50  }
0x279: {  	[sflag:s25] =	ssyncset.done $0x0  }
0x27a: {  	[sflag:s25] =	ssyncadd.s32 $0xFFFFFFB0  }
0x27b: {  	_ =	swait.ge [sflag:s25], $0x50  }
0x27c: {  	[sflag:s25] =	ssyncset.done $0x0  }
0x27d: {  	[sflag:s25] =	ssyncadd.s32 $0xFFFFFFB0  }
0x27e: {  	_ =	swait.ge [sflag:s25], $0x50  }
0x27f: {  	[sflag:s25] =	ssyncset.done $0x0  }
0x280: {  	[sflag:s25] =	ssyncadd.s32 $0xFFFFFFB0  }
0x281: {  	_ =	swait.ge [sflag:s25], $0x50  }
0x282: {  	[sflag:s25] =	ssyncset.done $0x0  }
0x283: {  	[sflag:s25] =	ssyncadd.s32 $0xFFFFFFB0  }
0x284: {  	_ =	swait.ge [sflag:s25], $0x50  }
0x285: {  	[sflag:s25] =	ssyncset.done $0x0  }
0x286: {  	[sflag:s25] =	ssyncadd.s32 $0xFFFFFFB0  }
0x287: {  	_ =	swait.ge [sflag:s25], $0x50  }
0x288: {  	[sflag:s25] =	ssyncset.done $0x0  }
0x289: {  	[sflag:s25] =	ssyncadd.s32 $0xFFFFFFB0  }
0x28a: {  	_ =	swait.ge [sflag:s25], $0x50  }
0x28b: {  	[sflag:s25] =	ssyncset.done $0x0  }
0x28c: {  	[sflag:s25] =	ssyncadd.s32 $0xFFFFFFB0  }
0x28d: {  	_ =	swait.ge [sflag:s25], $0x50  }
0x28e: {  	[sflag:s25] =	ssyncset.done $0x0  }
0x28f: {  	[sflag:s25] =	ssyncadd.s32 $0xFFFFFFB0  }
0x290: {  	_ =	swait.ge [sflag:s25], $0x50  }
0x291: {  	[sflag:s25] =	ssyncset.done $0x0  }
0x292: {  	[sflag:s25] =	ssyncadd.s32 $0xFFFFFFB0  }
0x293: {  	_ =	swait.ge [sflag:s25], $0x50  }
0x294: {  	[sflag:s25] =	ssyncset.done $0x0  }
0x295: {  	[sflag:s25] =	ssyncadd.s32 $0xFFFFFFB0  }
0x296: {  	_ =	swait.ge [sflag:s25], $0x50  }
0x297: {  	[sflag:s25] =	ssyncset.done $0x0  }
0x298: {  	[sflag:s25] =	ssyncadd.s32 $0xFFFFFFB0  }
0x299: {  	_ =	swait.ge [sflag:s25], $0x50  }
0x29a: {  	[sflag:s25] =	ssyncset.done $0x0  }
0x29b: {  	[sflag:s25] =	ssyncadd.s32 $0xFFFFFFB0  }
0x29c: {  	_ =	swait.ge [sflag:s25], $0x50  }
0x29d: {  	[sflag:s25] =	ssyncset.done $0x0  }
0x29e: {  	[sflag:s25] =	ssyncadd.s32 $0xFFFFFFB0  }
0x29f: {  	_ =	swait.ge [sflag:s25], $0x50  }
0x2a0: {  	[sflag:s25] =	ssyncset.done $0x0  }
0x2a1: {  	s1 =	simm.s32 $0x0;
	s3 =	rddreg [dreg:$0x12];
	[sflag:s25] =	ssyncadd.s32 $0xFFFFFFB0  }
0x2a2: {  	[tilespmem:s1], [sflag:$0x8] =	stream.linear.gather [hbm4b:s3+s1], $0xC80, $0x38;
	[tilespmem:$0x1C378] =	vst v63  }
0x2a3: {  	_ =	swait.ge [sflag:s17], $0xC80  }
0x2a4: {  	[sflag:s17] =	ssyncset.done $0x0  }
0x2a5: {  	[sflag:s17] =	ssyncadd.s32 $0xFFFFF380  }
0x2a6: {  	_ =	swait.ge [sflag:s20], $0x2800  }
0x2a7: {  	[sflag:s20] =	ssyncset.done $0x0  }
0x2a8: {  	[sflag:s20] =	ssyncadd.s32 $0xFFFFD800  }
0x2a9: {  	[spmem:s4] =	stream.indirect.scatter.add.f32 [tilespmem:s14], [sflag:$0x5], $0x80, s1, s19, $0xb8;
	[tilespmem:$0x1C378] =	vst v63  }
0x2aa: {  	_ = 	snop  }
0x2ab: {  	[spmem:s5] =	stream.indirect.scatter.add.f32 [tilespmem:s16], [sflag:$0x7], $0x1, s1, s19, $0xb8;
	[tilespmem:$0x1C378] =	vst v63  }
0x2ac: {  	s31 =	rddreg [dreg:$0x13]  }
0x2ad: {  	[tilespmem:s13], [sflag:$0x1] =	stream.linear.gather [hbm4b:s31+s1], $0x2800, $0x38;
	[tilespmem:$0x1C378] =	vst v63  }
0x2ae: {  	_ =	swait.ge [sflag:s22], $0x2800  }
0x2af: {  	[sflag:s22] =	ssyncset.done $0x0  }
0x2b0: {  	s7 =	simm.s32 $0x80;
	[sflag:s22] =	ssyncadd.s32 $0xFFFFD800  }
0x2b1: {  	[spmem:s4] =	stream.indirect.scatter.add.f32 [tilespmem:s15], [sflag:$0x6], $0x80, s7, s19, $0xb8;
	[tilespmem:$0x1C378] =	vst v63  }
0x2b2: {  	_ = 	snop  }
0x2b3: {  	[spmem:s5] =	stream.indirect.scatter.add.f32 [tilespmem:s16], [sflag:$0x7], $0x1, s7, s19, $0xb8;
	[tilespmem:$0x1C378] =	vst v63  }
0x2b4: {  	_ =	swait.ge [sflag:s23], $0x2800  }
0x2b5: {  	[sflag:s23] =	ssyncset.done $0x0  }
0x2b6: {  	[sflag:s23] =	ssyncadd.s32 $0xFFFFD800  }
0x2b7: {  	[tilespmem:s14], [sflag:$0x2] =	stream.linear.gather [hbm4b:s12+s6], $0x2800, $0x38;
	[tilespmem:$0x1C378] =	vst v63  }
0x2b8: {  	_ =	swait.ge [sflag:s18], $0x2800  }
0x2b9: {  	[sflag:s18] =	ssyncset.done $0x0  }
0x2ba: {  	s26 =	simm.s32 $0x100;
	[sflag:s18] =	ssyncadd.s32 $0xFFFFD800  }
0x2bb: {  	[spmem:s4] =	stream.indirect.scatter.add.f32 [tilespmem:s13], [sflag:$0x4], $0x80, s26, s19, $0xb8;
	[tilespmem:$0x1C378] =	vst v63  }
0x2bc: {  	_ = 	snop  }
0x2bd: {  	[spmem:s5] =	stream.indirect.scatter.add.f32 [tilespmem:s16], [sflag:$0x7], $0x1, s26, s19, $0xb8;
	[tilespmem:$0x1C378] =	vst v63  }
0x2be: {  	_ =	swait.ge [sflag:s24], $0x2800  }
0x2bf: {  	[sflag:s24] =	ssyncset.done $0x0  }
0x2c0: {  	[sflag:s24] =	ssyncadd.s32 $0xFFFFD800  }
0x2c1: {  	[tilespmem:s15], [sflag:$0x3] =	stream.linear.gather [hbm4b:s11+s6], $0x2800, $0x38;
	[tilespmem:$0x1C378] =	vst v63  }
0x2c2: {  	_ =	swait.ge [sflag:s20], $0x2800  }
0x2c3: {  	[sflag:s20] =	ssyncset.done $0x0  }
0x2c4: {  	s31 =	simm.s32 $0x180;
	[sflag:s20] =	ssyncadd.s32 $0xFFFFD800  }
0x2c5: {  	[spmem:s4] =	stream.indirect.scatter.add.f32 [tilespmem:s14], [sflag:$0x5], $0x80, s31, s19, $0xb8;
	[tilespmem:$0x1C378] =	vst v63  }
0x2c6: {  	_ = 	snop  }
0x2c7: {  	[spmem:s5] =	stream.indirect.scatter.add.f32 [tilespmem:s16], [sflag:$0x7], $0x1, s31, s19, $0xb8;
	[tilespmem:$0x1C378] =	vst v63  }
0x2c8: {  	s28 =	sadd.s32 $0xF00, s12;
	_ =	swait.ge [sflag:s21], $0x2800  }
0x2c9: {  	s30 =	smov.u32 s9;
	s3 =	sadd.s32 $0xF00, s9;
	[sflag:s21] =	ssyncset.done $0x0  }
0x2ca: {  	s1 =	sadd.s32 $0xF00, s11;
	s26 =	simm.s32 $0x600;
	[sflag:s21] =	ssyncadd.s32 $0xFFFFD800  }
.LBB2_10:
0x2cb: {  	[tilespmem:s13], [sflag:$0x1] =	stream.linear.gather [hbm4b:s30+s6], $0x2800, $0x38;
	[tilespmem:$0x1C378] =	vst v63  }
0x2cc: {  	s7 =	smov.u32 s26;
	s30 =	smov.u32 s3  }
0x2cd: {  	p6 =	sne.s32 s26, $0x2400;
	s26 =	sadd.s32 $0x600, s26;
	_ =	swait.ge [sflag:s22], $0x2800  }
0x2ce: {  	s7 =	sshra.s32 s7, $0x2;
	[sflag:s22] =	ssyncset.done $0x0  }
0x2cf: {  	s31 =	sadd.s32 $0x80, s7;
	[sflag:s22] =	ssyncadd.s32 $0xFFFFD800  }
0x2d0: {  	[spmem:s4] =	stream.indirect.scatter.add.f32 [tilespmem:s15], [sflag:$0x6], $0x80, s31, s19, $0xb8;
	[tilespmem:$0x1C378] =	vst v63  }
0x2d1: {  	_ = 	snop  }
0x2d2: {  	[spmem:s5] =	stream.indirect.scatter.add.f32 [tilespmem:s16], [sflag:$0x7], $0x1, s31, s19, $0xb8;
	[tilespmem:$0x1C378] =	vst v63  }
0x2d3: {  	_ =	swait.ge [sflag:s23], $0x2800  }
0x2d4: {  	[sflag:s23] =	ssyncset.done $0x0  }
0x2d5: {  	[sflag:s23] =	ssyncadd.s32 $0xFFFFD800  }
0x2d6: {  	[tilespmem:s14], [sflag:$0x2] =	stream.linear.gather [hbm4b:s28+s6], $0x2800, $0x38;
	[tilespmem:$0x1C378] =	vst v63  }
0x2d7: {  	_ =	swait.ge [sflag:s18], $0x2800  }
0x2d8: {  	[sflag:s18] =	ssyncset.done $0x0  }
0x2d9: {  	s31 =	sadd.s32 $0x100, s7;
	[sflag:s18] =	ssyncadd.s32 $0xFFFFD800  }
0x2da: {  	[spmem:s4] =	stream.indirect.scatter.add.f32 [tilespmem:s13], [sflag:$0x4], $0x80, s31, s19, $0xb8;
	[tilespmem:$0x1C378] =	vst v63  }
0x2db: {  	_ = 	snop  }
0x2dc: {  	[spmem:s5] =	stream.indirect.scatter.add.f32 [tilespmem:s16], [sflag:$0x7], $0x1, s31, s19, $0xb8;
	[tilespmem:$0x1C378] =	vst v63  }
0x2dd: {  	_ =	swait.ge [sflag:s24], $0x2800  }
0x2de: {  	[sflag:s24] =	ssyncset.done $0x0  }
0x2df: {  	[sflag:s24] =	ssyncadd.s32 $0xFFFFD800  }
0x2e0: {  	[tilespmem:s15], [sflag:$0x3] =	stream.linear.gather [hbm4b:s1+s6], $0x2800, $0x38;
	[tilespmem:$0x1C378] =	vst v63  }
0x2e1: {  	_ =	swait.ge [sflag:s20], $0x2800  }
0x2e2: {  	[sflag:s20] =	ssyncset.done $0x0  }
0x2e3: {  	s7 =	sadd.s32 $0x180, s7;
	[sflag:s20] =	ssyncadd.s32 $0xFFFFD800  }
0x2e4: {  	[spmem:s4] =	stream.indirect.scatter.add.f32 [tilespmem:s14], [sflag:$0x5], $0x80, s7, s19, $0xb8;
	[tilespmem:$0x1C378] =	vst v63  }
.Ltmp4:
0x2e5: {  	(pc) =	sbr.rel @p6 .LBB2_10-.Ltmp4, $4  }
0x2e6: {  	[spmem:s5] =	stream.indirect.scatter.add.f32 [tilespmem:s16], [sflag:$0x7], $0x1, s7, s19, $0xb8;
	[tilespmem:$0x1C378] =	vst v63  }
0x2e7: {  	_ =	swait.ge [sflag:s21], $0x2800  }
0x2e8: {  	s28 =	sadd.s32 $0xF00, s28;
	[sflag:s21] =	ssyncset.done $0x0  }
0x2e9: {  	s3 =	sadd.s32 $0xF00, s3;
	s1 =	sadd.s32 $0xF00, s1;
	[sflag:s21] =	ssyncadd.s32 $0xFFFFD800  }
0x2ea: {  	[tilespmem:s13], [sflag:$0x1] =	stream.linear.gather [hbm4b:s30+s6], $0x2800, $0x38;
	[tilespmem:$0x1C378] =	vst v63  }
0x2eb: {  	_ =	swait.ge [sflag:s22], $0x2800  }
0x2ec: {  	[sflag:s22] =	ssyncset.done $0x0  }
0x2ed: {  	s1 =	simm.s32 $0xB00;
	[sflag:s22] =	ssyncadd.s32 $0xFFFFD800  }
0x2ee: {  	[spmem:s4] =	stream.indirect.scatter.add.f32 [tilespmem:s15], [sflag:$0x6], $0x80, s1, s19, $0xb8;
	[tilespmem:$0x1C378] =	vst v63  }
0x2ef: {  	_ = 	snop  }
0x2f0: {  	[spmem:s5] =	stream.indirect.scatter.add.f32 [tilespmem:s16], [sflag:$0x7], $0x1, s1, s19, $0xb8;
	[tilespmem:$0x1C378] =	vst v63  }
0x2f1: {  	_ =	swait.ge [sflag:s23], $0x2800  }
0x2f2: {  	[sflag:s23] =	ssyncset.done $0x0  }
0x2f3: {  	s26 =	rddreg [dreg:$0x17];
	[sflag:s23] =	ssyncadd.s32 $0xFFFFD800  }
0x2f4: {  	[tilespmem:s14], [sflag:$0x2] =	stream.linear.gather [hbm4b:s26+s6], $0x2800, $0x38;
	[tilespmem:$0x1C378] =	vst v63  }
0x2f5: {  	_ =	swait.ge [sflag:s18], $0x2800  }
0x2f6: {  	[sflag:s18] =	ssyncset.done $0x0  }
0x2f7: {  	s28 =	simm.s32 $0xB80;
	[sflag:s18] =	ssyncadd.s32 $0xFFFFD800  }
0x2f8: {  	[spmem:s4] =	stream.indirect.scatter.add.f32 [tilespmem:s13], [sflag:$0x4], $0x80, s28, s19, $0xb8;
	[tilespmem:$0x1C378] =	vst v63  }
0x2f9: {  	_ = 	snop  }
0x2fa: {  	[spmem:s5] =	stream.indirect.scatter.add.f32 [tilespmem:s16], [sflag:$0x7], $0x1, s28, s19, $0xb8;
	[tilespmem:$0x1C378] =	vst v63  }
0x2fb: {  	_ =	swait.ge [sflag:s24], $0x2800  }
0x2fc: {  	[sflag:s24] =	ssyncset.done $0x0  }
0x2fd: {  	[sflag:s24] =	ssyncadd.s32 $0xFFFFD800  }
0x2fe: {  	_ =	swait.ge [sflag:s20], $0x2800  }
0x2ff: {  	[sflag:s20] =	ssyncset.done $0x0  }
0x300: {  	s30 =	simm.s32 $0xC00;
	[sflag:s20] =	ssyncadd.s32 $0xFFFFD800  }
0x301: {  	[spmem:s4] =	stream.indirect.scatter.add.f32 [tilespmem:s14], [sflag:$0x5], $0x80, s30, s19, $0xb8;
	[tilespmem:$0x1C378] =	vst v63  }
0x302: {  	_ = 	snop  }
0x303: {  	[spmem:s5] =	stream.indirect.scatter.add.f32 [tilespmem:s16], [sflag:$0x7], $0x1, s30, s19, $0xb8;
	[tilespmem:$0x1C378] =	vst v63  }
0x304: {  	_ =	swait.ge [sflag:s21], $0x2800  }
0x305: {  	[sflag:s21] =	ssyncset.done $0x0  }
0x306: {  	[sflag:s21] =	ssyncadd.s32 $0xFFFFD800  }
0x307: {  	_ =	swait.ge [sflag:s23], $0x2800  }
0x308: {  	[sflag:s23] =	ssyncset.done $0x0  }
0x309: {  	[sflag:s23] =	ssyncadd.s32 $0xFFFFD800  }
0x30a: {  	_ =	swait.ge [sflag:s25], $0x50  }
0x30b: {  	[sflag:s25] =	ssyncset.done $0x0  }
0x30c: {  	[sflag:s25] =	ssyncadd.s32 $0xFFFFFFB0  }
0x30d: {  	_ =	swait.ge [sflag:s25], $0x50  }
0x30e: {  	[sflag:s25] =	ssyncset.done $0x0  }
0x30f: {  	[sflag:s25] =	ssyncadd.s32 $0xFFFFFFB0  }
0x310: {  	_ =	swait.ge [sflag:s25], $0x50  }
0x311: {  	[sflag:s25] =	ssyncset.done $0x0  }
0x312: {  	[sflag:s25] =	ssyncadd.s32 $0xFFFFFFB0  }
0x313: {  	_ =	swait.ge [sflag:s25], $0x50  }
0x314: {  	[sflag:s25] =	ssyncset.done $0x0  }
0x315: {  	[sflag:s25] =	ssyncadd.s32 $0xFFFFFFB0  }
0x316: {  	_ =	swait.ge [sflag:s25], $0x50  }
0x317: {  	[sflag:s25] =	ssyncset.done $0x0  }
0x318: {  	[sflag:s25] =	ssyncadd.s32 $0xFFFFFFB0  }
0x319: {  	_ =	swait.ge [sflag:s25], $0x50  }
0x31a: {  	[sflag:s25] =	ssyncset.done $0x0  }
0x31b: {  	[sflag:s25] =	ssyncadd.s32 $0xFFFFFFB0  }
0x31c: {  	_ =	swait.ge [sflag:s25], $0x50  }
0x31d: {  	[sflag:s25] =	ssyncset.done $0x0  }
0x31e: {  	[sflag:s25] =	ssyncadd.s32 $0xFFFFFFB0  }
0x31f: {  	_ =	swait.ge [sflag:s25], $0x50  }
0x320: {  	[sflag:s25] =	ssyncset.done $0x0  }
0x321: {  	[sflag:s25] =	ssyncadd.s32 $0xFFFFFFB0  }
0x322: {  	_ =	swait.ge [sflag:s25], $0x50  }
0x323: {  	[sflag:s25] =	ssyncset.done $0x0  }
0x324: {  	[sflag:s25] =	ssyncadd.s32 $0xFFFFFFB0  }
0x325: {  	_ =	swait.ge [sflag:s25], $0x50  }
0x326: {  	[sflag:s25] =	ssyncset.done $0x0  }
0x327: {  	[sflag:s25] =	ssyncadd.s32 $0xFFFFFFB0  }
0x328: {  	_ =	swait.ge [sflag:s25], $0x50  }
0x329: {  	[sflag:s25] =	ssyncset.done $0x0  }
0x32a: {  	[sflag:s25] =	ssyncadd.s32 $0xFFFFFFB0  }
0x32b: {  	_ =	swait.ge [sflag:s25], $0x50  }
0x32c: {  	[sflag:s25] =	ssyncset.done $0x0  }
0x32d: {  	[sflag:s25] =	ssyncadd.s32 $0xFFFFFFB0  }
0x32e: {  	_ =	swait.ge [sflag:s25], $0x50  }
0x32f: {  	[sflag:s25] =	ssyncset.done $0x0  }
0x330: {  	[sflag:s25] =	ssyncadd.s32 $0xFFFFFFB0  }
0x331: {  	_ =	swait.ge [sflag:s25], $0x50  }
0x332: {  	[sflag:s25] =	ssyncset.done $0x0  }
0x333: {  	[sflag:s25] =	ssyncadd.s32 $0xFFFFFFB0  }
0x334: {  	_ =	swait.ge [sflag:s25], $0x50  }
0x335: {  	[sflag:s25] =	ssyncset.done $0x0  }
0x336: {  	[sflag:s25] =	ssyncadd.s32 $0xFFFFFFB0  }
0x337: {  	_ =	swait.ge [sflag:s25], $0x50  }
0x338: {  	[sflag:s25] =	ssyncset.done $0x0  }
0x339: {  	[sflag:s25] =	ssyncadd.s32 $0xFFFFFFB0  }
0x33a: {  	_ =	swait.ge [sflag:s25], $0x50  }
0x33b: {  	[sflag:s25] =	ssyncset.done $0x0  }
0x33c: {  	[sflag:s25] =	ssyncadd.s32 $0xFFFFFFB0  }
0x33d: {  	_ =	swait.ge [sflag:s25], $0x50  }
0x33e: {  	[sflag:s25] =	ssyncset.done $0x0  }
0x33f: {  	[sflag:s25] =	ssyncadd.s32 $0xFFFFFFB0  }
0x340: {  	_ =	swait.ge [sflag:s25], $0x50  }
0x341: {  	[sflag:s25] =	ssyncset.done $0x0  }
0x342: {  	[sflag:s25] =	ssyncadd.s32 $0xFFFFFFB0  }
0x343: {  	_ =	swait.ge [sflag:s25], $0x50  }
0x344: {  	[sflag:s25] =	ssyncset.done $0x0  }
0x345: {  	[sflag:s25] =	ssyncadd.s32 $0xFFFFFFB0  }
0x346: {  	_ =	swait.ge [sflag:s25], $0x50  }
0x347: {  	[sflag:s25] =	ssyncset.done $0x0  }
0x348: {  	[sflag:s25] =	ssyncadd.s32 $0xFFFFFFB0  }
0x349: {  	_ =	swait.ge [sflag:s25], $0x50  }
0x34a: {  	[sflag:s25] =	ssyncset.done $0x0  }
0x34b: {  	[sflag:s25] =	ssyncadd.s32 $0xFFFFFFB0  }
0x34c: {  	_ =	swait.ge [sflag:s25], $0x50  }
0x34d: {  	[sflag:s25] =	ssyncset.done $0x0  }
0x34e: {  	[sflag:s25] =	ssyncadd.s32 $0xFFFFFFB0  }
0x34f: {  	_ =	swait.ge [sflag:s25], $0x50  }
0x350: {  	[sflag:s25] =	ssyncset.done $0x0  }
0x351: {  	[sflag:s25] =	ssyncadd.s32 $0xFFFFFFB0  }
0x352: {  	_ =	swait.ge [sflag:s25], $0x50  }
0x353: {  	[sflag:s25] =	ssyncset.done $0x0  }
0x354: {  	[sflag:s25] =	ssyncadd.s32 $0xFFFFFFB0  }
0x355: {  	[bflag:$0x0] =	sbarrier.arrive $0xFFFF  }
0x356: {  	s3 =	simm.s32 @!p1 $0x1C08;
	s1 =	sshrl.u32 @!p1 s4, $0x3;
	s7 =	rddreg [dreg:$0x14]  }
0x357: {  	[hbm:s7], [sflag:s3] =	dma.local @!p1 [spmem:s1], $0x27100  }
0x358: {  	s26 =	simm.s32 @p5 $0x20;
	s28 =	simm.s32 @p5 $0x10;
	s1 =	simm.s32 @!p1 $0x8  }
0x359: {  	s3 =	stileid.u32;
	s7 =	simm.s32 @p5 $0x1;
	_ =	swait.ge @!p1 [sflag:s1], $0x27100  }
0x35a: {  	s3 =	sshll.u32 @p5 s3, $0x6;
	[sflag:s1] =	ssyncset.done @!p1 $0x0;
	s30 =	rddreg [dreg:$0x15]  }
0x35b: {  	[sflag:s1] =	ssyncadd.s32 @!p1 $0xFFFD8F00;
	s1 =	sor.u32 @p5 $0x1C08, s3;
	s3 =	sshrl.u32 @p5 s5, $0x3  }
0x35c: {  	[hbm:s30@s26], [sflag:s1] =	dma.strided @p5 [spmem:s3@s28], $0x4F0, s7, $0x10   }
0x35d: {  	s1 =	simm.s32 @p5 $0x8  }
0x35e: {  	_ =	swait.ge @p5 [sflag:s1], $0x4F0  }
0x35f: {  	s29 =	sadd.s32 $0x1, s29;
	s31 =	rddreg [dreg:$0x16]  }
0x360: {  	p6 =	sne.s32 s29, s31  }
.Ltmp5:
0x361: {  	_ = 	snop;
	(pc) =	sbr.rel @p6 .LBB2_1-.Ltmp5, $3  }
0x362: {  	_ =	sdelay $0x1  }
0x363: {  	[sflag:s1] =	ssyncset.done @p5 $0x0  }
0x364: {  	[sflag:s1] =	ssyncadd.s32 @p5 $0xFFFFFB10  }
0x365: {  	_ =	sfence.sel $0x180000  }
0x366: {  	[bflag:$0x0] =	sbarrier.arrive $0xFFFF  }
0x367: {  	_ =	strace $0x90000047  }
0x368: {  	[bflag:$0x2] =	sbarrier.arrive $0xFFFF  }
0x369: {  	s0 =	rddreg [dreg:$0x5]  }
0x36a: {  	s0 =	sadd.s32 @!p1 $0x100000, s0  }
0x36b: {  	[sflag:s0] =	ssyncadd.tile.s32 @!p1 $0x1;
	_ =	shalt  }
.Lfunc_end2:
_tile_overlayer_lowered:
.L_overlay_start_2:
0x36c: {  	(tag) =	ssettag $0x2  }
0x36d: {  	s0 =	rddreg [dreg:$0x0];
	s2 =	stileid.u32  }
0x36e: {  	s1 =	rddreg [dreg:$0x1];
	p0 =	sne.s32 s2, $0x0  }
0x36f: {  	s3 =	rddreg [dreg:$0x2];
	[bflag:$0x3] =	sbarrier.arrive $0xFFFF;
	s2 =	simm.s32 @!p0 $0x1C08  }
0x370: {  	[timem:s3], [sflag:s2] =	dma.local @!p0 [hbm:s0], s1  }
0x371: {  	s0 =	simm.s32 @!p0 $0x8  }
0x372: {  	_ =	swait.ge @!p0 [sflag:s0], s1  }
0x373: {  	s1 =	ssub.s32 @!p0 $0x0, s1;
	[sflag:s0] =	ssyncset.done @!p0 $0x0  }
0x374: {  	[sflag:s0] =	ssyncadd.s32 @!p0 s1  }
0x375: {  	[bflag:$0x3] =	sbarrier.arrive $0xFFFF  }
0x376: {  	_ =	shalt  }

</sc_bundles>
